<compile_context>
chip_gen: v7x
topology: tpu7x:2x2x1
jax: 0.10.2.dev20260603
libtpu: 0.0.44.dev20260713+nightly
codegen_flags: <defaults>
</compile_context>

<pallas_src>
import functools

import jax
import jax.numpy as jnp
from jax import lax
from jax.experimental import pallas as pl
from jax.experimental.pallas import tpu as pltpu
from jax.experimental.pallas import tpu_sc as plsc

B, T, D = 1024, 200, 128
NC, NS, L = 2, 16, 16
NW = NC * NS
ROWS = B * T
RPW = ROWS // NW
SUB = 128
NSUB = RPW // SUB
TP = 320


def _freqs_cis(dim, end, theta=10000.0):
    freqs = 1.0 / (theta ** (jnp.arange(0, dim, 2)[: dim // 2].astype(jnp.float32) / dim))
    t = jnp.arange(end, dtype=jnp.float32)
    f = jnp.outer(t, freqs)
    return jnp.concatenate([jnp.cos(f), jnp.sin(f)], axis=-1)


_mesh = plsc.VectorSubcoreMesh(core_axis_name="c", subcore_axis_name="s")


@functools.partial(
    pl.kernel,
    mesh=_mesh,
    out_type=jax.ShapeDtypeStruct((ROWS, D), jnp.float32),
    scratch_types=[
        pltpu.VMEM((RPW,), jnp.int32),
        pltpu.VMEM((TP, D), jnp.float32),
        pltpu.VMEM((SUB, D), jnp.float32),
        pltpu.VMEM((SUB, D), jnp.float32),
        pltpu.VMEM((SUB, D), jnp.float32),
        pltpu.SemaphoreType.DMA,
        pltpu.SemaphoreType.DMA,
        pltpu.SemaphoreType.DMA,
        pltpu.SemaphoreType.DMA,
        pltpu.SemaphoreType.DMA,
        pltpu.SemaphoreType.DMA,
    ],
)
def _sc_embed(table, idx_hbm, freqs_hbm, out, idx_v, freqs_v,
              b0, b1, b2, g0, g1, g2, s0, s1, s2):
    bufs = (b0, b1, b2)
    gsems = (g0, g1, g2)
    ssems = (s0, s1, s2)
    wid = lax.axis_index("s") * NC + lax.axis_index("c")
    base = wid * RPW
    pltpu.sync_copy(idx_hbm.at[pl.ds(base, RPW)], idx_v)

    def inc(i, c):
        idx_v[pl.ds(i * L, L)] = idx_v[pl.ds(i * L, L)] + 1
        return c

    def start_gather(j, b):
        pltpu.async_copy(table.at[idx_v.at[pl.ds(j * SUB, SUB)]], bufs[b], gsems[b])

    def wait_gather(b):
        pltpu.make_async_copy(
            table.at[idx_v.at[pl.ds(0, SUB)]], bufs[b], gsems[b]
        ).wait()

    def start_store(j, b):
        pltpu.async_copy(bufs[b], out.at[pl.ds(base + j * SUB, SUB)], ssems[b])

    def wait_store(b):
        pltpu.make_async_copy(bufs[b], out.at[pl.ds(0, SUB)], ssems[b]).wait()

    def add_freqs(j, b):
        tb = lax.rem(j * SUB, T)
        buf = bufs[b]

        @plsc.parallel_loop(0, SUB, 1, unroll=4)
        def addrow(r):
            for col in range(D // L):
                sl = pl.ds(col * L, L)
                plsc.addupdate(buf.at[r, sl], freqs_v[tb + r, sl])

    def body(j, b, bn, first):
        if not first:
            wait_store(bn)
        start_gather(j + 1, bn)
        wait_gather(b)
        add_freqs(j, b)
        start_store(j, b)

    lax.fori_loop(0, SUB // L, inc, 0, unroll=8)
    start_gather(0, 0)
    lax.fori_loop(SUB // L, RPW // L, inc, 0, unroll=8)
    pltpu.sync_copy(freqs_hbm, freqs_v)

    body(0, 0, 1, True)
    body(1, 1, 2, True)
    body(2, 2, 0, False)
    body(3, 0, 1, False)

    def triple(k, c):
        j = 4 + 3 * k
        body(j, 1, 2, False)
        body(j + 1, 2, 0, False)
        body(j + 2, 0, 1, False)
        return c

    lax.fori_loop(0, (NSUB - 5) // 3, triple, 0)

    wait_gather(1)
    add_freqs(NSUB - 1, 1)
    start_store(NSUB - 1, 1)

    wait_store(0)
    wait_store(1)
    wait_store(2)


def kernel(text, table):
    idx = text.reshape(ROWS)
    freqs = _freqs_cis(D, T)
    freqs = jnp.concatenate([freqs, freqs[: TP - T]], axis=0)
    out = _sc_embed(table, idx, freqs)
    return out.reshape(B, T, D)

# --- scband reference (transcript-rebuilt; emitter-appended) ---
"""Pipeline reference for scband-text-embedding-89824946028785 (READ-ONLY COPY).

The authoritative reference and input builder live on the scoring server;
editing this copy changes nothing except your own understanding.
"""

import jax, jax.numpy as jnp
import numpy as np


def precompute_freqs_cis(dim, end, theta=10000.0):
    freqs = 1.0 / (theta ** (jnp.arange(0, dim, 2)[: dim // 2].astype(jnp.float32) / dim))
    t = jnp.arange(end, dtype=jnp.float32)
    freqs = jnp.outer(t, freqs)
    freqs_cos = jnp.cos(freqs)
    freqs_sin = jnp.sin(freqs)
    return jnp.concatenate([freqs_cos, freqs_sin], axis=-1)


def get_pos_embed_indices(start, length, max_pos, scale=1.0):
    scale_arr = scale * jnp.ones_like(start, dtype=jnp.float32)
    pos = start[:, None] + (jnp.arange(length, dtype=jnp.float32)[None, :] * scale_arr[:, None]).astype(jnp.int32)
    pos = jnp.where(pos < max_pos, pos, max_pos - 1)
    return pos


def setup_inputs(seed: int = 0) -> dict:
    key = jax.random.key(seed)
    k1, k2 = jax.random.split(key)
    B, T = 1024, 200
    text_num_embeds = 1000000
    out_dim = 128
    text = jax.random.randint(k1, (B, T), 0, text_num_embeds, dtype=jnp.int32)
    table = jax.random.normal(k2, (text_num_embeds + 1, out_dim), dtype=jnp.float32) * 0.02
    return {"text": text, "table": table}


def reference(text, table):
    precompute_max_pos = 1024
    # text = text + 1 (shift so padding token 0 maps to row 0 after +1 of -1... faithful to torch: text + 1)
    idx = text + 1
    emb = jnp.take(table, idx, axis=0)  # (B, T, D) embedding gather
    b, t, d = emb.shape
    freqs_cis = precompute_freqs_cis(d, precompute_max_pos)
    batch_start = jnp.zeros((b,), dtype=jnp.int32)
    pos_idx = get_pos_embed_indices(batch_start, t, max_pos=precompute_max_pos)
    text_pos_embed = freqs_cis[pos_idx]  # (B, T, D)
    return emb + text_pos_embed

if __name__ == "__main__":
    import jax
    _d = setup_inputs()
    print(jax.jit(kernel)(*tuple(_d.values())))

</pallas_src>

<mosaic_0001>
#map = affine_map<(d0, d1) -> (0, 0)>
#map1 = affine_map<(d0, d1) -> (0)>
module attributes {stable_mosaic.version = 14 : i64} {
  func.func @_sc_embed(%arg0: i32, %arg1: i32, %arg2: memref<1000001x128xf32, #tpu.memory_space<hbm>>, %arg3: memref<204800xi32, #tpu.memory_space<hbm>>, %arg4: memref<320x128xf32, #tpu.memory_space<hbm>>, %arg5: memref<204800x128xf32, #tpu.memory_space<hbm>>, %arg6: memref<6400xi32, #tpu.memory_space<vmem>>, %arg7: memref<320x128xf32, #tpu.memory_space<vmem>>, %arg8: memref<128x128xf32, #tpu.memory_space<vmem>>, %arg9: memref<128x128xf32, #tpu.memory_space<vmem>>, %arg10: memref<128x128xf32, #tpu.memory_space<vmem>>, %arg11: memref<!tpu.dma_semaphore, #tpu.memory_space<semaphore_mem>>, %arg12: memref<!tpu.dma_semaphore, #tpu.memory_space<semaphore_mem>>, %arg13: memref<!tpu.dma_semaphore, #tpu.memory_space<semaphore_mem>>, %arg14: memref<!tpu.dma_semaphore, #tpu.memory_space<semaphore_mem>>, %arg15: memref<!tpu.dma_semaphore, #tpu.memory_space<semaphore_mem>>, %arg16: memref<!tpu.dma_semaphore, #tpu.memory_space<semaphore_mem>>) attributes {dimension_semantics = [#tpu.dimension_semantics<core_parallel>, #tpu.dimension_semantics<subcore_parallel>], iteration_bounds = array<i64: 2, 16>, scalar_prefetch = 0 : i64, scratch_operands = 11 : i64, tpu.core_type = #tpu.core_type<sc_vector_subcore>, window_params = [{transform_indices = #map}, {transform_indices = #map1}, {transform_indices = #map}, {transform_indices = #map}]} {
    %mul3A = arith.constant 2 : i32
    %mul3A_0 = arith.muli %arg1, %mul3A : i32
    %add3A = arith.addi %mul3A_0, %arg0 : i32
    %mul3A_1 = arith.constant 6400 : i32
    %mul3A_2 = arith.muli %add3A, %mul3A_1 : i32
    "tpu.region"() ({
      %run_scoped3A = tpu.sem_alloc : memref<!tpu.dma_semaphore, #tpu.memory_space<semaphore_mem>>
      %dma_start3A_270 = tpu.memref_slice %arg3[%mul3A_2] : memref<204800xi32, #tpu.memory_space<hbm>> -> memref<6400xi32, #tpu.memory_space<hbm>>
      %dma_start3A_271 = tpu.memref_slice %arg3[%mul3A_2] : memref<204800xi32, #tpu.memory_space<hbm>> -> memref<6400xi32, #tpu.memory_space<hbm>>
      tpu.enqueue_dma source(%dma_start3A_271 : memref<6400xi32, #tpu.memory_space<hbm>>) target(%arg6 : memref<6400xi32, #tpu.memory_space<vmem>>) target_semaphore(%run_scoped3A : memref<!tpu.dma_semaphore, #tpu.memory_space<semaphore_mem>>)
      %dma_wait3A_272 = tpu.memref_slice %arg3[%mul3A_2] : memref<204800xi32, #tpu.memory_space<hbm>> -> memref<6400xi32, #tpu.memory_space<hbm>>
      %dma_wait3A_273 = tpu.memref_slice %arg3[%mul3A_2] : memref<204800xi32, #tpu.memory_space<hbm>> -> memref<6400xi32, #tpu.memory_space<hbm>>
      tpu.wait_dma2 semaphore(%run_scoped3A : memref<!tpu.dma_semaphore, #tpu.memory_space<semaphore_mem>>) src(%dma_wait3A_273 : memref<6400xi32, #tpu.memory_space<hbm>>) dst(%arg6 : memref<6400xi32, #tpu.memory_space<vmem>>)
      tpu.yield
    }) : () -> ()
    %scan3A = arith.constant 0 : i32
    %scan3A_3 = arith.constant 0 : i32
    %mul3A_4 = arith.constant 16 : i32
    %mul3A_5 = arith.muli %scan3A_3, %mul3A_4 : i32
    %get3A = arith.index_cast %mul3A_5 : i32 to index
    %get3A_6 = tpu.vector_load %arg6[%get3A] {strides = array<i32>} : memref<6400xi32, #tpu.memory_space<vmem>>, vector<16xi32>,
    %get3A_7 = vector.shape_cast %get3A_6 : vector<16xi32> to vector<16xi32>
    %add3A_8 = arith.constant 1 : i32
    %add3A_9 = vector.broadcast %add3A_8 : i32 to vector<16xi32>
    %add3A_10 = arith.addi %get3A_7, %add3A_9 : vector<16xi32>
    %mul3A_11 = arith.constant 16 : i32
    %mul3A_12 = arith.muli %scan3A_3, %mul3A_11 : i32
    %swap3A = arith.index_cast %mul3A_12 : i32 to index
    %swap3A_13 = tpu.vector_load %arg6[%swap3A] {strides = array<i32>} : memref<6400xi32, #tpu.memory_space<vmem>>, vector<16xi32>,
    %swap3A_14 = vector.shape_cast %swap3A_13 : vector<16xi32> to vector<16xi32>
    %swap3A_15 = vector.shape_cast %add3A_10 : vector<16xi32> to vector<16xi32>
    tpu.vector_store %arg6[%swap3A], %swap3A_15 {strides = array<i32>} : memref<6400xi32, #tpu.memory_space<vmem>>, vector<16xi32>,
    %scan3A_16 = arith.constant 1 : i32
    %mul3A_17 = arith.constant 16 : i32
    %mul3A_18 = arith.muli %scan3A_16, %mul3A_17 : i32
    %get3A_19 = arith.index_cast %mul3A_18 : i32 to index
    %get3A_20 = tpu.vector_load %arg6[%get3A_19] {strides = array<i32>} : memref<6400xi32, #tpu.memory_space<vmem>>, vector<16xi32>,
    %get3A_21 = vector.shape_cast %get3A_20 : vector<16xi32> to vector<16xi32>
    %add3A_22 = arith.constant 1 : i32
    %add3A_23 = vector.broadcast %add3A_22 : i32 to vector<16xi32>
    %add3A_24 = arith.addi %get3A_21, %add3A_23 : vector<16xi32>
    %mul3A_25 = arith.constant 16 : i32
    %mul3A_26 = arith.muli %scan3A_16, %mul3A_25 : i32
    %swap3A_27 = arith.index_cast %mul3A_26 : i32 to index
    %swap3A_28 = tpu.vector_load %arg6[%swap3A_27] {strides = array<i32>} : memref<6400xi32, #tpu.memory_space<vmem>>, vector<16xi32>,
    %swap3A_29 = vector.shape_cast %swap3A_28 : vector<16xi32> to vector<16xi32>
    %swap3A_30 = vector.shape_cast %add3A_24 : vector<16xi32> to vector<16xi32>
    tpu.vector_store %arg6[%swap3A_27], %swap3A_30 {strides = array<i32>} : memref<6400xi32, #tpu.memory_space<vmem>>, vector<16xi32>,
    %scan3A_31 = arith.constant 2 : i32
    %mul3A_32 = arith.constant 16 : i32
    %mul3A_33 = arith.muli %scan3A_31, %mul3A_32 : i32
    %get3A_34 = arith.index_cast %mul3A_33 : i32 to index
    %get3A_35 = tpu.vector_load %arg6[%get3A_34] {strides = array<i32>} : memref<6400xi32, #tpu.memory_space<vmem>>, vector<16xi32>,
    %get3A_36 = vector.shape_cast %get3A_35 : vector<16xi32> to vector<16xi32>
    %add3A_37 = arith.constant 1 : i32
    %add3A_38 = vector.broadcast %add3A_37 : i32 to vector<16xi32>
    %add3A_39 = arith.addi %get3A_36, %add3A_38 : vector<16xi32>
    %mul3A_40 = arith.constant 16 : i32
    %mul3A_41 = arith.muli %scan3A_31, %mul3A_40 : i32
    %swap3A_42 = arith.index_cast %mul3A_41 : i32 to index
    %swap3A_43 = tpu.vector_load %arg6[%swap3A_42] {strides = array<i32>} : memref<6400xi32, #tpu.memory_space<vmem>>, vector<16xi32>,
    %swap3A_44 = vector.shape_cast %swap3A_43 : vector<16xi32> to vector<16xi32>
    %swap3A_45 = vector.shape_cast %add3A_39 : vector<16xi32> to vector<16xi32>
    tpu.vector_store %arg6[%swap3A_42], %swap3A_45 {strides = array<i32>} : memref<6400xi32, #tpu.memory_space<vmem>>, vector<16xi32>,
    %scan3A_46 = arith.constant 3 : i32
    %mul3A_47 = arith.constant 16 : i32
    %mul3A_48 = arith.muli %scan3A_46, %mul3A_47 : i32
    %get3A_49 = arith.index_cast %mul3A_48 : i32 to index
    %get3A_50 = tpu.vector_load %arg6[%get3A_49] {strides = array<i32>} : memref<6400xi32, #tpu.memory_space<vmem>>, vector<16xi32>,
    %get3A_51 = vector.shape_cast %get3A_50 : vector<16xi32> to vector<16xi32>
    %add3A_52 = arith.constant 1 : i32
    %add3A_53 = vector.broadcast %add3A_52 : i32 to vector<16xi32>
    %add3A_54 = arith.addi %get3A_51, %add3A_53 : vector<16xi32>
    %mul3A_55 = arith.constant 16 : i32
    %mul3A_56 = arith.muli %scan3A_46, %mul3A_55 : i32
    %swap3A_57 = arith.index_cast %mul3A_56 : i32 to index
    %swap3A_58 = tpu.vector_load %arg6[%swap3A_57] {strides = array<i32>} : memref<6400xi32, #tpu.memory_space<vmem>>, vector<16xi32>,
    %swap3A_59 = vector.shape_cast %swap3A_58 : vector<16xi32> to vector<16xi32>
    %swap3A_60 = vector.shape_cast %add3A_54 : vector<16xi32> to vector<16xi32>
    tpu.vector_store %arg6[%swap3A_57], %swap3A_60 {strides = array<i32>} : memref<6400xi32, #tpu.memory_space<vmem>>, vector<16xi32>,
    %scan3A_61 = arith.constant 4 : i32
    %mul3A_62 = arith.constant 16 : i32
    %mul3A_63 = arith.muli %scan3A_61, %mul3A_62 : i32
    %get3A_64 = arith.index_cast %mul3A_63 : i32 to index
    %get3A_65 = tpu.vector_load %arg6[%get3A_64] {strides = array<i32>} : memref<6400xi32, #tpu.memory_space<vmem>>, vector<16xi32>,
    %get3A_66 = vector.shape_cast %get3A_65 : vector<16xi32> to vector<16xi32>
    %add3A_67 = arith.constant 1 : i32
    %add3A_68 = vector.broadcast %add3A_67 : i32 to vector<16xi32>
    %add3A_69 = arith.addi %get3A_66, %add3A_68 : vector<16xi32>
    %mul3A_70 = arith.constant 16 : i32
    %mul3A_71 = arith.muli %scan3A_61, %mul3A_70 : i32
    %swap3A_72 = arith.index_cast %mul3A_71 : i32 to index
    %swap3A_73 = tpu.vector_load %arg6[%swap3A_72] {strides = array<i32>} : memref<6400xi32, #tpu.memory_space<vmem>>, vector<16xi32>,
    %swap3A_74 = vector.shape_cast %swap3A_73 : vector<16xi32> to vector<16xi32>
    %swap3A_75 = vector.shape_cast %add3A_69 : vector<16xi32> to vector<16xi32>
    tpu.vector_store %arg6[%swap3A_72], %swap3A_75 {strides = array<i32>} : memref<6400xi32, #tpu.memory_space<vmem>>, vector<16xi32>,
    %scan3A_76 = arith.constant 5 : i32
    %mul3A_77 = arith.constant 16 : i32
    %mul3A_78 = arith.muli %scan3A_76, %mul3A_77 : i32
    %get3A_79 = arith.index_cast %mul3A_78 : i32 to index
    %get3A_80 = tpu.vector_load %arg6[%get3A_79] {strides = array<i32>} : memref<6400xi32, #tpu.memory_space<vmem>>, vector<16xi32>,
    %get3A_81 = vector.shape_cast %get3A_80 : vector<16xi32> to vector<16xi32>
    %add3A_82 = arith.constant 1 : i32
    %add3A_83 = vector.broadcast %add3A_82 : i32 to vector<16xi32>
    %add3A_84 = arith.addi %get3A_81, %add3A_83 : vector<16xi32>
    %mul3A_85 = arith.constant 16 : i32
    %mul3A_86 = arith.muli %scan3A_76, %mul3A_85 : i32
    %swap3A_87 = arith.index_cast %mul3A_86 : i32 to index
    %swap3A_88 = tpu.vector_load %arg6[%swap3A_87] {strides = array<i32>} : memref<6400xi32, #tpu.memory_space<vmem>>, vector<16xi32>,
    %swap3A_89 = vector.shape_cast %swap3A_88 : vector<16xi32> to vector<16xi32>
    %swap3A_90 = vector.shape_cast %add3A_84 : vector<16xi32> to vector<16xi32>
    tpu.vector_store %arg6[%swap3A_87], %swap3A_90 {strides = array<i32>} : memref<6400xi32, #tpu.memory_space<vmem>>, vector<16xi32>,
    %scan3A_91 = arith.constant 6 : i32
    %mul3A_92 = arith.constant 16 : i32
    %mul3A_93 = arith.muli %scan3A_91, %mul3A_92 : i32
    %get3A_94 = arith.index_cast %mul3A_93 : i32 to index
    %get3A_95 = tpu.vector_load %arg6[%get3A_94] {strides = array<i32>} : memref<6400xi32, #tpu.memory_space<vmem>>, vector<16xi32>,
    %get3A_96 = vector.shape_cast %get3A_95 : vector<16xi32> to vector<16xi32>
    %add3A_97 = arith.constant 1 : i32
    %add3A_98 = vector.broadcast %add3A_97 : i32 to vector<16xi32>
    %add3A_99 = arith.addi %get3A_96, %add3A_98 : vector<16xi32>
    %mul3A_100 = arith.constant 16 : i32
    %mul3A_101 = arith.muli %scan3A_91, %mul3A_100 : i32
    %swap3A_102 = arith.index_cast %mul3A_101 : i32 to index
    %swap3A_103 = tpu.vector_load %arg6[%swap3A_102] {strides = array<i32>} : memref<6400xi32, #tpu.memory_space<vmem>>, vector<16xi32>,
    %swap3A_104 = vector.shape_cast %swap3A_103 : vector<16xi32> to vector<16xi32>
    %swap3A_105 = vector.shape_cast %add3A_99 : vector<16xi32> to vector<16xi32>
    tpu.vector_store %arg6[%swap3A_102], %swap3A_105 {strides = array<i32>} : memref<6400xi32, #tpu.memory_space<vmem>>, vector<16xi32>,
    %scan3A_106 = arith.constant 7 : i32
    %mul3A_107 = arith.constant 16 : i32
    %mul3A_108 = arith.muli %scan3A_106, %mul3A_107 : i32
    %get3A_109 = arith.index_cast %mul3A_108 : i32 to index
    %get3A_110 = tpu.vector_load %arg6[%get3A_109] {strides = array<i32>} : memref<6400xi32, #tpu.memory_space<vmem>>, vector<16xi32>,
    %get3A_111 = vector.shape_cast %get3A_110 : vector<16xi32> to vector<16xi32>
    %add3A_112 = arith.constant 1 : i32
    %add3A_113 = vector.broadcast %add3A_112 : i32 to vector<16xi32>
    %add3A_114 = arith.addi %get3A_111, %add3A_113 : vector<16xi32>
    %mul3A_115 = arith.constant 16 : i32
    %mul3A_116 = arith.muli %scan3A_106, %mul3A_115 : i32
    %swap3A_117 = arith.index_cast %mul3A_116 : i32 to index
    %swap3A_118 = tpu.vector_load %arg6[%swap3A_117] {strides = array<i32>} : memref<6400xi32, #tpu.memory_space<vmem>>, vector<16xi32>,
    %swap3A_119 = vector.shape_cast %swap3A_118 : vector<16xi32> to vector<16xi32>
    %swap3A_120 = vector.shape_cast %add3A_114 : vector<16xi32> to vector<16xi32>
    tpu.vector_store %arg6[%swap3A_117], %swap3A_120 {strides = array<i32>} : memref<6400xi32, #tpu.memory_space<vmem>>, vector<16xi32>,
    %scan3A_121 = arith.constant 8 : i32
    %dma_start3A = arith.constant 0 : i32
    %dma_start3A_122 = tpu.memref_slice %arg6[%dma_start3A] : memref<6400xi32, #tpu.memory_space<vmem>> -> memref<128xi32, #tpu.memory_space<vmem>>
    %dma_start3A_123 = arith.constant 0 : i32
    %dma_start3A_124 = arith.constant 0 : i32
    %dma_start3A_125 = tpu.memref_slice %arg2[%dma_start3A_123, %dma_start3A_124] : memref<1000001x128xf32, #tpu.memory_space<hbm>> -> memref<1000001x128xf32, #tpu.memory_space<hbm>>
    tpu.enqueue_indirect_dma source(%dma_start3A_125 : memref<1000001x128xf32, #tpu.memory_space<hbm>>) target(%arg8 : memref<128x128xf32, #tpu.memory_space<vmem>>) offsets(%dma_start3A_122 : memref<128xi32, #tpu.memory_space<vmem>>) semaphore(%arg11 : memref<!tpu.dma_semaphore, #tpu.memory_space<semaphore_mem>>)
    %scan3A_126 = arith.constant 0 : i32
    %scan3A_127 = arith.constant 8 : i32
    %scan3A_128 = arith.constant 392 : i32
    %scan3A_129 = arith.addi %scan3A_127, %scan3A_128 : i32
    %scan3A_130 = arith.constant 8 : i32
    scf.for %scan3A_270 = %scan3A_127 to %scan3A_129 step %scan3A_130  : i32 {
      %mul3A_271 = arith.constant 16 : i32
      %mul3A_272 = arith.muli %scan3A_270, %mul3A_271 : i32
      %get3A_273 = arith.index_cast %mul3A_272 : i32 to index
      %get3A_274 = tpu.vector_load %arg6[%get3A_273] {strides = array<i32>} : memref<6400xi32, #tpu.memory_space<vmem>>, vector<16xi32>,
      %get3A_275 = vector.shape_cast %get3A_274 : vector<16xi32> to vector<16xi32>
      %add3A_276 = arith.constant 1 : i32
      %add3A_277 = vector.broadcast %add3A_276 : i32 to vector<16xi32>
      %add3A_278 = arith.addi %get3A_275, %add3A_277 : vector<16xi32>
      %mul3A_279 = arith.constant 16 : i32
      %mul3A_280 = arith.muli %scan3A_270, %mul3A_279 : i32
      %swap3A_281 = arith.index_cast %mul3A_280 : i32 to index
      %swap3A_282 = tpu.vector_load %arg6[%swap3A_281] {strides = array<i32>} : memref<6400xi32, #tpu.memory_space<vmem>>, vector<16xi32>,
      %swap3A_283 = vector.shape_cast %swap3A_282 : vector<16xi32> to vector<16xi32>
      %swap3A_284 = vector.shape_cast %add3A_278 : vector<16xi32> to vector<16xi32>
      tpu.vector_store %arg6[%swap3A_281], %swap3A_284 {strides = array<i32>} : memref<6400xi32, #tpu.memory_space<vmem>>, vector<16xi32>,
      %scan3A_285 = arith.constant 1 : i32
      %scan3A_286 = arith.addi %scan3A_270, %scan3A_285 : i32
      %mul3A_287 = arith.constant 16 : i32
      %mul3A_288 = arith.muli %scan3A_286, %mul3A_287 : i32
      %get3A_289 = arith.index_cast %mul3A_288 : i32 to index
      %get3A_290 = tpu.vector_load %arg6[%get3A_289] {strides = array<i32>} : memref<6400xi32, #tpu.memory_space<vmem>>, vector<16xi32>,
      %get3A_291 = vector.shape_cast %get3A_290 : vector<16xi32> to vector<16xi32>
      %add3A_292 = arith.constant 1 : i32
      %add3A_293 = vector.broadcast %add3A_292 : i32 to vector<16xi32>
      %add3A_294 = arith.addi %get3A_291, %add3A_293 : vector<16xi32>
      %mul3A_295 = arith.constant 16 : i32
      %mul3A_296 = arith.muli %scan3A_286, %mul3A_295 : i32
      %swap3A_297 = arith.index_cast %mul3A_296 : i32 to index
      %swap3A_298 = tpu.vector_load %arg6[%swap3A_297] {strides = array<i32>} : memref<6400xi32, #tpu.memory_space<vmem>>, vector<16xi32>,
      %swap3A_299 = vector.shape_cast %swap3A_298 : vector<16xi32> to vector<16xi32>
      %swap3A_300 = vector.shape_cast %add3A_294 : vector<16xi32> to vector<16xi32>
      tpu.vector_store %arg6[%swap3A_297], %swap3A_300 {strides = array<i32>} : memref<6400xi32, #tpu.memory_space<vmem>>, vector<16xi32>,
      %scan3A_301 = arith.constant 2 : i32
      %scan3A_302 = arith.addi %scan3A_270, %scan3A_301 : i32
      %mul3A_303 = arith.constant 16 : i32
      %mul3A_304 = arith.muli %scan3A_302, %mul3A_303 : i32
      %get3A_305 = arith.index_cast %mul3A_304 : i32 to index
      %get3A_306 = tpu.vector_load %arg6[%get3A_305] {strides = array<i32>} : memref<6400xi32, #tpu.memory_space<vmem>>, vector<16xi32>,
      %get3A_307 = vector.shape_cast %get3A_306 : vector<16xi32> to vector<16xi32>
      %add3A_308 = arith.constant 1 : i32
      %add3A_309 = vector.broadcast %add3A_308 : i32 to vector<16xi32>
      %add3A_310 = arith.addi %get3A_307, %add3A_309 : vector<16xi32>
      %mul3A_311 = arith.constant 16 : i32
      %mul3A_312 = arith.muli %scan3A_302, %mul3A_311 : i32
      %swap3A_313 = arith.index_cast %mul3A_312 : i32 to index
      %swap3A_314 = tpu.vector_load %arg6[%swap3A_313] {strides = array<i32>} : memref<6400xi32, #tpu.memory_space<vmem>>, vector<16xi32>,
      %swap3A_315 = vector.shape_cast %swap3A_314 : vector<16xi32> to vector<16xi32>
      %swap3A_316 = vector.shape_cast %add3A_310 : vector<16xi32> to vector<16xi32>
      tpu.vector_store %arg6[%swap3A_313], %swap3A_316 {strides = array<i32>} : memref<6400xi32, #tpu.memory_space<vmem>>, vector<16xi32>,
      %scan3A_317 = arith.constant 3 : i32
      %scan3A_318 = arith.addi %scan3A_270, %scan3A_317 : i32
      %mul3A_319 = arith.constant 16 : i32
      %mul3A_320 = arith.muli %scan3A_318, %mul3A_319 : i32
      %get3A_321 = arith.index_cast %mul3A_320 : i32 to index
      %get3A_322 = tpu.vector_load %arg6[%get3A_321] {strides = array<i32>} : memref<6400xi32, #tpu.memory_space<vmem>>, vector<16xi32>,
      %get3A_323 = vector.shape_cast %get3A_322 : vector<16xi32> to vector<16xi32>
      %add3A_324 = arith.constant 1 : i32
      %add3A_325 = vector.broadcast %add3A_324 : i32 to vector<16xi32>
      %add3A_326 = arith.addi %get3A_323, %add3A_325 : vector<16xi32>
      %mul3A_327 = arith.constant 16 : i32
      %mul3A_328 = arith.muli %scan3A_318, %mul3A_327 : i32
      %swap3A_329 = arith.index_cast %mul3A_328 : i32 to index
      %swap3A_330 = tpu.vector_load %arg6[%swap3A_329] {strides = array<i32>} : memref<6400xi32, #tpu.memory_space<vmem>>, vector<16xi32>,
      %swap3A_331 = vector.shape_cast %swap3A_330 : vector<16xi32> to vector<16xi32>
      %swap3A_332 = vector.shape_cast %add3A_326 : vector<16xi32> to vector<16xi32>
      tpu.vector_store %arg6[%swap3A_329], %swap3A_332 {strides = array<i32>} : memref<6400xi32, #tpu.memory_space<vmem>>, vector<16xi32>,
      %scan3A_333 = arith.constant 4 : i32
      %scan3A_334 = arith.addi %scan3A_270, %scan3A_333 : i32
      %mul3A_335 = arith.constant 16 : i32
      %mul3A_336 = arith.muli %scan3A_334, %mul3A_335 : i32
      %get3A_337 = arith.index_cast %mul3A_336 : i32 to index
      %get3A_338 = tpu.vector_load %arg6[%get3A_337] {strides = array<i32>} : memref<6400xi32, #tpu.memory_space<vmem>>, vector<16xi32>,
      %get3A_339 = vector.shape_cast %get3A_338 : vector<16xi32> to vector<16xi32>
      %add3A_340 = arith.constant 1 : i32
      %add3A_341 = vector.broadcast %add3A_340 : i32 to vector<16xi32>
      %add3A_342 = arith.addi %get3A_339, %add3A_341 : vector<16xi32>
      %mul3A_343 = arith.constant 16 : i32
      %mul3A_344 = arith.muli %scan3A_334, %mul3A_343 : i32
      %swap3A_345 = arith.index_cast %mul3A_344 : i32 to index
      %swap3A_346 = tpu.vector_load %arg6[%swap3A_345] {strides = array<i32>} : memref<6400xi32, #tpu.memory_space<vmem>>, vector<16xi32>,
      %swap3A_347 = vector.shape_cast %swap3A_346 : vector<16xi32> to vector<16xi32>
      %swap3A_348 = vector.shape_cast %add3A_342 : vector<16xi32> to vector<16xi32>
      tpu.vector_store %arg6[%swap3A_345], %swap3A_348 {strides = array<i32>} : memref<6400xi32, #tpu.memory_space<vmem>>, vector<16xi32>,
      %scan3A_349 = arith.constant 5 : i32
      %scan3A_350 = arith.addi %scan3A_270, %scan3A_349 : i32
      %mul3A_351 = arith.constant 16 : i32
      %mul3A_352 = arith.muli %scan3A_350, %mul3A_351 : i32
      %get3A_353 = arith.index_cast %mul3A_352 : i32 to index
      %get3A_354 = tpu.vector_load %arg6[%get3A_353] {strides = array<i32>} : memref<6400xi32, #tpu.memory_space<vmem>>, vector<16xi32>,
      %get3A_355 = vector.shape_cast %get3A_354 : vector<16xi32> to vector<16xi32>
      %add3A_356 = arith.constant 1 : i32
      %add3A_357 = vector.broadcast %add3A_356 : i32 to vector<16xi32>
      %add3A_358 = arith.addi %get3A_355, %add3A_357 : vector<16xi32>
      %mul3A_359 = arith.constant 16 : i32
      %mul3A_360 = arith.muli %scan3A_350, %mul3A_359 : i32
      %swap3A_361 = arith.index_cast %mul3A_360 : i32 to index
      %swap3A_362 = tpu.vector_load %arg6[%swap3A_361] {strides = array<i32>} : memref<6400xi32, #tpu.memory_space<vmem>>, vector<16xi32>,
      %swap3A_363 = vector.shape_cast %swap3A_362 : vector<16xi32> to vector<16xi32>
      %swap3A_364 = vector.shape_cast %add3A_358 : vector<16xi32> to vector<16xi32>
      tpu.vector_store %arg6[%swap3A_361], %swap3A_364 {strides = array<i32>} : memref<6400xi32, #tpu.memory_space<vmem>>, vector<16xi32>,
      %scan3A_365 = arith.constant 6 : i32
      %scan3A_366 = arith.addi %scan3A_270, %scan3A_365 : i32
      %mul3A_367 = arith.constant 16 : i32
      %mul3A_368 = arith.muli %scan3A_366, %mul3A_367 : i32
      %get3A_369 = arith.index_cast %mul3A_368 : i32 to index
      %get3A_370 = tpu.vector_load %arg6[%get3A_369] {strides = array<i32>} : memref<6400xi32, #tpu.memory_space<vmem>>, vector<16xi32>,
      %get3A_371 = vector.shape_cast %get3A_370 : vector<16xi32> to vector<16xi32>
      %add3A_372 = arith.constant 1 : i32
      %add3A_373 = vector.broadcast %add3A_372 : i32 to vector<16xi32>
      %add3A_374 = arith.addi %get3A_371, %add3A_373 : vector<16xi32>
      %mul3A_375 = arith.constant 16 : i32
      %mul3A_376 = arith.muli %scan3A_366, %mul3A_375 : i32
      %swap3A_377 = arith.index_cast %mul3A_376 : i32 to index
      %swap3A_378 = tpu.vector_load %arg6[%swap3A_377] {strides = array<i32>} : memref<6400xi32, #tpu.memory_space<vmem>>, vector<16xi32>,
      %swap3A_379 = vector.shape_cast %swap3A_378 : vector<16xi32> to vector<16xi32>
      %swap3A_380 = vector.shape_cast %add3A_374 : vector<16xi32> to vector<16xi32>
      tpu.vector_store %arg6[%swap3A_377], %swap3A_380 {strides = array<i32>} : memref<6400xi32, #tpu.memory_space<vmem>>, vector<16xi32>,
      %scan3A_381 = arith.constant 7 : i32
      %scan3A_382 = arith.addi %scan3A_270, %scan3A_381 : i32
      %mul3A_383 = arith.constant 16 : i32
      %mul3A_384 = arith.muli %scan3A_382, %mul3A_383 : i32
      %get3A_385 = arith.index_cast %mul3A_384 : i32 to index
      %get3A_386 = tpu.vector_load %arg6[%get3A_385] {strides = array<i32>} : memref<6400xi32, #tpu.memory_space<vmem>>, vector<16xi32>,
      %get3A_387 = vector.shape_cast %get3A_386 : vector<16xi32> to vector<16xi32>
      %add3A_388 = arith.constant 1 : i32
      %add3A_389 = vector.broadcast %add3A_388 : i32 to vector<16xi32>
      %add3A_390 = arith.addi %get3A_387, %add3A_389 : vector<16xi32>
      %mul3A_391 = arith.constant 16 : i32
      %mul3A_392 = arith.muli %scan3A_382, %mul3A_391 : i32
      %swap3A_393 = arith.index_cast %mul3A_392 : i32 to index
      %swap3A_394 = tpu.vector_load %arg6[%swap3A_393] {strides = array<i32>} : memref<6400xi32, #tpu.memory_space<vmem>>, vector<16xi32>,
      %swap3A_395 = vector.shape_cast %swap3A_394 : vector<16xi32> to vector<16xi32>
      %swap3A_396 = vector.shape_cast %add3A_390 : vector<16xi32> to vector<16xi32>
      tpu.vector_store %arg6[%swap3A_393], %swap3A_396 {strides = array<i32>} : memref<6400xi32, #tpu.memory_space<vmem>>, vector<16xi32>,
    }
    %scan3A_131 = arith.constant 392 : i32
    "tpu.region"() ({
      %run_scoped3A = tpu.sem_alloc : memref<!tpu.dma_semaphore, #tpu.memory_space<semaphore_mem>>
      tpu.enqueue_dma source(%arg4 : memref<320x128xf32, #tpu.memory_space<hbm>>) target(%arg7 : memref<320x128xf32, #tpu.memory_space<vmem>>) target_semaphore(%run_scoped3A : memref<!tpu.dma_semaphore, #tpu.memory_space<semaphore_mem>>)
      tpu.wait_dma2 semaphore(%run_scoped3A : memref<!tpu.dma_semaphore, #tpu.memory_space<semaphore_mem>>) src(%arg4 : memref<320x128xf32, #tpu.memory_space<hbm>>) dst(%arg7 : memref<320x128xf32, #tpu.memory_space<vmem>>)
      tpu.yield
    }) : () -> ()
    %dma_start3A_132 = arith.constant 128 : i32
    %dma_start3A_133 = tpu.memref_slice %arg6[%dma_start3A_132] : memref<6400xi32, #tpu.memory_space<vmem>> -> memref<128xi32, #tpu.memory_space<vmem>>
    %dma_start3A_134 = arith.constant 0 : i32
    %dma_start3A_135 = arith.constant 0 : i32
    %dma_start3A_136 = tpu.memref_slice %arg2[%dma_start3A_134, %dma_start3A_135] : memref<1000001x128xf32, #tpu.memory_space<hbm>> -> memref<1000001x128xf32, #tpu.memory_space<hbm>>
    tpu.enqueue_indirect_dma source(%dma_start3A_136 : memref<1000001x128xf32, #tpu.memory_space<hbm>>) target(%arg9 : memref<128x128xf32, #tpu.memory_space<vmem>>) offsets(%dma_start3A_133 : memref<128xi32, #tpu.memory_space<vmem>>) semaphore(%arg12 : memref<!tpu.dma_semaphore, #tpu.memory_space<semaphore_mem>>)
    %dma_wait3A = arith.constant 0 : i32
    %dma_wait3A_137 = tpu.memref_slice %arg6[%dma_wait3A] : memref<6400xi32, #tpu.memory_space<vmem>> -> memref<128xi32, #tpu.memory_space<vmem>>
    %dma_wait3A_138 = arith.constant 0 : i32
    %dma_wait3A_139 = arith.constant 0 : i32
    %dma_wait3A_140 = tpu.memref_slice %arg2[%dma_wait3A_138, %dma_wait3A_139] : memref<1000001x128xf32, #tpu.memory_space<hbm>> -> memref<1000001x128xf32, #tpu.memory_space<hbm>>
    tpu.wait_indirect_dma semaphore(%arg11 : memref<!tpu.dma_semaphore, #tpu.memory_space<semaphore_mem>>) src(%dma_wait3A_140 : memref<1000001x128xf32, #tpu.memory_space<hbm>>) dst(%arg8 : memref<128x128xf32, #tpu.memory_space<vmem>>)
    %rem3A = arith.constant 0 : i32
    %rem3A_141 = arith.constant 200 : i32
    %rem3A_142 = arith.remsi %rem3A, %rem3A_141 : i32
    %parallel_loop3A = arith.constant 0 : i32
    %parallel_loop3A_143 = arith.constant 128 : i32
    %parallel_loop3A_144 = arith.constant 1 : i32
    scf.for %parallel_loop3A_270 = %parallel_loop3A to %parallel_loop3A_143 step %parallel_loop3A_144  : i32 {
      %parallel_loop3A_271 = arith.addi %rem3A_142, %parallel_loop3A_270 : i32
      %parallel_loop3A_272 = arith.index_cast %parallel_loop3A_271 : i32 to index
      %parallel_loop3A_273 = arith.constant 0 : index
      %parallel_loop3A_274 = tpu.vector_load %arg7[%parallel_loop3A_272, %parallel_loop3A_273] {strides = array<i32>} : memref<320x128xf32, #tpu.memory_space<vmem>>, vector<1x16xf32>,
      %parallel_loop3A_275 = vector.shape_cast %parallel_loop3A_274 : vector<1x16xf32> to vector<16xf32>
      %parallel_loop3A_276 = arith.index_cast %parallel_loop3A_270 : i32 to index
      %parallel_loop3A_277 = arith.constant 0 : index
      %parallel_loop3A_278 = tpu.vector_load %arg8[%parallel_loop3A_276, %parallel_loop3A_277] {strides = array<i32>} : memref<128x128xf32, #tpu.memory_space<vmem>>, vector<1x16xf32>,
      %parallel_loop3A_279 = vector.shape_cast %parallel_loop3A_278 : vector<1x16xf32> to vector<16xf32>
      %parallel_loop3A_280 = vector.shape_cast %parallel_loop3A_275 : vector<16xf32> to vector<1x16xf32>
      tpu.vector_store %arg8[%parallel_loop3A_276, %parallel_loop3A_277], %parallel_loop3A_280 {add = true, strides = array<i32>} : memref<128x128xf32, #tpu.memory_space<vmem>>, vector<1x16xf32>,
      %parallel_loop3A_281 = arith.addi %rem3A_142, %parallel_loop3A_270 : i32
      %parallel_loop3A_282 = arith.index_cast %parallel_loop3A_281 : i32 to index
      %parallel_loop3A_283 = arith.constant 16 : index
      %parallel_loop3A_284 = tpu.vector_load %arg7[%parallel_loop3A_282, %parallel_loop3A_283] {strides = array<i32>} : memref<320x128xf32, #tpu.memory_space<vmem>>, vector<1x16xf32>,
      %parallel_loop3A_285 = vector.shape_cast %parallel_loop3A_284 : vector<1x16xf32> to vector<16xf32>
      %parallel_loop3A_286 = arith.index_cast %parallel_loop3A_270 : i32 to index
      %parallel_loop3A_287 = arith.constant 16 : index
      %parallel_loop3A_288 = tpu.vector_load %arg8[%parallel_loop3A_286, %parallel_loop3A_287] {strides = array<i32>} : memref<128x128xf32, #tpu.memory_space<vmem>>, vector<1x16xf32>,
      %parallel_loop3A_289 = vector.shape_cast %parallel_loop3A_288 : vector<1x16xf32> to vector<16xf32>
      %parallel_loop3A_290 = vector.shape_cast %parallel_loop3A_285 : vector<16xf32> to vector<1x16xf32>
      tpu.vector_store %arg8[%parallel_loop3A_286, %parallel_loop3A_287], %parallel_loop3A_290 {add = true, strides = array<i32>} : memref<128x128xf32, #tpu.memory_space<vmem>>, vector<1x16xf32>,
      %parallel_loop3A_291 = arith.addi %rem3A_142, %parallel_loop3A_270 : i32
      %parallel_loop3A_292 = arith.index_cast %parallel_loop3A_291 : i32 to index
      %parallel_loop3A_293 = arith.constant 32 : index
      %parallel_loop3A_294 = tpu.vector_load %arg7[%parallel_loop3A_292, %parallel_loop3A_293] {strides = array<i32>} : memref<320x128xf32, #tpu.memory_space<vmem>>, vector<1x16xf32>,
      %parallel_loop3A_295 = vector.shape_cast %parallel_loop3A_294 : vector<1x16xf32> to vector<16xf32>
      %parallel_loop3A_296 = arith.index_cast %parallel_loop3A_270 : i32 to index
      %parallel_loop3A_297 = arith.constant 32 : index
      %parallel_loop3A_298 = tpu.vector_load %arg8[%parallel_loop3A_296, %parallel_loop3A_297] {strides = array<i32>} : memref<128x128xf32, #tpu.memory_space<vmem>>, vector<1x16xf32>,
      %parallel_loop3A_299 = vector.shape_cast %parallel_loop3A_298 : vector<1x16xf32> to vector<16xf32>
      %parallel_loop3A_300 = vector.shape_cast %parallel_loop3A_295 : vector<16xf32> to vector<1x16xf32>
      tpu.vector_store %arg8[%parallel_loop3A_296, %parallel_loop3A_297], %parallel_loop3A_300 {add = true, strides = array<i32>} : memref<128x128xf32, #tpu.memory_space<vmem>>, vector<1x16xf32>,
      %parallel_loop3A_301 = arith.addi %rem3A_142, %parallel_loop3A_270 : i32
      %parallel_loop3A_302 = arith.index_cast %parallel_loop3A_301 : i32 to index
      %parallel_loop3A_303 = arith.constant 48 : index
      %parallel_loop3A_304 = tpu.vector_load %arg7[%parallel_loop3A_302, %parallel_loop3A_303] {strides = array<i32>} : memref<320x128xf32, #tpu.memory_space<vmem>>, vector<1x16xf32>,
      %parallel_loop3A_305 = vector.shape_cast %parallel_loop3A_304 : vector<1x16xf32> to vector<16xf32>
      %parallel_loop3A_306 = arith.index_cast %parallel_loop3A_270 : i32 to index
      %parallel_loop3A_307 = arith.constant 48 : index
      %parallel_loop3A_308 = tpu.vector_load %arg8[%parallel_loop3A_306, %parallel_loop3A_307] {strides = array<i32>} : memref<128x128xf32, #tpu.memory_space<vmem>>, vector<1x16xf32>,
      %parallel_loop3A_309 = vector.shape_cast %parallel_loop3A_308 : vector<1x16xf32> to vector<16xf32>
      %parallel_loop3A_310 = vector.shape_cast %parallel_loop3A_305 : vector<16xf32> to vector<1x16xf32>
      tpu.vector_store %arg8[%parallel_loop3A_306, %parallel_loop3A_307], %parallel_loop3A_310 {add = true, strides = array<i32>} : memref<128x128xf32, #tpu.memory_space<vmem>>, vector<1x16xf32>,
      %parallel_loop3A_311 = arith.addi %rem3A_142, %parallel_loop3A_270 : i32
      %parallel_loop3A_312 = arith.index_cast %parallel_loop3A_311 : i32 to index
      %parallel_loop3A_313 = arith.constant 64 : index
      %parallel_loop3A_314 = tpu.vector_load %arg7[%parallel_loop3A_312, %parallel_loop3A_313] {strides = array<i32>} : memref<320x128xf32, #tpu.memory_space<vmem>>, vector<1x16xf32>,
      %parallel_loop3A_315 = vector.shape_cast %parallel_loop3A_314 : vector<1x16xf32> to vector<16xf32>
      %parallel_loop3A_316 = arith.index_cast %parallel_loop3A_270 : i32 to index
      %parallel_loop3A_317 = arith.constant 64 : index
      %parallel_loop3A_318 = tpu.vector_load %arg8[%parallel_loop3A_316, %parallel_loop3A_317] {strides = array<i32>} : memref<128x128xf32, #tpu.memory_space<vmem>>, vector<1x16xf32>,
      %parallel_loop3A_319 = vector.shape_cast %parallel_loop3A_318 : vector<1x16xf32> to vector<16xf32>
      %parallel_loop3A_320 = vector.shape_cast %parallel_loop3A_315 : vector<16xf32> to vector<1x16xf32>
      tpu.vector_store %arg8[%parallel_loop3A_316, %parallel_loop3A_317], %parallel_loop3A_320 {add = true, strides = array<i32>} : memref<128x128xf32, #tpu.memory_space<vmem>>, vector<1x16xf32>,
      %parallel_loop3A_321 = arith.addi %rem3A_142, %parallel_loop3A_270 : i32
      %parallel_loop3A_322 = arith.index_cast %parallel_loop3A_321 : i32 to index
      %parallel_loop3A_323 = arith.constant 80 : index
      %parallel_loop3A_324 = tpu.vector_load %arg7[%parallel_loop3A_322, %parallel_loop3A_323] {strides = array<i32>} : memref<320x128xf32, #tpu.memory_space<vmem>>, vector<1x16xf32>,
      %parallel_loop3A_325 = vector.shape_cast %parallel_loop3A_324 : vector<1x16xf32> to vector<16xf32>
      %parallel_loop3A_326 = arith.index_cast %parallel_loop3A_270 : i32 to index
      %parallel_loop3A_327 = arith.constant 80 : index
      %parallel_loop3A_328 = tpu.vector_load %arg8[%parallel_loop3A_326, %parallel_loop3A_327] {strides = array<i32>} : memref<128x128xf32, #tpu.memory_space<vmem>>, vector<1x16xf32>,
      %parallel_loop3A_329 = vector.shape_cast %parallel_loop3A_328 : vector<1x16xf32> to vector<16xf32>
      %parallel_loop3A_330 = vector.shape_cast %parallel_loop3A_325 : vector<16xf32> to vector<1x16xf32>
      tpu.vector_store %arg8[%parallel_loop3A_326, %parallel_loop3A_327], %parallel_loop3A_330 {add = true, strides = array<i32>} : memref<128x128xf32, #tpu.memory_space<vmem>>, vector<1x16xf32>,
      %parallel_loop3A_331 = arith.addi %rem3A_142, %parallel_loop3A_270 : i32
      %parallel_loop3A_332 = arith.index_cast %parallel_loop3A_331 : i32 to index
      %parallel_loop3A_333 = arith.constant 96 : index
      %parallel_loop3A_334 = tpu.vector_load %arg7[%parallel_loop3A_332, %parallel_loop3A_333] {strides = array<i32>} : memref<320x128xf32, #tpu.memory_space<vmem>>, vector<1x16xf32>,
      %parallel_loop3A_335 = vector.shape_cast %parallel_loop3A_334 : vector<1x16xf32> to vector<16xf32>
      %parallel_loop3A_336 = arith.index_cast %parallel_loop3A_270 : i32 to index
      %parallel_loop3A_337 = arith.constant 96 : index
      %parallel_loop3A_338 = tpu.vector_load %arg8[%parallel_loop3A_336, %parallel_loop3A_337] {strides = array<i32>} : memref<128x128xf32, #tpu.memory_space<vmem>>, vector<1x16xf32>,
      %parallel_loop3A_339 = vector.shape_cast %parallel_loop3A_338 : vector<1x16xf32> to vector<16xf32>
      %parallel_loop3A_340 = vector.shape_cast %parallel_loop3A_335 : vector<16xf32> to vector<1x16xf32>
      tpu.vector_store %arg8[%parallel_loop3A_336, %parallel_loop3A_337], %parallel_loop3A_340 {add = true, strides = array<i32>} : memref<128x128xf32, #tpu.memory_space<vmem>>, vector<1x16xf32>,
      %parallel_loop3A_341 = arith.addi %rem3A_142, %parallel_loop3A_270 : i32
      %parallel_loop3A_342 = arith.index_cast %parallel_loop3A_341 : i32 to index
      %parallel_loop3A_343 = arith.constant 112 : index
      %parallel_loop3A_344 = tpu.vector_load %arg7[%parallel_loop3A_342, %parallel_loop3A_343] {strides = array<i32>} : memref<320x128xf32, #tpu.memory_space<vmem>>, vector<1x16xf32>,
      %parallel_loop3A_345 = vector.shape_cast %parallel_loop3A_344 : vector<1x16xf32> to vector<16xf32>
      %parallel_loop3A_346 = arith.index_cast %parallel_loop3A_270 : i32 to index
      %parallel_loop3A_347 = arith.constant 112 : index
      %parallel_loop3A_348 = tpu.vector_load %arg8[%parallel_loop3A_346, %parallel_loop3A_347] {strides = array<i32>} : memref<128x128xf32, #tpu.memory_space<vmem>>, vector<1x16xf32>,
      %parallel_loop3A_349 = vector.shape_cast %parallel_loop3A_348 : vector<1x16xf32> to vector<16xf32>
      %parallel_loop3A_350 = vector.shape_cast %parallel_loop3A_345 : vector<16xf32> to vector<1x16xf32>
      tpu.vector_store %arg8[%parallel_loop3A_346, %parallel_loop3A_347], %parallel_loop3A_350 {add = true, strides = array<i32>} : memref<128x128xf32, #tpu.memory_space<vmem>>, vector<1x16xf32>,
    } {sc.loop_unroll_factor = 4 : i64, sc.parallel_access}
    %add3A_145 = arith.constant 0 : i32
    %add3A_146 = arith.addi %mul3A_2, %add3A_145 : i32
    %dma_start3A_147 = arith.constant 0 : i32
    %dma_start3A_148 = tpu.memref_slice %arg5[%add3A_146, %dma_start3A_147] : memref<204800x128xf32, #tpu.memory_space<hbm>> -> memref<128x128xf32, #tpu.memory_space<hbm>>
    %dma_start3A_149 = arith.constant 0 : i32
    %dma_start3A_150 = tpu.memref_slice %arg5[%add3A_146, %dma_start3A_149] : memref<204800x128xf32, #tpu.memory_space<hbm>> -> memref<128x128xf32, #tpu.memory_space<hbm>>
    tpu.enqueue_dma source(%arg8 : memref<128x128xf32, #tpu.memory_space<vmem>>) target(%dma_start3A_150 : memref<128x128xf32, #tpu.memory_space<hbm>>) target_semaphore(%arg14 : memref<!tpu.dma_semaphore, #tpu.memory_space<semaphore_mem>>)
    %dma_start3A_151 = arith.constant 256 : i32
    %dma_start3A_152 = tpu.memref_slice %arg6[%dma_start3A_151] : memref<6400xi32, #tpu.memory_space<vmem>> -> memref<128xi32, #tpu.memory_space<vmem>>
    %dma_start3A_153 = arith.constant 0 : i32
    %dma_start3A_154 = arith.constant 0 : i32
    %dma_start3A_155 = tpu.memref_slice %arg2[%dma_start3A_153, %dma_start3A_154] : memref<1000001x128xf32, #tpu.memory_space<hbm>> -> memref<1000001x128xf32, #tpu.memory_space<hbm>>
    tpu.enqueue_indirect_dma source(%dma_start3A_155 : memref<1000001x128xf32, #tpu.memory_space<hbm>>) target(%arg10 : memref<128x128xf32, #tpu.memory_space<vmem>>) offsets(%dma_start3A_152 : memref<128xi32, #tpu.memory_space<vmem>>) semaphore(%arg13 : memref<!tpu.dma_semaphore, #tpu.memory_space<semaphore_mem>>)
    %dma_wait3A_156 = arith.constant 0 : i32
    %dma_wait3A_157 = tpu.memref_slice %arg6[%dma_wait3A_156] : memref<6400xi32, #tpu.memory_space<vmem>> -> memref<128xi32, #tpu.memory_space<vmem>>
    %dma_wait3A_158 = arith.constant 0 : i32
    %dma_wait3A_159 = arith.constant 0 : i32
    %dma_wait3A_160 = tpu.memref_slice %arg2[%dma_wait3A_158, %dma_wait3A_159] : memref<1000001x128xf32, #tpu.memory_space<hbm>> -> memref<1000001x128xf32, #tpu.memory_space<hbm>>
    tpu.wait_indirect_dma semaphore(%arg12 : memref<!tpu.dma_semaphore, #tpu.memory_space<semaphore_mem>>) src(%dma_wait3A_160 : memref<1000001x128xf32, #tpu.memory_space<hbm>>) dst(%arg9 : memref<128x128xf32, #tpu.memory_space<vmem>>)
    %rem3A_161 = arith.constant 128 : i32
    %rem3A_162 = arith.constant 200 : i32
    %rem3A_163 = arith.remsi %rem3A_161, %rem3A_162 : i32
    %parallel_loop3A_164 = arith.constant 0 : i32
    %parallel_loop3A_165 = arith.constant 128 : i32
    %parallel_loop3A_166 = arith.constant 1 : i32
    scf.for %parallel_loop3A_270 = %parallel_loop3A_164 to %parallel_loop3A_165 step %parallel_loop3A_166  : i32 {
      %parallel_loop3A_271 = arith.addi %rem3A_163, %parallel_loop3A_270 : i32
      %parallel_loop3A_272 = arith.index_cast %parallel_loop3A_271 : i32 to index
      %parallel_loop3A_273 = arith.constant 0 : index
      %parallel_loop3A_274 = tpu.vector_load %arg7[%parallel_loop3A_272, %parallel_loop3A_273] {strides = array<i32>} : memref<320x128xf32, #tpu.memory_space<vmem>>, vector<1x16xf32>,
      %parallel_loop3A_275 = vector.shape_cast %parallel_loop3A_274 : vector<1x16xf32> to vector<16xf32>
      %parallel_loop3A_276 = arith.index_cast %parallel_loop3A_270 : i32 to index
      %parallel_loop3A_277 = arith.constant 0 : index
      %parallel_loop3A_278 = tpu.vector_load %arg9[%parallel_loop3A_276, %parallel_loop3A_277] {strides = array<i32>} : memref<128x128xf32, #tpu.memory_space<vmem>>, vector<1x16xf32>,
      %parallel_loop3A_279 = vector.shape_cast %parallel_loop3A_278 : vector<1x16xf32> to vector<16xf32>
      %parallel_loop3A_280 = vector.shape_cast %parallel_loop3A_275 : vector<16xf32> to vector<1x16xf32>
      tpu.vector_store %arg9[%parallel_loop3A_276, %parallel_loop3A_277], %parallel_loop3A_280 {add = true, strides = array<i32>} : memref<128x128xf32, #tpu.memory_space<vmem>>, vector<1x16xf32>,
      %parallel_loop3A_281 = arith.addi %rem3A_163, %parallel_loop3A_270 : i32
      %parallel_loop3A_282 = arith.index_cast %parallel_loop3A_281 : i32 to index
      %parallel_loop3A_283 = arith.constant 16 : index
      %parallel_loop3A_284 = tpu.vector_load %arg7[%parallel_loop3A_282, %parallel_loop3A_283] {strides = array<i32>} : memref<320x128xf32, #tpu.memory_space<vmem>>, vector<1x16xf32>,
      %parallel_loop3A_285 = vector.shape_cast %parallel_loop3A_284 : vector<1x16xf32> to vector<16xf32>
      %parallel_loop3A_286 = arith.index_cast %parallel_loop3A_270 : i32 to index
      %parallel_loop3A_287 = arith.constant 16 : index
      %parallel_loop3A_288 = tpu.vector_load %arg9[%parallel_loop3A_286, %parallel_loop3A_287] {strides = array<i32>} : memref<128x128xf32, #tpu.memory_space<vmem>>, vector<1x16xf32>,
      %parallel_loop3A_289 = vector.shape_cast %parallel_loop3A_288 : vector<1x16xf32> to vector<16xf32>
      %parallel_loop3A_290 = vector.shape_cast %parallel_loop3A_285 : vector<16xf32> to vector<1x16xf32>
      tpu.vector_store %arg9[%parallel_loop3A_286, %parallel_loop3A_287], %parallel_loop3A_290 {add = true, strides = array<i32>} : memref<128x128xf32, #tpu.memory_space<vmem>>, vector<1x16xf32>,
      %parallel_loop3A_291 = arith.addi %rem3A_163, %parallel_loop3A_270 : i32
      %parallel_loop3A_292 = arith.index_cast %parallel_loop3A_291 : i32 to index
      %parallel_loop3A_293 = arith.constant 32 : index
      %parallel_loop3A_294 = tpu.vector_load %arg7[%parallel_loop3A_292, %parallel_loop3A_293] {strides = array<i32>} : memref<320x128xf32, #tpu.memory_space<vmem>>, vector<1x16xf32>,
      %parallel_loop3A_295 = vector.shape_cast %parallel_loop3A_294 : vector<1x16xf32> to vector<16xf32>
      %parallel_loop3A_296 = arith.index_cast %parallel_loop3A_270 : i32 to index
      %parallel_loop3A_297 = arith.constant 32 : index
      %parallel_loop3A_298 = tpu.vector_load %arg9[%parallel_loop3A_296, %parallel_loop3A_297] {strides = array<i32>} : memref<128x128xf32, #tpu.memory_space<vmem>>, vector<1x16xf32>,
      %parallel_loop3A_299 = vector.shape_cast %parallel_loop3A_298 : vector<1x16xf32> to vector<16xf32>
      %parallel_loop3A_300 = vector.shape_cast %parallel_loop3A_295 : vector<16xf32> to vector<1x16xf32>
      tpu.vector_store %arg9[%parallel_loop3A_296, %parallel_loop3A_297], %parallel_loop3A_300 {add = true, strides = array<i32>} : memref<128x128xf32, #tpu.memory_space<vmem>>, vector<1x16xf32>,
      %parallel_loop3A_301 = arith.addi %rem3A_163, %parallel_loop3A_270 : i32
      %parallel_loop3A_302 = arith.index_cast %parallel_loop3A_301 : i32 to index
      %parallel_loop3A_303 = arith.constant 48 : index
      %parallel_loop3A_304 = tpu.vector_load %arg7[%parallel_loop3A_302, %parallel_loop3A_303] {strides = array<i32>} : memref<320x128xf32, #tpu.memory_space<vmem>>, vector<1x16xf32>,
      %parallel_loop3A_305 = vector.shape_cast %parallel_loop3A_304 : vector<1x16xf32> to vector<16xf32>
      %parallel_loop3A_306 = arith.index_cast %parallel_loop3A_270 : i32 to index
      %parallel_loop3A_307 = arith.constant 48 : index
      %parallel_loop3A_308 = tpu.vector_load %arg9[%parallel_loop3A_306, %parallel_loop3A_307] {strides = array<i32>} : memref<128x128xf32, #tpu.memory_space<vmem>>, vector<1x16xf32>,
      %parallel_loop3A_309 = vector.shape_cast %parallel_loop3A_308 : vector<1x16xf32> to vector<16xf32>
      %parallel_loop3A_310 = vector.shape_cast %parallel_loop3A_305 : vector<16xf32> to vector<1x16xf32>
      tpu.vector_store %arg9[%parallel_loop3A_306, %parallel_loop3A_307], %parallel_loop3A_310 {add = true, strides = array<i32>} : memref<128x128xf32, #tpu.memory_space<vmem>>, vector<1x16xf32>,
      %parallel_loop3A_311 = arith.addi %rem3A_163, %parallel_loop3A_270 : i32
      %parallel_loop3A_312 = arith.index_cast %parallel_loop3A_311 : i32 to index
      %parallel_loop3A_313 = arith.constant 64 : index
      %parallel_loop3A_314 = tpu.vector_load %arg7[%parallel_loop3A_312, %parallel_loop3A_313] {strides = array<i32>} : memref<320x128xf32, #tpu.memory_space<vmem>>, vector<1x16xf32>,
      %parallel_loop3A_315 = vector.shape_cast %parallel_loop3A_314 : vector<1x16xf32> to vector<16xf32>
      %parallel_loop3A_316 = arith.index_cast %parallel_loop3A_270 : i32 to index
      %parallel_loop3A_317 = arith.constant 64 : index
      %parallel_loop3A_318 = tpu.vector_load %arg9[%parallel_loop3A_316, %parallel_loop3A_317] {strides = array<i32>} : memref<128x128xf32, #tpu.memory_space<vmem>>, vector<1x16xf32>,
      %parallel_loop3A_319 = vector.shape_cast %parallel_loop3A_318 : vector<1x16xf32> to vector<16xf32>
      %parallel_loop3A_320 = vector.shape_cast %parallel_loop3A_315 : vector<16xf32> to vector<1x16xf32>
      tpu.vector_store %arg9[%parallel_loop3A_316, %parallel_loop3A_317], %parallel_loop3A_320 {add = true, strides = array<i32>} : memref<128x128xf32, #tpu.memory_space<vmem>>, vector<1x16xf32>,
      %parallel_loop3A_321 = arith.addi %rem3A_163, %parallel_loop3A_270 : i32
      %parallel_loop3A_322 = arith.index_cast %parallel_loop3A_321 : i32 to index
      %parallel_loop3A_323 = arith.constant 80 : index
      %parallel_loop3A_324 = tpu.vector_load %arg7[%parallel_loop3A_322, %parallel_loop3A_323] {strides = array<i32>} : memref<320x128xf32, #tpu.memory_space<vmem>>, vector<1x16xf32>,
      %parallel_loop3A_325 = vector.shape_cast %parallel_loop3A_324 : vector<1x16xf32> to vector<16xf32>
      %parallel_loop3A_326 = arith.index_cast %parallel_loop3A_270 : i32 to index
      %parallel_loop3A_327 = arith.constant 80 : index
      %parallel_loop3A_328 = tpu.vector_load %arg9[%parallel_loop3A_326, %parallel_loop3A_327] {strides = array<i32>} : memref<128x128xf32, #tpu.memory_space<vmem>>, vector<1x16xf32>,
      %parallel_loop3A_329 = vector.shape_cast %parallel_loop3A_328 : vector<1x16xf32> to vector<16xf32>
      %parallel_loop3A_330 = vector.shape_cast %parallel_loop3A_325 : vector<16xf32> to vector<1x16xf32>
      tpu.vector_store %arg9[%parallel_loop3A_326, %parallel_loop3A_327], %parallel_loop3A_330 {add = true, strides = array<i32>} : memref<128x128xf32, #tpu.memory_space<vmem>>, vector<1x16xf32>,
      %parallel_loop3A_331 = arith.addi %rem3A_163, %parallel_loop3A_270 : i32
      %parallel_loop3A_332 = arith.index_cast %parallel_loop3A_331 : i32 to index
      %parallel_loop3A_333 = arith.constant 96 : index
      %parallel_loop3A_334 = tpu.vector_load %arg7[%parallel_loop3A_332, %parallel_loop3A_333] {strides = array<i32>} : memref<320x128xf32, #tpu.memory_space<vmem>>, vector<1x16xf32>,
      %parallel_loop3A_335 = vector.shape_cast %parallel_loop3A_334 : vector<1x16xf32> to vector<16xf32>
      %parallel_loop3A_336 = arith.index_cast %parallel_loop3A_270 : i32 to index
      %parallel_loop3A_337 = arith.constant 96 : index
      %parallel_loop3A_338 = tpu.vector_load %arg9[%parallel_loop3A_336, %parallel_loop3A_337] {strides = array<i32>} : memref<128x128xf32, #tpu.memory_space<vmem>>, vector<1x16xf32>,
      %parallel_loop3A_339 = vector.shape_cast %parallel_loop3A_338 : vector<1x16xf32> to vector<16xf32>
      %parallel_loop3A_340 = vector.shape_cast %parallel_loop3A_335 : vector<16xf32> to vector<1x16xf32>
      tpu.vector_store %arg9[%parallel_loop3A_336, %parallel_loop3A_337], %parallel_loop3A_340 {add = true, strides = array<i32>} : memref<128x128xf32, #tpu.memory_space<vmem>>, vector<1x16xf32>,
      %parallel_loop3A_341 = arith.addi %rem3A_163, %parallel_loop3A_270 : i32
      %parallel_loop3A_342 = arith.index_cast %parallel_loop3A_341 : i32 to index
      %parallel_loop3A_343 = arith.constant 112 : index
      %parallel_loop3A_344 = tpu.vector_load %arg7[%parallel_loop3A_342, %parallel_loop3A_343] {strides = array<i32>} : memref<320x128xf32, #tpu.memory_space<vmem>>, vector<1x16xf32>,
      %parallel_loop3A_345 = vector.shape_cast %parallel_loop3A_344 : vector<1x16xf32> to vector<16xf32>
      %parallel_loop3A_346 = arith.index_cast %parallel_loop3A_270 : i32 to index
      %parallel_loop3A_347 = arith.constant 112 : index
      %parallel_loop3A_348 = tpu.vector_load %arg9[%parallel_loop3A_346, %parallel_loop3A_347] {strides = array<i32>} : memref<128x128xf32, #tpu.memory_space<vmem>>, vector<1x16xf32>,
      %parallel_loop3A_349 = vector.shape_cast %parallel_loop3A_348 : vector<1x16xf32> to vector<16xf32>
      %parallel_loop3A_350 = vector.shape_cast %parallel_loop3A_345 : vector<16xf32> to vector<1x16xf32>
      tpu.vector_store %arg9[%parallel_loop3A_346, %parallel_loop3A_347], %parallel_loop3A_350 {add = true, strides = array<i32>} : memref<128x128xf32, #tpu.memory_space<vmem>>, vector<1x16xf32>,
    } {sc.loop_unroll_factor = 4 : i64, sc.parallel_access}
    %add3A_167 = arith.constant 128 : i32
    %add3A_168 = arith.addi %mul3A_2, %add3A_167 : i32
    %dma_start3A_169 = arith.constant 0 : i32
    %dma_start3A_170 = tpu.memref_slice %arg5[%add3A_168, %dma_start3A_169] : memref<204800x128xf32, #tpu.memory_space<hbm>> -> memref<128x128xf32, #tpu.memory_space<hbm>>
    %dma_start3A_171 = arith.constant 0 : i32
    %dma_start3A_172 = tpu.memref_slice %arg5[%add3A_168, %dma_start3A_171] : memref<204800x128xf32, #tpu.memory_space<hbm>> -> memref<128x128xf32, #tpu.memory_space<hbm>>
    tpu.enqueue_dma source(%arg9 : memref<128x128xf32, #tpu.memory_space<vmem>>) target(%dma_start3A_172 : memref<128x128xf32, #tpu.memory_space<hbm>>) target_semaphore(%arg15 : memref<!tpu.dma_semaphore, #tpu.memory_space<semaphore_mem>>)
    %dma_wait3A_173 = arith.constant 0 : i32
    %dma_wait3A_174 = arith.constant 0 : i32
    %dma_wait3A_175 = tpu.memref_slice %arg5[%dma_wait3A_173, %dma_wait3A_174] : memref<204800x128xf32, #tpu.memory_space<hbm>> -> memref<128x128xf32, #tpu.memory_space<hbm>>
    %dma_wait3A_176 = arith.constant 0 : i32
    %dma_wait3A_177 = arith.constant 0 : i32
    %dma_wait3A_178 = tpu.memref_slice %arg5[%dma_wait3A_176, %dma_wait3A_177] : memref<204800x128xf32, #tpu.memory_space<hbm>> -> memref<128x128xf32, #tpu.memory_space<hbm>>
    tpu.wait_dma2 semaphore(%arg14 : memref<!tpu.dma_semaphore, #tpu.memory_space<semaphore_mem>>) src(%arg8 : memref<128x128xf32, #tpu.memory_space<vmem>>) dst(%dma_wait3A_178 : memref<128x128xf32, #tpu.memory_space<hbm>>)
    %dma_start3A_179 = arith.constant 384 : i32
    %dma_start3A_180 = tpu.memref_slice %arg6[%dma_start3A_179] : memref<6400xi32, #tpu.memory_space<vmem>> -> memref<128xi32, #tpu.memory_space<vmem>>
    %dma_start3A_181 = arith.constant 0 : i32
    %dma_start3A_182 = arith.constant 0 : i32
    %dma_start3A_183 = tpu.memref_slice %arg2[%dma_start3A_181, %dma_start3A_182] : memref<1000001x128xf32, #tpu.memory_space<hbm>> -> memref<1000001x128xf32, #tpu.memory_space<hbm>>
    tpu.enqueue_indirect_dma source(%dma_start3A_183 : memref<1000001x128xf32, #tpu.memory_space<hbm>>) target(%arg8 : memref<128x128xf32, #tpu.memory_space<vmem>>) offsets(%dma_start3A_180 : memref<128xi32, #tpu.memory_space<vmem>>) semaphore(%arg11 : memref<!tpu.dma_semaphore, #tpu.memory_space<semaphore_mem>>)
    %dma_wait3A_184 = arith.constant 0 : i32
    %dma_wait3A_185 = tpu.memref_slice %arg6[%dma_wait3A_184] : memref<6400xi32, #tpu.memory_space<vmem>> -> memref<128xi32, #tpu.memory_space<vmem>>
    %dma_wait3A_186 = arith.constant 0 : i32
    %dma_wait3A_187 = arith.constant 0 : i32
    %dma_wait3A_188 = tpu.memref_slice %arg2[%dma_wait3A_186, %dma_wait3A_187] : memref<1000001x128xf32, #tpu.memory_space<hbm>> -> memref<1000001x128xf32, #tpu.memory_space<hbm>>
    tpu.wait_indirect_dma semaphore(%arg13 : memref<!tpu.dma_semaphore, #tpu.memory_space<semaphore_mem>>) src(%dma_wait3A_188 : memref<1000001x128xf32, #tpu.memory_space<hbm>>) dst(%arg10 : memref<128x128xf32, #tpu.memory_space<vmem>>)
    %rem3A_189 = arith.constant 256 : i32
    %rem3A_190 = arith.constant 200 : i32
    %rem3A_191 = arith.remsi %rem3A_189, %rem3A_190 : i32
    %parallel_loop3A_192 = arith.constant 0 : i32
    %parallel_loop3A_193 = arith.constant 128 : i32
    %parallel_loop3A_194 = arith.constant 1 : i32
    scf.for %parallel_loop3A_270 = %parallel_loop3A_192 to %parallel_loop3A_193 step %parallel_loop3A_194  : i32 {
      %parallel_loop3A_271 = arith.addi %rem3A_191, %parallel_loop3A_270 : i32
      %parallel_loop3A_272 = arith.index_cast %parallel_loop3A_271 : i32 to index
      %parallel_loop3A_273 = arith.constant 0 : index
      %parallel_loop3A_274 = tpu.vector_load %arg7[%parallel_loop3A_272, %parallel_loop3A_273] {strides = array<i32>} : memref<320x128xf32, #tpu.memory_space<vmem>>, vector<1x16xf32>,
      %parallel_loop3A_275 = vector.shape_cast %parallel_loop3A_274 : vector<1x16xf32> to vector<16xf32>
      %parallel_loop3A_276 = arith.index_cast %parallel_loop3A_270 : i32 to index
      %parallel_loop3A_277 = arith.constant 0 : index
      %parallel_loop3A_278 = tpu.vector_load %arg10[%parallel_loop3A_276, %parallel_loop3A_277] {strides = array<i32>} : memref<128x128xf32, #tpu.memory_space<vmem>>, vector<1x16xf32>,
      %parallel_loop3A_279 = vector.shape_cast %parallel_loop3A_278 : vector<1x16xf32> to vector<16xf32>
      %parallel_loop3A_280 = vector.shape_cast %parallel_loop3A_275 : vector<16xf32> to vector<1x16xf32>
      tpu.vector_store %arg10[%parallel_loop3A_276, %parallel_loop3A_277], %parallel_loop3A_280 {add = true, strides = array<i32>} : memref<128x128xf32, #tpu.memory_space<vmem>>, vector<1x16xf32>,
      %parallel_loop3A_281 = arith.addi %rem3A_191, %parallel_loop3A_270 : i32
      %parallel_loop3A_282 = arith.index_cast %parallel_loop3A_281 : i32 to index
      %parallel_loop3A_283 = arith.constant 16 : index
      %parallel_loop3A_284 = tpu.vector_load %arg7[%parallel_loop3A_282, %parallel_loop3A_283] {strides = array<i32>} : memref<320x128xf32, #tpu.memory_space<vmem>>, vector<1x16xf32>,
      %parallel_loop3A_285 = vector.shape_cast %parallel_loop3A_284 : vector<1x16xf32> to vector<16xf32>
      %parallel_loop3A_286 = arith.index_cast %parallel_loop3A_270 : i32 to index
      %parallel_loop3A_287 = arith.constant 16 : index
      %parallel_loop3A_288 = tpu.vector_load %arg10[%parallel_loop3A_286, %parallel_loop3A_287] {strides = array<i32>} : memref<128x128xf32, #tpu.memory_space<vmem>>, vector<1x16xf32>,
      %parallel_loop3A_289 = vector.shape_cast %parallel_loop3A_288 : vector<1x16xf32> to vector<16xf32>
      %parallel_loop3A_290 = vector.shape_cast %parallel_loop3A_285 : vector<16xf32> to vector<1x16xf32>
      tpu.vector_store %arg10[%parallel_loop3A_286, %parallel_loop3A_287], %parallel_loop3A_290 {add = true, strides = array<i32>} : memref<128x128xf32, #tpu.memory_space<vmem>>, vector<1x16xf32>,
      %parallel_loop3A_291 = arith.addi %rem3A_191, %parallel_loop3A_270 : i32
      %parallel_loop3A_292 = arith.index_cast %parallel_loop3A_291 : i32 to index
      %parallel_loop3A_293 = arith.constant 32 : index
      %parallel_loop3A_294 = tpu.vector_load %arg7[%parallel_loop3A_292, %parallel_loop3A_293] {strides = array<i32>} : memref<320x128xf32, #tpu.memory_space<vmem>>, vector<1x16xf32>,
      %parallel_loop3A_295 = vector.shape_cast %parallel_loop3A_294 : vector<1x16xf32> to vector<16xf32>
      %parallel_loop3A_296 = arith.index_cast %parallel_loop3A_270 : i32 to index
      %parallel_loop3A_297 = arith.constant 32 : index
      %parallel_loop3A_298 = tpu.vector_load %arg10[%parallel_loop3A_296, %parallel_loop3A_297] {strides = array<i32>} : memref<128x128xf32, #tpu.memory_space<vmem>>, vector<1x16xf32>,
      %parallel_loop3A_299 = vector.shape_cast %parallel_loop3A_298 : vector<1x16xf32> to vector<16xf32>
      %parallel_loop3A_300 = vector.shape_cast %parallel_loop3A_295 : vector<16xf32> to vector<1x16xf32>
      tpu.vector_store %arg10[%parallel_loop3A_296, %parallel_loop3A_297], %parallel_loop3A_300 {add = true, strides = array<i32>} : memref<128x128xf32, #tpu.memory_space<vmem>>, vector<1x16xf32>,
      %parallel_loop3A_301 = arith.addi %rem3A_191, %parallel_loop3A_270 : i32
      %parallel_loop3A_302 = arith.index_cast %parallel_loop3A_301 : i32 to index
      %parallel_loop3A_303 = arith.constant 48 : index
      %parallel_loop3A_304 = tpu.vector_load %arg7[%parallel_loop3A_302, %parallel_loop3A_303] {strides = array<i32>} : memref<320x128xf32, #tpu.memory_space<vmem>>, vector<1x16xf32>,
      %parallel_loop3A_305 = vector.shape_cast %parallel_loop3A_304 : vector<1x16xf32> to vector<16xf32>
      %parallel_loop3A_306 = arith.index_cast %parallel_loop3A_270 : i32 to index
      %parallel_loop3A_307 = arith.constant 48 : index
      %parallel_loop3A_308 = tpu.vector_load %arg10[%parallel_loop3A_306, %parallel_loop3A_307] {strides = array<i32>} : memref<128x128xf32, #tpu.memory_space<vmem>>, vector<1x16xf32>,
      %parallel_loop3A_309 = vector.shape_cast %parallel_loop3A_308 : vector<1x16xf32> to vector<16xf32>
      %parallel_loop3A_310 = vector.shape_cast %parallel_loop3A_305 : vector<16xf32> to vector<1x16xf32>
      tpu.vector_store %arg10[%parallel_loop3A_306, %parallel_loop3A_307], %parallel_loop3A_310 {add = true, strides = array<i32>} : memref<128x128xf32, #tpu.memory_space<vmem>>, vector<1x16xf32>,
      %parallel_loop3A_311 = arith.addi %rem3A_191, %parallel_loop3A_270 : i32
      %parallel_loop3A_312 = arith.index_cast %parallel_loop3A_311 : i32 to index
      %parallel_loop3A_313 = arith.constant 64 : index
      %parallel_loop3A_314 = tpu.vector_load %arg7[%parallel_loop3A_312, %parallel_loop3A_313] {strides = array<i32>} : memref<320x128xf32, #tpu.memory_space<vmem>>, vector<1x16xf32>,
      %parallel_loop3A_315 = vector.shape_cast %parallel_loop3A_314 : vector<1x16xf32> to vector<16xf32>
      %parallel_loop3A_316 = arith.index_cast %parallel_loop3A_270 : i32 to index
      %parallel_loop3A_317 = arith.constant 64 : index
      %parallel_loop3A_318 = tpu.vector_load %arg10[%parallel_loop3A_316, %parallel_loop3A_317] {strides = array<i32>} : memref<128x128xf32, #tpu.memory_space<vmem>>, vector<1x16xf32>,
      %parallel_loop3A_319 = vector.shape_cast %parallel_loop3A_318 : vector<1x16xf32> to vector<16xf32>
      %parallel_loop3A_320 = vector.shape_cast %parallel_loop3A_315 : vector<16xf32> to vector<1x16xf32>
      tpu.vector_store %arg10[%parallel_loop3A_316, %parallel_loop3A_317], %parallel_loop3A_320 {add = true, strides = array<i32>} : memref<128x128xf32, #tpu.memory_space<vmem>>, vector<1x16xf32>,
      %parallel_loop3A_321 = arith.addi %rem3A_191, %parallel_loop3A_270 : i32
      %parallel_loop3A_322 = arith.index_cast %parallel_loop3A_321 : i32 to index
      %parallel_loop3A_323 = arith.constant 80 : index
      %parallel_loop3A_324 = tpu.vector_load %arg7[%parallel_loop3A_322, %parallel_loop3A_323] {strides = array<i32>} : memref<320x128xf32, #tpu.memory_space<vmem>>, vector<1x16xf32>,
      %parallel_loop3A_325 = vector.shape_cast %parallel_loop3A_324 : vector<1x16xf32> to vector<16xf32>
      %parallel_loop3A_326 = arith.index_cast %parallel_loop3A_270 : i32 to index
      %parallel_loop3A_327 = arith.constant 80 : index
      %parallel_loop3A_328 = tpu.vector_load %arg10[%parallel_loop3A_326, %parallel_loop3A_327] {strides = array<i32>} : memref<128x128xf32, #tpu.memory_space<vmem>>, vector<1x16xf32>,
      %parallel_loop3A_329 = vector.shape_cast %parallel_loop3A_328 : vector<1x16xf32> to vector<16xf32>
      %parallel_loop3A_330 = vector.shape_cast %parallel_loop3A_325 : vector<16xf32> to vector<1x16xf32>
      tpu.vector_store %arg10[%parallel_loop3A_326, %parallel_loop3A_327], %parallel_loop3A_330 {add = true, strides = array<i32>} : memref<128x128xf32, #tpu.memory_space<vmem>>, vector<1x16xf32>,
      %parallel_loop3A_331 = arith.addi %rem3A_191, %parallel_loop3A_270 : i32
      %parallel_loop3A_332 = arith.index_cast %parallel_loop3A_331 : i32 to index
      %parallel_loop3A_333 = arith.constant 96 : index
      %parallel_loop3A_334 = tpu.vector_load %arg7[%parallel_loop3A_332, %parallel_loop3A_333] {strides = array<i32>} : memref<320x128xf32, #tpu.memory_space<vmem>>, vector<1x16xf32>,
      %parallel_loop3A_335 = vector.shape_cast %parallel_loop3A_334 : vector<1x16xf32> to vector<16xf32>
      %parallel_loop3A_336 = arith.index_cast %parallel_loop3A_270 : i32 to index
      %parallel_loop3A_337 = arith.constant 96 : index
      %parallel_loop3A_338 = tpu.vector_load %arg10[%parallel_loop3A_336, %parallel_loop3A_337] {strides = array<i32>} : memref<128x128xf32, #tpu.memory_space<vmem>>, vector<1x16xf32>,
      %parallel_loop3A_339 = vector.shape_cast %parallel_loop3A_338 : vector<1x16xf32> to vector<16xf32>
      %parallel_loop3A_340 = vector.shape_cast %parallel_loop3A_335 : vector<16xf32> to vector<1x16xf32>
      tpu.vector_store %arg10[%parallel_loop3A_336, %parallel_loop3A_337], %parallel_loop3A_340 {add = true, strides = array<i32>} : memref<128x128xf32, #tpu.memory_space<vmem>>, vector<1x16xf32>,
      %parallel_loop3A_341 = arith.addi %rem3A_191, %parallel_loop3A_270 : i32
      %parallel_loop3A_342 = arith.index_cast %parallel_loop3A_341 : i32 to index
      %parallel_loop3A_343 = arith.constant 112 : index
      %parallel_loop3A_344 = tpu.vector_load %arg7[%parallel_loop3A_342, %parallel_loop3A_343] {strides = array<i32>} : memref<320x128xf32, #tpu.memory_space<vmem>>, vector<1x16xf32>,
      %parallel_loop3A_345 = vector.shape_cast %parallel_loop3A_344 : vector<1x16xf32> to vector<16xf32>
      %parallel_loop3A_346 = arith.index_cast %parallel_loop3A_270 : i32 to index
      %parallel_loop3A_347 = arith.constant 112 : index
      %parallel_loop3A_348 = tpu.vector_load %arg10[%parallel_loop3A_346, %parallel_loop3A_347] {strides = array<i32>} : memref<128x128xf32, #tpu.memory_space<vmem>>, vector<1x16xf32>,
      %parallel_loop3A_349 = vector.shape_cast %parallel_loop3A_348 : vector<1x16xf32> to vector<16xf32>
      %parallel_loop3A_350 = vector.shape_cast %parallel_loop3A_345 : vector<16xf32> to vector<1x16xf32>
      tpu.vector_store %arg10[%parallel_loop3A_346, %parallel_loop3A_347], %parallel_loop3A_350 {add = true, strides = array<i32>} : memref<128x128xf32, #tpu.memory_space<vmem>>, vector<1x16xf32>,
    } {sc.loop_unroll_factor = 4 : i64, sc.parallel_access}
    %add3A_195 = arith.constant 256 : i32
    %add3A_196 = arith.addi %mul3A_2, %add3A_195 : i32
    %dma_start3A_197 = arith.constant 0 : i32
    %dma_start3A_198 = tpu.memref_slice %arg5[%add3A_196, %dma_start3A_197] : memref<204800x128xf32, #tpu.memory_space<hbm>> -> memref<128x128xf32, #tpu.memory_space<hbm>>
    %dma_start3A_199 = arith.constant 0 : i32
    %dma_start3A_200 = tpu.memref_slice %arg5[%add3A_196, %dma_start3A_199] : memref<204800x128xf32, #tpu.memory_space<hbm>> -> memref<128x128xf32, #tpu.memory_space<hbm>>
    tpu.enqueue_dma source(%arg10 : memref<128x128xf32, #tpu.memory_space<vmem>>) target(%dma_start3A_200 : memref<128x128xf32, #tpu.memory_space<hbm>>) target_semaphore(%arg16 : memref<!tpu.dma_semaphore, #tpu.memory_space<semaphore_mem>>)
    %dma_wait3A_201 = arith.constant 0 : i32
    %dma_wait3A_202 = arith.constant 0 : i32
    %dma_wait3A_203 = tpu.memref_slice %arg5[%dma_wait3A_201, %dma_wait3A_202] : memref<204800x128xf32, #tpu.memory_space<hbm>> -> memref<128x128xf32, #tpu.memory_space<hbm>>
    %dma_wait3A_204 = arith.constant 0 : i32
    %dma_wait3A_205 = arith.constant 0 : i32
    %dma_wait3A_206 = tpu.memref_slice %arg5[%dma_wait3A_204, %dma_wait3A_205] : memref<204800x128xf32, #tpu.memory_space<hbm>> -> memref<128x128xf32, #tpu.memory_space<hbm>>
    tpu.wait_dma2 semaphore(%arg15 : memref<!tpu.dma_semaphore, #tpu.memory_space<semaphore_mem>>) src(%arg9 : memref<128x128xf32, #tpu.memory_space<vmem>>) dst(%dma_wait3A_206 : memref<128x128xf32, #tpu.memory_space<hbm>>)
    %dma_start3A_207 = arith.constant 512 : i32
    %dma_start3A_208 = tpu.memref_slice %arg6[%dma_start3A_207] : memref<6400xi32, #tpu.memory_space<vmem>> -> memref<128xi32, #tpu.memory_space<vmem>>
    %dma_start3A_209 = arith.constant 0 : i32
    %dma_start3A_210 = arith.constant 0 : i32
    %dma_start3A_211 = tpu.memref_slice %arg2[%dma_start3A_209, %dma_start3A_210] : memref<1000001x128xf32, #tpu.memory_space<hbm>> -> memref<1000001x128xf32, #tpu.memory_space<hbm>>
    tpu.enqueue_indirect_dma source(%dma_start3A_211 : memref<1000001x128xf32, #tpu.memory_space<hbm>>) target(%arg9 : memref<128x128xf32, #tpu.memory_space<vmem>>) offsets(%dma_start3A_208 : memref<128xi32, #tpu.memory_space<vmem>>) semaphore(%arg12 : memref<!tpu.dma_semaphore, #tpu.memory_space<semaphore_mem>>)
    %dma_wait3A_212 = arith.constant 0 : i32
    %dma_wait3A_213 = tpu.memref_slice %arg6[%dma_wait3A_212] : memref<6400xi32, #tpu.memory_space<vmem>> -> memref<128xi32, #tpu.memory_space<vmem>>
    %dma_wait3A_214 = arith.constant 0 : i32
    %dma_wait3A_215 = arith.constant 0 : i32
    %dma_wait3A_216 = tpu.memref_slice %arg2[%dma_wait3A_214, %dma_wait3A_215] : memref<1000001x128xf32, #tpu.memory_space<hbm>> -> memref<1000001x128xf32, #tpu.memory_space<hbm>>
    tpu.wait_indirect_dma semaphore(%arg11 : memref<!tpu.dma_semaphore, #tpu.memory_space<semaphore_mem>>) src(%dma_wait3A_216 : memref<1000001x128xf32, #tpu.memory_space<hbm>>) dst(%arg8 : memref<128x128xf32, #tpu.memory_space<vmem>>)
    %rem3A_217 = arith.constant 384 : i32
    %rem3A_218 = arith.constant 200 : i32
    %rem3A_219 = arith.remsi %rem3A_217, %rem3A_218 : i32
    %parallel_loop3A_220 = arith.constant 0 : i32
    %parallel_loop3A_221 = arith.constant 128 : i32
    %parallel_loop3A_222 = arith.constant 1 : i32
    scf.for %parallel_loop3A_270 = %parallel_loop3A_220 to %parallel_loop3A_221 step %parallel_loop3A_222  : i32 {
      %parallel_loop3A_271 = arith.addi %rem3A_219, %parallel_loop3A_270 : i32
      %parallel_loop3A_272 = arith.index_cast %parallel_loop3A_271 : i32 to index
      %parallel_loop3A_273 = arith.constant 0 : index
      %parallel_loop3A_274 = tpu.vector_load %arg7[%parallel_loop3A_272, %parallel_loop3A_273] {strides = array<i32>} : memref<320x128xf32, #tpu.memory_space<vmem>>, vector<1x16xf32>,
      %parallel_loop3A_275 = vector.shape_cast %parallel_loop3A_274 : vector<1x16xf32> to vector<16xf32>
      %parallel_loop3A_276 = arith.index_cast %parallel_loop3A_270 : i32 to index
      %parallel_loop3A_277 = arith.constant 0 : index
      %parallel_loop3A_278 = tpu.vector_load %arg8[%parallel_loop3A_276, %parallel_loop3A_277] {strides = array<i32>} : memref<128x128xf32, #tpu.memory_space<vmem>>, vector<1x16xf32>,
      %parallel_loop3A_279 = vector.shape_cast %parallel_loop3A_278 : vector<1x16xf32> to vector<16xf32>
      %parallel_loop3A_280 = vector.shape_cast %parallel_loop3A_275 : vector<16xf32> to vector<1x16xf32>
      tpu.vector_store %arg8[%parallel_loop3A_276, %parallel_loop3A_277], %parallel_loop3A_280 {add = true, strides = array<i32>} : memref<128x128xf32, #tpu.memory_space<vmem>>, vector<1x16xf32>,
      %parallel_loop3A_281 = arith.addi %rem3A_219, %parallel_loop3A_270 : i32
      %parallel_loop3A_282 = arith.index_cast %parallel_loop3A_281 : i32 to index
      %parallel_loop3A_283 = arith.constant 16 : index
      %parallel_loop3A_284 = tpu.vector_load %arg7[%parallel_loop3A_282, %parallel_loop3A_283] {strides = array<i32>} : memref<320x128xf32, #tpu.memory_space<vmem>>, vector<1x16xf32>,
      %parallel_loop3A_285 = vector.shape_cast %parallel_loop3A_284 : vector<1x16xf32> to vector<16xf32>
      %parallel_loop3A_286 = arith.index_cast %parallel_loop3A_270 : i32 to index
      %parallel_loop3A_287 = arith.constant 16 : index
      %parallel_loop3A_288 = tpu.vector_load %arg8[%parallel_loop3A_286, %parallel_loop3A_287] {strides = array<i32>} : memref<128x128xf32, #tpu.memory_space<vmem>>, vector<1x16xf32>,
      %parallel_loop3A_289 = vector.shape_cast %parallel_loop3A_288 : vector<1x16xf32> to vector<16xf32>
      %parallel_loop3A_290 = vector.shape_cast %parallel_loop3A_285 : vector<16xf32> to vector<1x16xf32>
      tpu.vector_store %arg8[%parallel_loop3A_286, %parallel_loop3A_287], %parallel_loop3A_290 {add = true, strides = array<i32>} : memref<128x128xf32, #tpu.memory_space<vmem>>, vector<1x16xf32>,
      %parallel_loop3A_291 = arith.addi %rem3A_219, %parallel_loop3A_270 : i32
      %parallel_loop3A_292 = arith.index_cast %parallel_loop3A_291 : i32 to index
      %parallel_loop3A_293 = arith.constant 32 : index
      %parallel_loop3A_294 = tpu.vector_load %arg7[%parallel_loop3A_292, %parallel_loop3A_293] {strides = array<i32>} : memref<320x128xf32, #tpu.memory_space<vmem>>, vector<1x16xf32>,
      %parallel_loop3A_295 = vector.shape_cast %parallel_loop3A_294 : vector<1x16xf32> to vector<16xf32>
      %parallel_loop3A_296 = arith.index_cast %parallel_loop3A_270 : i32 to index
      %parallel_loop3A_297 = arith.constant 32 : index
      %parallel_loop3A_298 = tpu.vector_load %arg8[%parallel_loop3A_296, %parallel_loop3A_297] {strides = array<i32>} : memref<128x128xf32, #tpu.memory_space<vmem>>, vector<1x16xf32>,
      %parallel_loop3A_299 = vector.shape_cast %parallel_loop3A_298 : vector<1x16xf32> to vector<16xf32>
      %parallel_loop3A_300 = vector.shape_cast %parallel_loop3A_295 : vector<16xf32> to vector<1x16xf32>
      tpu.vector_store %arg8[%parallel_loop3A_296, %parallel_loop3A_297], %parallel_loop3A_300 {add = true, strides = array<i32>} : memref<128x128xf32, #tpu.memory_space<vmem>>, vector<1x16xf32>,
      %parallel_loop3A_301 = arith.addi %rem3A_219, %parallel_loop3A_270 : i32
      %parallel_loop3A_302 = arith.index_cast %parallel_loop3A_301 : i32 to index
      %parallel_loop3A_303 = arith.constant 48 : index
      %parallel_loop3A_304 = tpu.vector_load %arg7[%parallel_loop3A_302, %parallel_loop3A_303] {strides = array<i32>} : memref<320x128xf32, #tpu.memory_space<vmem>>, vector<1x16xf32>,
      %parallel_loop3A_305 = vector.shape_cast %parallel_loop3A_304 : vector<1x16xf32> to vector<16xf32>
      %parallel_loop3A_306 = arith.index_cast %parallel_loop3A_270 : i32 to index
      %parallel_loop3A_307 = arith.constant 48 : index
      %parallel_loop3A_308 = tpu.vector_load %arg8[%parallel_loop3A_306, %parallel_loop3A_307] {strides = array<i32>} : memref<128x128xf32, #tpu.memory_space<vmem>>, vector<1x16xf32>,
      %parallel_loop3A_309 = vector.shape_cast %parallel_loop3A_308 : vector<1x16xf32> to vector<16xf32>
      %parallel_loop3A_310 = vector.shape_cast %parallel_loop3A_305 : vector<16xf32> to vector<1x16xf32>
      tpu.vector_store %arg8[%parallel_loop3A_306, %parallel_loop3A_307], %parallel_loop3A_310 {add = true, strides = array<i32>} : memref<128x128xf32, #tpu.memory_space<vmem>>, vector<1x16xf32>,
      %parallel_loop3A_311 = arith.addi %rem3A_219, %parallel_loop3A_270 : i32
      %parallel_loop3A_312 = arith.index_cast %parallel_loop3A_311 : i32 to index
      %parallel_loop3A_313 = arith.constant 64 : index
      %parallel_loop3A_314 = tpu.vector_load %arg7[%parallel_loop3A_312, %parallel_loop3A_313] {strides = array<i32>} : memref<320x128xf32, #tpu.memory_space<vmem>>, vector<1x16xf32>,
      %parallel_loop3A_315 = vector.shape_cast %parallel_loop3A_314 : vector<1x16xf32> to vector<16xf32>
      %parallel_loop3A_316 = arith.index_cast %parallel_loop3A_270 : i32 to index
      %parallel_loop3A_317 = arith.constant 64 : index
      %parallel_loop3A_318 = tpu.vector_load %arg8[%parallel_loop3A_316, %parallel_loop3A_317] {strides = array<i32>} : memref<128x128xf32, #tpu.memory_space<vmem>>, vector<1x16xf32>,
      %parallel_loop3A_319 = vector.shape_cast %parallel_loop3A_318 : vector<1x16xf32> to vector<16xf32>
      %parallel_loop3A_320 = vector.shape_cast %parallel_loop3A_315 : vector<16xf32> to vector<1x16xf32>
      tpu.vector_store %arg8[%parallel_loop3A_316, %parallel_loop3A_317], %parallel_loop3A_320 {add = true, strides = array<i32>} : memref<128x128xf32, #tpu.memory_space<vmem>>, vector<1x16xf32>,
      %parallel_loop3A_321 = arith.addi %rem3A_219, %parallel_loop3A_270 : i32
      %parallel_loop3A_322 = arith.index_cast %parallel_loop3A_321 : i32 to index
      %parallel_loop3A_323 = arith.constant 80 : index
      %parallel_loop3A_324 = tpu.vector_load %arg7[%parallel_loop3A_322, %parallel_loop3A_323] {strides = array<i32>} : memref<320x128xf32, #tpu.memory_space<vmem>>, vector<1x16xf32>,
      %parallel_loop3A_325 = vector.shape_cast %parallel_loop3A_324 : vector<1x16xf32> to vector<16xf32>
      %parallel_loop3A_326 = arith.index_cast %parallel_loop3A_270 : i32 to index
      %parallel_loop3A_327 = arith.constant 80 : index
      %parallel_loop3A_328 = tpu.vector_load %arg8[%parallel_loop3A_326, %parallel_loop3A_327] {strides = array<i32>} : memref<128x128xf32, #tpu.memory_space<vmem>>, vector<1x16xf32>,
      %parallel_loop3A_329 = vector.shape_cast %parallel_loop3A_328 : vector<1x16xf32> to vector<16xf32>
      %parallel_loop3A_330 = vector.shape_cast %parallel_loop3A_325 : vector<16xf32> to vector<1x16xf32>
      tpu.vector_store %arg8[%parallel_loop3A_326, %parallel_loop3A_327], %parallel_loop3A_330 {add = true, strides = array<i32>} : memref<128x128xf32, #tpu.memory_space<vmem>>, vector<1x16xf32>,
      %parallel_loop3A_331 = arith.addi %rem3A_219, %parallel_loop3A_270 : i32
      %parallel_loop3A_332 = arith.index_cast %parallel_loop3A_331 : i32 to index
      %parallel_loop3A_333 = arith.constant 96 : index
      %parallel_loop3A_334 = tpu.vector_load %arg7[%parallel_loop3A_332, %parallel_loop3A_333] {strides = array<i32>} : memref<320x128xf32, #tpu.memory_space<vmem>>, vector<1x16xf32>,
      %parallel_loop3A_335 = vector.shape_cast %parallel_loop3A_334 : vector<1x16xf32> to vector<16xf32>
      %parallel_loop3A_336 = arith.index_cast %parallel_loop3A_270 : i32 to index
      %parallel_loop3A_337 = arith.constant 96 : index
      %parallel_loop3A_338 = tpu.vector_load %arg8[%parallel_loop3A_336, %parallel_loop3A_337] {strides = array<i32>} : memref<128x128xf32, #tpu.memory_space<vmem>>, vector<1x16xf32>,
      %parallel_loop3A_339 = vector.shape_cast %parallel_loop3A_338 : vector<1x16xf32> to vector<16xf32>
      %parallel_loop3A_340 = vector.shape_cast %parallel_loop3A_335 : vector<16xf32> to vector<1x16xf32>
      tpu.vector_store %arg8[%parallel_loop3A_336, %parallel_loop3A_337], %parallel_loop3A_340 {add = true, strides = array<i32>} : memref<128x128xf32, #tpu.memory_space<vmem>>, vector<1x16xf32>,
      %parallel_loop3A_341 = arith.addi %rem3A_219, %parallel_loop3A_270 : i32
      %parallel_loop3A_342 = arith.index_cast %parallel_loop3A_341 : i32 to index
      %parallel_loop3A_343 = arith.constant 112 : index
      %parallel_loop3A_344 = tpu.vector_load %arg7[%parallel_loop3A_342, %parallel_loop3A_343] {strides = array<i32>} : memref<320x128xf32, #tpu.memory_space<vmem>>, vector<1x16xf32>,
      %parallel_loop3A_345 = vector.shape_cast %parallel_loop3A_344 : vector<1x16xf32> to vector<16xf32>
      %parallel_loop3A_346 = arith.index_cast %parallel_loop3A_270 : i32 to index
      %parallel_loop3A_347 = arith.constant 112 : index
      %parallel_loop3A_348 = tpu.vector_load %arg8[%parallel_loop3A_346, %parallel_loop3A_347] {strides = array<i32>} : memref<128x128xf32, #tpu.memory_space<vmem>>, vector<1x16xf32>,
      %parallel_loop3A_349 = vector.shape_cast %parallel_loop3A_348 : vector<1x16xf32> to vector<16xf32>
      %parallel_loop3A_350 = vector.shape_cast %parallel_loop3A_345 : vector<16xf32> to vector<1x16xf32>
      tpu.vector_store %arg8[%parallel_loop3A_346, %parallel_loop3A_347], %parallel_loop3A_350 {add = true, strides = array<i32>} : memref<128x128xf32, #tpu.memory_space<vmem>>, vector<1x16xf32>,
    } {sc.loop_unroll_factor = 4 : i64, sc.parallel_access}
    %add3A_223 = arith.constant 384 : i32
    %add3A_224 = arith.addi %mul3A_2, %add3A_223 : i32
    %dma_start3A_225 = arith.constant 0 : i32
    %dma_start3A_226 = tpu.memref_slice %arg5[%add3A_224, %dma_start3A_225] : memref<204800x128xf32, #tpu.memory_space<hbm>> -> memref<128x128xf32, #tpu.memory_space<hbm>>
    %dma_start3A_227 = arith.constant 0 : i32
    %dma_start3A_228 = tpu.memref_slice %arg5[%add3A_224, %dma_start3A_227] : memref<204800x128xf32, #tpu.memory_space<hbm>> -> memref<128x128xf32, #tpu.memory_space<hbm>>
    tpu.enqueue_dma source(%arg8 : memref<128x128xf32, #tpu.memory_space<vmem>>) target(%dma_start3A_228 : memref<128x128xf32, #tpu.memory_space<hbm>>) target_semaphore(%arg14 : memref<!tpu.dma_semaphore, #tpu.memory_space<semaphore_mem>>)
    %scan3A_229 = arith.constant 0 : i32
    %scan3A_230 = arith.constant 0 : i32
    %scan3A_231 = arith.constant 15 : i32
    %scan3A_232 = arith.addi %scan3A_230, %scan3A_231 : i32
    %scan3A_233 = arith.constant 1 : i32
    scf.for %scan3A_270 = %scan3A_230 to %scan3A_232 step %scan3A_233  : i32 {
      %mul3A_271 = arith.constant 3 : i32
      %mul3A_272 = arith.muli %mul3A_271, %scan3A_270 : i32
      %add3A_273 = arith.constant 4 : i32
      %add3A_274 = arith.addi %add3A_273, %mul3A_272 : i32
      %dma_wait3A_275 = arith.constant 0 : i32
      %dma_wait3A_276 = arith.constant 0 : i32
      %dma_wait3A_277 = tpu.memref_slice %arg5[%dma_wait3A_275, %dma_wait3A_276] : memref<204800x128xf32, #tpu.memory_space<hbm>> -> memref<128x128xf32, #tpu.memory_space<hbm>>
      %dma_wait3A_278 = arith.constant 0 : i32
      %dma_wait3A_279 = arith.constant 0 : i32
      %dma_wait3A_280 = tpu.memref_slice %arg5[%dma_wait3A_278, %dma_wait3A_279] : memref<204800x128xf32, #tpu.memory_space<hbm>> -> memref<128x128xf32, #tpu.memory_space<hbm>>
      tpu.wait_dma2 semaphore(%arg16 : memref<!tpu.dma_semaphore, #tpu.memory_space<semaphore_mem>>) src(%arg10 : memref<128x128xf32, #tpu.memory_space<vmem>>) dst(%dma_wait3A_280 : memref<128x128xf32, #tpu.memory_space<hbm>>)
      %add3A_281 = arith.constant 1 : i32
      %add3A_282 = arith.addi %add3A_274, %add3A_281 : i32
      %mul3A_283 = arith.constant 128 : i32
      %mul3A_284 = arith.muli %add3A_282, %mul3A_283 : i32
      %dma_start3A_285 = tpu.memref_slice %arg6[%mul3A_284] : memref<6400xi32, #tpu.memory_space<vmem>> -> memref<128xi32, #tpu.memory_space<vmem>>
      %dma_start3A_286 = arith.constant 0 : i32
      %dma_start3A_287 = arith.constant 0 : i32
      %dma_start3A_288 = tpu.memref_slice %arg2[%dma_start3A_286, %dma_start3A_287] : memref<1000001x128xf32, #tpu.memory_space<hbm>> -> memref<1000001x128xf32, #tpu.memory_space<hbm>>
      tpu.enqueue_indirect_dma source(%dma_start3A_288 : memref<1000001x128xf32, #tpu.memory_space<hbm>>) target(%arg10 : memref<128x128xf32, #tpu.memory_space<vmem>>) offsets(%dma_start3A_285 : memref<128xi32, #tpu.memory_space<vmem>>) semaphore(%arg13 : memref<!tpu.dma_semaphore, #tpu.memory_space<semaphore_mem>>)
      %dma_wait3A_289 = arith.constant 0 : i32
      %dma_wait3A_290 = tpu.memref_slice %arg6[%dma_wait3A_289] : memref<6400xi32, #tpu.memory_space<vmem>> -> memref<128xi32, #tpu.memory_space<vmem>>
      %dma_wait3A_291 = arith.constant 0 : i32
      %dma_wait3A_292 = arith.constant 0 : i32
      %dma_wait3A_293 = tpu.memref_slice %arg2[%dma_wait3A_291, %dma_wait3A_292] : memref<1000001x128xf32, #tpu.memory_space<hbm>> -> memref<1000001x128xf32, #tpu.memory_space<hbm>>
      tpu.wait_indirect_dma semaphore(%arg12 : memref<!tpu.dma_semaphore, #tpu.memory_space<semaphore_mem>>) src(%dma_wait3A_293 : memref<1000001x128xf32, #tpu.memory_space<hbm>>) dst(%arg9 : memref<128x128xf32, #tpu.memory_space<vmem>>)
      %mul3A_294 = arith.constant 128 : i32
      %mul3A_295 = arith.muli %add3A_274, %mul3A_294 : i32
      %rem3A_296 = arith.constant 200 : i32
      %rem3A_297 = arith.remsi %mul3A_295, %rem3A_296 : i32
      %parallel_loop3A_298 = arith.constant 0 : i32
      %parallel_loop3A_299 = arith.constant 128 : i32
      %parallel_loop3A_300 = arith.constant 1 : i32
      scf.for %parallel_loop3A_378 = %parallel_loop3A_298 to %parallel_loop3A_299 step %parallel_loop3A_300  : i32 {
        %parallel_loop3A_379 = arith.addi %rem3A_297, %parallel_loop3A_378 : i32
        %parallel_loop3A_380 = arith.index_cast %parallel_loop3A_379 : i32 to index
        %parallel_loop3A_381 = arith.constant 0 : index
        %parallel_loop3A_382 = tpu.vector_load %arg7[%parallel_loop3A_380, %parallel_loop3A_381] {strides = array<i32>} : memref<320x128xf32, #tpu.memory_space<vmem>>, vector<1x16xf32>,
        %parallel_loop3A_383 = vector.shape_cast %parallel_loop3A_382 : vector<1x16xf32> to vector<16xf32>
        %parallel_loop3A_384 = arith.index_cast %parallel_loop3A_378 : i32 to index
        %parallel_loop3A_385 = arith.constant 0 : index
        %parallel_loop3A_386 = tpu.vector_load %arg9[%parallel_loop3A_384, %parallel_loop3A_385] {strides = array<i32>} : memref<128x128xf32, #tpu.memory_space<vmem>>, vector<1x16xf32>,
        %parallel_loop3A_387 = vector.shape_cast %parallel_loop3A_386 : vector<1x16xf32> to vector<16xf32>
        %parallel_loop3A_388 = vector.shape_cast %parallel_loop3A_383 : vector<16xf32> to vector<1x16xf32>
        tpu.vector_store %arg9[%parallel_loop3A_384, %parallel_loop3A_385], %parallel_loop3A_388 {add = true, strides = array<i32>} : memref<128x128xf32, #tpu.memory_space<vmem>>, vector<1x16xf32>,
        %parallel_loop3A_389 = arith.addi %rem3A_297, %parallel_loop3A_378 : i32
        %parallel_loop3A_390 = arith.index_cast %parallel_loop3A_389 : i32 to index
        %parallel_loop3A_391 = arith.constant 16 : index
        %parallel_loop3A_392 = tpu.vector_load %arg7[%parallel_loop3A_390, %parallel_loop3A_391] {strides = array<i32>} : memref<320x128xf32, #tpu.memory_space<vmem>>, vector<1x16xf32>,
        %parallel_loop3A_393 = vector.shape_cast %parallel_loop3A_392 : vector<1x16xf32> to vector<16xf32>
        %parallel_loop3A_394 = arith.index_cast %parallel_loop3A_378 : i32 to index
        %parallel_loop3A_395 = arith.constant 16 : index
        %parallel_loop3A_396 = tpu.vector_load %arg9[%parallel_loop3A_394, %parallel_loop3A_395] {strides = array<i32>} : memref<128x128xf32, #tpu.memory_space<vmem>>, vector<1x16xf32>,
        %parallel_loop3A_397 = vector.shape_cast %parallel_loop3A_396 : vector<1x16xf32> to vector<16xf32>
        %parallel_loop3A_398 = vector.shape_cast %parallel_loop3A_393 : vector<16xf32> to vector<1x16xf32>
        tpu.vector_store %arg9[%parallel_loop3A_394, %parallel_loop3A_395], %parallel_loop3A_398 {add = true, strides = array<i32>} : memref<128x128xf32, #tpu.memory_space<vmem>>, vector<1x16xf32>,
        %parallel_loop3A_399 = arith.addi %rem3A_297, %parallel_loop3A_378 : i32
        %parallel_loop3A_400 = arith.index_cast %parallel_loop3A_399 : i32 to index
        %parallel_loop3A_401 = arith.constant 32 : index
        %parallel_loop3A_402 = tpu.vector_load %arg7[%parallel_loop3A_400, %parallel_loop3A_401] {strides = array<i32>} : memref<320x128xf32, #tpu.memory_space<vmem>>, vector<1x16xf32>,
        %parallel_loop3A_403 = vector.shape_cast %parallel_loop3A_402 : vector<1x16xf32> to vector<16xf32>
        %parallel_loop3A_404 = arith.index_cast %parallel_loop3A_378 : i32 to index
        %parallel_loop3A_405 = arith.constant 32 : index
        %parallel_loop3A_406 = tpu.vector_load %arg9[%parallel_loop3A_404, %parallel_loop3A_405] {strides = array<i32>} : memref<128x128xf32, #tpu.memory_space<vmem>>, vector<1x16xf32>,
        %parallel_loop3A_407 = vector.shape_cast %parallel_loop3A_406 : vector<1x16xf32> to vector<16xf32>
        %parallel_loop3A_408 = vector.shape_cast %parallel_loop3A_403 : vector<16xf32> to vector<1x16xf32>
        tpu.vector_store %arg9[%parallel_loop3A_404, %parallel_loop3A_405], %parallel_loop3A_408 {add = true, strides = array<i32>} : memref<128x128xf32, #tpu.memory_space<vmem>>, vector<1x16xf32>,
        %parallel_loop3A_409 = arith.addi %rem3A_297, %parallel_loop3A_378 : i32
        %parallel_loop3A_410 = arith.index_cast %parallel_loop3A_409 : i32 to index
        %parallel_loop3A_411 = arith.constant 48 : index
        %parallel_loop3A_412 = tpu.vector_load %arg7[%parallel_loop3A_410, %parallel_loop3A_411] {strides = array<i32>} : memref<320x128xf32, #tpu.memory_space<vmem>>, vector<1x16xf32>,
        %parallel_loop3A_413 = vector.shape_cast %parallel_loop3A_412 : vector<1x16xf32> to vector<16xf32>
        %parallel_loop3A_414 = arith.index_cast %parallel_loop3A_378 : i32 to index
        %parallel_loop3A_415 = arith.constant 48 : index
        %parallel_loop3A_416 = tpu.vector_load %arg9[%parallel_loop3A_414, %parallel_loop3A_415] {strides = array<i32>} : memref<128x128xf32, #tpu.memory_space<vmem>>, vector<1x16xf32>,
        %parallel_loop3A_417 = vector.shape_cast %parallel_loop3A_416 : vector<1x16xf32> to vector<16xf32>
        %parallel_loop3A_418 = vector.shape_cast %parallel_loop3A_413 : vector<16xf32> to vector<1x16xf32>
        tpu.vector_store %arg9[%parallel_loop3A_414, %parallel_loop3A_415], %parallel_loop3A_418 {add = true, strides = array<i32>} : memref<128x128xf32, #tpu.memory_space<vmem>>, vector<1x16xf32>,
        %parallel_loop3A_419 = arith.addi %rem3A_297, %parallel_loop3A_378 : i32
        %parallel_loop3A_420 = arith.index_cast %parallel_loop3A_419 : i32 to index
        %parallel_loop3A_421 = arith.constant 64 : index
        %parallel_loop3A_422 = tpu.vector_load %arg7[%parallel_loop3A_420, %parallel_loop3A_421] {strides = array<i32>} : memref<320x128xf32, #tpu.memory_space<vmem>>, vector<1x16xf32>,
        %parallel_loop3A_423 = vector.shape_cast %parallel_loop3A_422 : vector<1x16xf32> to vector<16xf32>
        %parallel_loop3A_424 = arith.index_cast %parallel_loop3A_378 : i32 to index
        %parallel_loop3A_425 = arith.constant 64 : index
        %parallel_loop3A_426 = tpu.vector_load %arg9[%parallel_loop3A_424, %parallel_loop3A_425] {strides = array<i32>} : memref<128x128xf32, #tpu.memory_space<vmem>>, vector<1x16xf32>,
        %parallel_loop3A_427 = vector.shape_cast %parallel_loop3A_426 : vector<1x16xf32> to vector<16xf32>
        %parallel_loop3A_428 = vector.shape_cast %parallel_loop3A_423 : vector<16xf32> to vector<1x16xf32>
        tpu.vector_store %arg9[%parallel_loop3A_424, %parallel_loop3A_425], %parallel_loop3A_428 {add = true, strides = array<i32>} : memref<128x128xf32, #tpu.memory_space<vmem>>, vector<1x16xf32>,
        %parallel_loop3A_429 = arith.addi %rem3A_297, %parallel_loop3A_378 : i32
        %parallel_loop3A_430 = arith.index_cast %parallel_loop3A_429 : i32 to index
        %parallel_loop3A_431 = arith.constant 80 : index
        %parallel_loop3A_432 = tpu.vector_load %arg7[%parallel_loop3A_430, %parallel_loop3A_431] {strides = array<i32>} : memref<320x128xf32, #tpu.memory_space<vmem>>, vector<1x16xf32>,
        %parallel_loop3A_433 = vector.shape_cast %parallel_loop3A_432 : vector<1x16xf32> to vector<16xf32>
        %parallel_loop3A_434 = arith.index_cast %parallel_loop3A_378 : i32 to index
        %parallel_loop3A_435 = arith.constant 80 : index
        %parallel_loop3A_436 = tpu.vector_load %arg9[%parallel_loop3A_434, %parallel_loop3A_435] {strides = array<i32>} : memref<128x128xf32, #tpu.memory_space<vmem>>, vector<1x16xf32>,
        %parallel_loop3A_437 = vector.shape_cast %parallel_loop3A_436 : vector<1x16xf32> to vector<16xf32>
        %parallel_loop3A_438 = vector.shape_cast %parallel_loop3A_433 : vector<16xf32> to vector<1x16xf32>
        tpu.vector_store %arg9[%parallel_loop3A_434, %parallel_loop3A_435], %parallel_loop3A_438 {add = true, strides = array<i32>} : memref<128x128xf32, #tpu.memory_space<vmem>>, vector<1x16xf32>,
        %parallel_loop3A_439 = arith.addi %rem3A_297, %parallel_loop3A_378 : i32
        %parallel_loop3A_440 = arith.index_cast %parallel_loop3A_439 : i32 to index
        %parallel_loop3A_441 = arith.constant 96 : index
        %parallel_loop3A_442 = tpu.vector_load %arg7[%parallel_loop3A_440, %parallel_loop3A_441] {strides = array<i32>} : memref<320x128xf32, #tpu.memory_space<vmem>>, vector<1x16xf32>,
        %parallel_loop3A_443 = vector.shape_cast %parallel_loop3A_442 : vector<1x16xf32> to vector<16xf32>
        %parallel_loop3A_444 = arith.index_cast %parallel_loop3A_378 : i32 to index
        %parallel_loop3A_445 = arith.constant 96 : index
        %parallel_loop3A_446 = tpu.vector_load %arg9[%parallel_loop3A_444, %parallel_loop3A_445] {strides = array<i32>} : memref<128x128xf32, #tpu.memory_space<vmem>>, vector<1x16xf32>,
        %parallel_loop3A_447 = vector.shape_cast %parallel_loop3A_446 : vector<1x16xf32> to vector<16xf32>
        %parallel_loop3A_448 = vector.shape_cast %parallel_loop3A_443 : vector<16xf32> to vector<1x16xf32>
        tpu.vector_store %arg9[%parallel_loop3A_444, %parallel_loop3A_445], %parallel_loop3A_448 {add = true, strides = array<i32>} : memref<128x128xf32, #tpu.memory_space<vmem>>, vector<1x16xf32>,
        %parallel_loop3A_449 = arith.addi %rem3A_297, %parallel_loop3A_378 : i32
        %parallel_loop3A_450 = arith.index_cast %parallel_loop3A_449 : i32 to index
        %parallel_loop3A_451 = arith.constant 112 : index
        %parallel_loop3A_452 = tpu.vector_load %arg7[%parallel_loop3A_450, %parallel_loop3A_451] {strides = array<i32>} : memref<320x128xf32, #tpu.memory_space<vmem>>, vector<1x16xf32>,
        %parallel_loop3A_453 = vector.shape_cast %parallel_loop3A_452 : vector<1x16xf32> to vector<16xf32>
        %parallel_loop3A_454 = arith.index_cast %parallel_loop3A_378 : i32 to index
        %parallel_loop3A_455 = arith.constant 112 : index
        %parallel_loop3A_456 = tpu.vector_load %arg9[%parallel_loop3A_454, %parallel_loop3A_455] {strides = array<i32>} : memref<128x128xf32, #tpu.memory_space<vmem>>, vector<1x16xf32>,
        %parallel_loop3A_457 = vector.shape_cast %parallel_loop3A_456 : vector<1x16xf32> to vector<16xf32>
        %parallel_loop3A_458 = vector.shape_cast %parallel_loop3A_453 : vector<16xf32> to vector<1x16xf32>
        tpu.vector_store %arg9[%parallel_loop3A_454, %parallel_loop3A_455], %parallel_loop3A_458 {add = true, strides = array<i32>} : memref<128x128xf32, #tpu.memory_space<vmem>>, vector<1x16xf32>,
      } {sc.loop_unroll_factor = 4 : i64, sc.parallel_access}
      %mul3A_301 = arith.constant 128 : i32
      %mul3A_302 = arith.muli %add3A_274, %mul3A_301 : i32
      %add3A_303 = arith.addi %mul3A_2, %mul3A_302 : i32
      %dma_start3A_304 = arith.constant 0 : i32
      %dma_start3A_305 = tpu.memref_slice %arg5[%add3A_303, %dma_start3A_304] : memref<204800x128xf32, #tpu.memory_space<hbm>> -> memref<128x128xf32, #tpu.memory_space<hbm>>
      %dma_start3A_306 = arith.constant 0 : i32
      %dma_start3A_307 = tpu.memref_slice %arg5[%add3A_303, %dma_start3A_306] : memref<204800x128xf32, #tpu.memory_space<hbm>> -> memref<128x128xf32, #tpu.memory_space<hbm>>
      tpu.enqueue_dma source(%arg9 : memref<128x128xf32, #tpu.memory_space<vmem>>) target(%dma_start3A_307 : memref<128x128xf32, #tpu.memory_space<hbm>>) target_semaphore(%arg15 : memref<!tpu.dma_semaphore, #tpu.memory_space<semaphore_mem>>)
      %add3A_308 = arith.constant 1 : i32
      %add3A_309 = arith.addi %add3A_274, %add3A_308 : i32
      %dma_wait3A_310 = arith.constant 0 : i32
      %dma_wait3A_311 = arith.constant 0 : i32
      %dma_wait3A_312 = tpu.memref_slice %arg5[%dma_wait3A_310, %dma_wait3A_311] : memref<204800x128xf32, #tpu.memory_space<hbm>> -> memref<128x128xf32, #tpu.memory_space<hbm>>
      %dma_wait3A_313 = arith.constant 0 : i32
      %dma_wait3A_314 = arith.constant 0 : i32
      %dma_wait3A_315 = tpu.memref_slice %arg5[%dma_wait3A_313, %dma_wait3A_314] : memref<204800x128xf32, #tpu.memory_space<hbm>> -> memref<128x128xf32, #tpu.memory_space<hbm>>
      tpu.wait_dma2 semaphore(%arg14 : memref<!tpu.dma_semaphore, #tpu.memory_space<semaphore_mem>>) src(%arg8 : memref<128x128xf32, #tpu.memory_space<vmem>>) dst(%dma_wait3A_315 : memref<128x128xf32, #tpu.memory_space<hbm>>)
      %add3A_316 = arith.constant 1 : i32
      %add3A_317 = arith.addi %add3A_309, %add3A_316 : i32
      %mul3A_318 = arith.constant 128 : i32
      %mul3A_319 = arith.muli %add3A_317, %mul3A_318 : i32
      %dma_start3A_320 = tpu.memref_slice %arg6[%mul3A_319] : memref<6400xi32, #tpu.memory_space<vmem>> -> memref<128xi32, #tpu.memory_space<vmem>>
      %dma_start3A_321 = arith.constant 0 : i32
      %dma_start3A_322 = arith.constant 0 : i32
      %dma_start3A_323 = tpu.memref_slice %arg2[%dma_start3A_321, %dma_start3A_322] : memref<1000001x128xf32, #tpu.memory_space<hbm>> -> memref<1000001x128xf32, #tpu.memory_space<hbm>>
      tpu.enqueue_indirect_dma source(%dma_start3A_323 : memref<1000001x128xf32, #tpu.memory_space<hbm>>) target(%arg8 : memref<128x128xf32, #tpu.memory_space<vmem>>) offsets(%dma_start3A_320 : memref<128xi32, #tpu.memory_space<vmem>>) semaphore(%arg11 : memref<!tpu.dma_semaphore, #tpu.memory_space<semaphore_mem>>)
      %dma_wait3A_324 = arith.constant 0 : i32
      %dma_wait3A_325 = tpu.memref_slice %arg6[%dma_wait3A_324] : memref<6400xi32, #tpu.memory_space<vmem>> -> memref<128xi32, #tpu.memory_space<vmem>>
      %dma_wait3A_326 = arith.constant 0 : i32
      %dma_wait3A_327 = arith.constant 0 : i32
      %dma_wait3A_328 = tpu.memref_slice %arg2[%dma_wait3A_326, %dma_wait3A_327] : memref<1000001x128xf32, #tpu.memory_space<hbm>> -> memref<1000001x128xf32, #tpu.memory_space<hbm>>
      tpu.wait_indirect_dma semaphore(%arg13 : memref<!tpu.dma_semaphore, #tpu.memory_space<semaphore_mem>>) src(%dma_wait3A_328 : memref<1000001x128xf32, #tpu.memory_space<hbm>>) dst(%arg10 : memref<128x128xf32, #tpu.memory_space<vmem>>)
      %mul3A_329 = arith.constant 128 : i32
      %mul3A_330 = arith.muli %add3A_309, %mul3A_329 : i32
      %rem3A_331 = arith.constant 200 : i32
      %rem3A_332 = arith.remsi %mul3A_330, %rem3A_331 : i32
      %parallel_loop3A_333 = arith.constant 0 : i32
      %parallel_loop3A_334 = arith.constant 128 : i32
      %parallel_loop3A_335 = arith.constant 1 : i32
      scf.for %parallel_loop3A_378 = %parallel_loop3A_333 to %parallel_loop3A_334 step %parallel_loop3A_335  : i32 {
        %parallel_loop3A_379 = arith.addi %rem3A_332, %parallel_loop3A_378 : i32
        %parallel_loop3A_380 = arith.index_cast %parallel_loop3A_379 : i32 to index
        %parallel_loop3A_381 = arith.constant 0 : index
        %parallel_loop3A_382 = tpu.vector_load %arg7[%parallel_loop3A_380, %parallel_loop3A_381] {strides = array<i32>} : memref<320x128xf32, #tpu.memory_space<vmem>>, vector<1x16xf32>,
        %parallel_loop3A_383 = vector.shape_cast %parallel_loop3A_382 : vector<1x16xf32> to vector<16xf32>
        %parallel_loop3A_384 = arith.index_cast %parallel_loop3A_378 : i32 to index
        %parallel_loop3A_385 = arith.constant 0 : index
        %parallel_loop3A_386 = tpu.vector_load %arg10[%parallel_loop3A_384, %parallel_loop3A_385] {strides = array<i32>} : memref<128x128xf32, #tpu.memory_space<vmem>>, vector<1x16xf32>,
        %parallel_loop3A_387 = vector.shape_cast %parallel_loop3A_386 : vector<1x16xf32> to vector<16xf32>
        %parallel_loop3A_388 = vector.shape_cast %parallel_loop3A_383 : vector<16xf32> to vector<1x16xf32>
        tpu.vector_store %arg10[%parallel_loop3A_384, %parallel_loop3A_385], %parallel_loop3A_388 {add = true, strides = array<i32>} : memref<128x128xf32, #tpu.memory_space<vmem>>, vector<1x16xf32>,
        %parallel_loop3A_389 = arith.addi %rem3A_332, %parallel_loop3A_378 : i32
        %parallel_loop3A_390 = arith.index_cast %parallel_loop3A_389 : i32 to index
        %parallel_loop3A_391 = arith.constant 16 : index
        %parallel_loop3A_392 = tpu.vector_load %arg7[%parallel_loop3A_390, %parallel_loop3A_391] {strides = array<i32>} : memref<320x128xf32, #tpu.memory_space<vmem>>, vector<1x16xf32>,
        %parallel_loop3A_393 = vector.shape_cast %parallel_loop3A_392 : vector<1x16xf32> to vector<16xf32>
        %parallel_loop3A_394 = arith.index_cast %parallel_loop3A_378 : i32 to index
        %parallel_loop3A_395 = arith.constant 16 : index
        %parallel_loop3A_396 = tpu.vector_load %arg10[%parallel_loop3A_394, %parallel_loop3A_395] {strides = array<i32>} : memref<128x128xf32, #tpu.memory_space<vmem>>, vector<1x16xf32>,
        %parallel_loop3A_397 = vector.shape_cast %parallel_loop3A_396 : vector<1x16xf32> to vector<16xf32>
        %parallel_loop3A_398 = vector.shape_cast %parallel_loop3A_393 : vector<16xf32> to vector<1x16xf32>
        tpu.vector_store %arg10[%parallel_loop3A_394, %parallel_loop3A_395], %parallel_loop3A_398 {add = true, strides = array<i32>} : memref<128x128xf32, #tpu.memory_space<vmem>>, vector<1x16xf32>,
        %parallel_loop3A_399 = arith.addi %rem3A_332, %parallel_loop3A_378 : i32
        %parallel_loop3A_400 = arith.index_cast %parallel_loop3A_399 : i32 to index
        %parallel_loop3A_401 = arith.constant 32 : index
        %parallel_loop3A_402 = tpu.vector_load %arg7[%parallel_loop3A_400, %parallel_loop3A_401] {strides = array<i32>} : memref<320x128xf32, #tpu.memory_space<vmem>>, vector<1x16xf32>,
        %parallel_loop3A_403 = vector.shape_cast %parallel_loop3A_402 : vector<1x16xf32> to vector<16xf32>
        %parallel_loop3A_404 = arith.index_cast %parallel_loop3A_378 : i32 to index
        %parallel_loop3A_405 = arith.constant 32 : index
        %parallel_loop3A_406 = tpu.vector_load %arg10[%parallel_loop3A_404, %parallel_loop3A_405] {strides = array<i32>} : memref<128x128xf32, #tpu.memory_space<vmem>>, vector<1x16xf32>,
        %parallel_loop3A_407 = vector.shape_cast %parallel_loop3A_406 : vector<1x16xf32> to vector<16xf32>
        %parallel_loop3A_408 = vector.shape_cast %parallel_loop3A_403 : vector<16xf32> to vector<1x16xf32>
        tpu.vector_store %arg10[%parallel_loop3A_404, %parallel_loop3A_405], %parallel_loop3A_408 {add = true, strides = array<i32>} : memref<128x128xf32, #tpu.memory_space<vmem>>, vector<1x16xf32>,
        %parallel_loop3A_409 = arith.addi %rem3A_332, %parallel_loop3A_378 : i32
        %parallel_loop3A_410 = arith.index_cast %parallel_loop3A_409 : i32 to index
        %parallel_loop3A_411 = arith.constant 48 : index
        %parallel_loop3A_412 = tpu.vector_load %arg7[%parallel_loop3A_410, %parallel_loop3A_411] {strides = array<i32>} : memref<320x128xf32, #tpu.memory_space<vmem>>, vector<1x16xf32>,
        %parallel_loop3A_413 = vector.shape_cast %parallel_loop3A_412 : vector<1x16xf32> to vector<16xf32>
        %parallel_loop3A_414 = arith.index_cast %parallel_loop3A_378 : i32 to index
        %parallel_loop3A_415 = arith.constant 48 : index
        %parallel_loop3A_416 = tpu.vector_load %arg10[%parallel_loop3A_414, %parallel_loop3A_415] {strides = array<i32>} : memref<128x128xf32, #tpu.memory_space<vmem>>, vector<1x16xf32>,
        %parallel_loop3A_417 = vector.shape_cast %parallel_loop3A_416 : vector<1x16xf32> to vector<16xf32>
        %parallel_loop3A_418 = vector.shape_cast %parallel_loop3A_413 : vector<16xf32> to vector<1x16xf32>
        tpu.vector_store %arg10[%parallel_loop3A_414, %parallel_loop3A_415], %parallel_loop3A_418 {add = true, strides = array<i32>} : memref<128x128xf32, #tpu.memory_space<vmem>>, vector<1x16xf32>,
        %parallel_loop3A_419 = arith.addi %rem3A_332, %parallel_loop3A_378 : i32
        %parallel_loop3A_420 = arith.index_cast %parallel_loop3A_419 : i32 to index
        %parallel_loop3A_421 = arith.constant 64 : index
        %parallel_loop3A_422 = tpu.vector_load %arg7[%parallel_loop3A_420, %parallel_loop3A_421] {strides = array<i32>} : memref<320x128xf32, #tpu.memory_space<vmem>>, vector<1x16xf32>,
        %parallel_loop3A_423 = vector.shape_cast %parallel_loop3A_422 : vector<1x16xf32> to vector<16xf32>
        %parallel_loop3A_424 = arith.index_cast %parallel_loop3A_378 : i32 to index
        %parallel_loop3A_425 = arith.constant 64 : index
        %parallel_loop3A_426 = tpu.vector_load %arg10[%parallel_loop3A_424, %parallel_loop3A_425] {strides = array<i32>} : memref<128x128xf32, #tpu.memory_space<vmem>>, vector<1x16xf32>,
        %parallel_loop3A_427 = vector.shape_cast %parallel_loop3A_426 : vector<1x16xf32> to vector<16xf32>
        %parallel_loop3A_428 = vector.shape_cast %parallel_loop3A_423 : vector<16xf32> to vector<1x16xf32>
        tpu.vector_store %arg10[%parallel_loop3A_424, %parallel_loop3A_425], %parallel_loop3A_428 {add = true, strides = array<i32>} : memref<128x128xf32, #tpu.memory_space<vmem>>, vector<1x16xf32>,
        %parallel_loop3A_429 = arith.addi %rem3A_332, %parallel_loop3A_378 : i32
        %parallel_loop3A_430 = arith.index_cast %parallel_loop3A_429 : i32 to index
        %parallel_loop3A_431 = arith.constant 80 : index
        %parallel_loop3A_432 = tpu.vector_load %arg7[%parallel_loop3A_430, %parallel_loop3A_431] {strides = array<i32>} : memref<320x128xf32, #tpu.memory_space<vmem>>, vector<1x16xf32>,
        %parallel_loop3A_433 = vector.shape_cast %parallel_loop3A_432 : vector<1x16xf32> to vector<16xf32>
        %parallel_loop3A_434 = arith.index_cast %parallel_loop3A_378 : i32 to index
        %parallel_loop3A_435 = arith.constant 80 : index
        %parallel_loop3A_436 = tpu.vector_load %arg10[%parallel_loop3A_434, %parallel_loop3A_435] {strides = array<i32>} : memref<128x128xf32, #tpu.memory_space<vmem>>, vector<1x16xf32>,
        %parallel_loop3A_437 = vector.shape_cast %parallel_loop3A_436 : vector<1x16xf32> to vector<16xf32>
        %parallel_loop3A_438 = vector.shape_cast %parallel_loop3A_433 : vector<16xf32> to vector<1x16xf32>
        tpu.vector_store %arg10[%parallel_loop3A_434, %parallel_loop3A_435], %parallel_loop3A_438 {add = true, strides = array<i32>} : memref<128x128xf32, #tpu.memory_space<vmem>>, vector<1x16xf32>,
        %parallel_loop3A_439 = arith.addi %rem3A_332, %parallel_loop3A_378 : i32
        %parallel_loop3A_440 = arith.index_cast %parallel_loop3A_439 : i32 to index
        %parallel_loop3A_441 = arith.constant 96 : index
        %parallel_loop3A_442 = tpu.vector_load %arg7[%parallel_loop3A_440, %parallel_loop3A_441] {strides = array<i32>} : memref<320x128xf32, #tpu.memory_space<vmem>>, vector<1x16xf32>,
        %parallel_loop3A_443 = vector.shape_cast %parallel_loop3A_442 : vector<1x16xf32> to vector<16xf32>
        %parallel_loop3A_444 = arith.index_cast %parallel_loop3A_378 : i32 to index
        %parallel_loop3A_445 = arith.constant 96 : index
        %parallel_loop3A_446 = tpu.vector_load %arg10[%parallel_loop3A_444, %parallel_loop3A_445] {strides = array<i32>} : memref<128x128xf32, #tpu.memory_space<vmem>>, vector<1x16xf32>,
        %parallel_loop3A_447 = vector.shape_cast %parallel_loop3A_446 : vector<1x16xf32> to vector<16xf32>
        %parallel_loop3A_448 = vector.shape_cast %parallel_loop3A_443 : vector<16xf32> to vector<1x16xf32>
        tpu.vector_store %arg10[%parallel_loop3A_444, %parallel_loop3A_445], %parallel_loop3A_448 {add = true, strides = array<i32>} : memref<128x128xf32, #tpu.memory_space<vmem>>, vector<1x16xf32>,
        %parallel_loop3A_449 = arith.addi %rem3A_332, %parallel_loop3A_378 : i32
        %parallel_loop3A_450 = arith.index_cast %parallel_loop3A_449 : i32 to index
        %parallel_loop3A_451 = arith.constant 112 : index
        %parallel_loop3A_452 = tpu.vector_load %arg7[%parallel_loop3A_450, %parallel_loop3A_451] {strides = array<i32>} : memref<320x128xf32, #tpu.memory_space<vmem>>, vector<1x16xf32>,
        %parallel_loop3A_453 = vector.shape_cast %parallel_loop3A_452 : vector<1x16xf32> to vector<16xf32>
        %parallel_loop3A_454 = arith.index_cast %parallel_loop3A_378 : i32 to index
        %parallel_loop3A_455 = arith.constant 112 : index
        %parallel_loop3A_456 = tpu.vector_load %arg10[%parallel_loop3A_454, %parallel_loop3A_455] {strides = array<i32>} : memref<128x128xf32, #tpu.memory_space<vmem>>, vector<1x16xf32>,
        %parallel_loop3A_457 = vector.shape_cast %parallel_loop3A_456 : vector<1x16xf32> to vector<16xf32>
        %parallel_loop3A_458 = vector.shape_cast %parallel_loop3A_453 : vector<16xf32> to vector<1x16xf32>
        tpu.vector_store %arg10[%parallel_loop3A_454, %parallel_loop3A_455], %parallel_loop3A_458 {add = true, strides = array<i32>} : memref<128x128xf32, #tpu.memory_space<vmem>>, vector<1x16xf32>,
      } {sc.loop_unroll_factor = 4 : i64, sc.parallel_access}
      %mul3A_336 = arith.constant 128 : i32
      %mul3A_337 = arith.muli %add3A_309, %mul3A_336 : i32
      %add3A_338 = arith.addi %mul3A_2, %mul3A_337 : i32
      %dma_start3A_339 = arith.constant 0 : i32
      %dma_start3A_340 = tpu.memref_slice %arg5[%add3A_338, %dma_start3A_339] : memref<204800x128xf32, #tpu.memory_space<hbm>> -> memref<128x128xf32, #tpu.memory_space<hbm>>
      %dma_start3A_341 = arith.constant 0 : i32
      %dma_start3A_342 = tpu.memref_slice %arg5[%add3A_338, %dma_start3A_341] : memref<204800x128xf32, #tpu.memory_space<hbm>> -> memref<128x128xf32, #tpu.memory_space<hbm>>
      tpu.enqueue_dma source(%arg10 : memref<128x128xf32, #tpu.memory_space<vmem>>) target(%dma_start3A_342 : memref<128x128xf32, #tpu.memory_space<hbm>>) target_semaphore(%arg16 : memref<!tpu.dma_semaphore, #tpu.memory_space<semaphore_mem>>)
      %add3A_343 = arith.constant 2 : i32
      %add3A_344 = arith.addi %add3A_274, %add3A_343 : i32
      %dma_wait3A_345 = arith.constant 0 : i32
      %dma_wait3A_346 = arith.constant 0 : i32
      %dma_wait3A_347 = tpu.memref_slice %arg5[%dma_wait3A_345, %dma_wait3A_346] : memref<204800x128xf32, #tpu.memory_space<hbm>> -> memref<128x128xf32, #tpu.memory_space<hbm>>
      %dma_wait3A_348 = arith.constant 0 : i32
      %dma_wait3A_349 = arith.constant 0 : i32
      %dma_wait3A_350 = tpu.memref_slice %arg5[%dma_wait3A_348, %dma_wait3A_349] : memref<204800x128xf32, #tpu.memory_space<hbm>> -> memref<128x128xf32, #tpu.memory_space<hbm>>
      tpu.wait_dma2 semaphore(%arg15 : memref<!tpu.dma_semaphore, #tpu.memory_space<semaphore_mem>>) src(%arg9 : memref<128x128xf32, #tpu.memory_space<vmem>>) dst(%dma_wait3A_350 : memref<128x128xf32, #tpu.memory_space<hbm>>)
      %add3A_351 = arith.constant 1 : i32
      %add3A_352 = arith.addi %add3A_344, %add3A_351 : i32
      %mul3A_353 = arith.constant 128 : i32
      %mul3A_354 = arith.muli %add3A_352, %mul3A_353 : i32
      %dma_start3A_355 = tpu.memref_slice %arg6[%mul3A_354] : memref<6400xi32, #tpu.memory_space<vmem>> -> memref<128xi32, #tpu.memory_space<vmem>>
      %dma_start3A_356 = arith.constant 0 : i32
      %dma_start3A_357 = arith.constant 0 : i32
      %dma_start3A_358 = tpu.memref_slice %arg2[%dma_start3A_356, %dma_start3A_357] : memref<1000001x128xf32, #tpu.memory_space<hbm>> -> memref<1000001x128xf32, #tpu.memory_space<hbm>>
      tpu.enqueue_indirect_dma source(%dma_start3A_358 : memref<1000001x128xf32, #tpu.memory_space<hbm>>) target(%arg9 : memref<128x128xf32, #tpu.memory_space<vmem>>) offsets(%dma_start3A_355 : memref<128xi32, #tpu.memory_space<vmem>>) semaphore(%arg12 : memref<!tpu.dma_semaphore, #tpu.memory_space<semaphore_mem>>)
      %dma_wait3A_359 = arith.constant 0 : i32
      %dma_wait3A_360 = tpu.memref_slice %arg6[%dma_wait3A_359] : memref<6400xi32, #tpu.memory_space<vmem>> -> memref<128xi32, #tpu.memory_space<vmem>>
      %dma_wait3A_361 = arith.constant 0 : i32
      %dma_wait3A_362 = arith.constant 0 : i32
      %dma_wait3A_363 = tpu.memref_slice %arg2[%dma_wait3A_361, %dma_wait3A_362] : memref<1000001x128xf32, #tpu.memory_space<hbm>> -> memref<1000001x128xf32, #tpu.memory_space<hbm>>
      tpu.wait_indirect_dma semaphore(%arg11 : memref<!tpu.dma_semaphore, #tpu.memory_space<semaphore_mem>>) src(%dma_wait3A_363 : memref<1000001x128xf32, #tpu.memory_space<hbm>>) dst(%arg8 : memref<128x128xf32, #tpu.memory_space<vmem>>)
      %mul3A_364 = arith.constant 128 : i32
      %mul3A_365 = arith.muli %add3A_344, %mul3A_364 : i32
      %rem3A_366 = arith.constant 200 : i32
      %rem3A_367 = arith.remsi %mul3A_365, %rem3A_366 : i32
      %parallel_loop3A_368 = arith.constant 0 : i32
      %parallel_loop3A_369 = arith.constant 128 : i32
      %parallel_loop3A_370 = arith.constant 1 : i32
      scf.for %parallel_loop3A_378 = %parallel_loop3A_368 to %parallel_loop3A_369 step %parallel_loop3A_370  : i32 {
        %parallel_loop3A_379 = arith.addi %rem3A_367, %parallel_loop3A_378 : i32
        %parallel_loop3A_380 = arith.index_cast %parallel_loop3A_379 : i32 to index
        %parallel_loop3A_381 = arith.constant 0 : index
        %parallel_loop3A_382 = tpu.vector_load %arg7[%parallel_loop3A_380, %parallel_loop3A_381] {strides = array<i32>} : memref<320x128xf32, #tpu.memory_space<vmem>>, vector<1x16xf32>,
        %parallel_loop3A_383 = vector.shape_cast %parallel_loop3A_382 : vector<1x16xf32> to vector<16xf32>
        %parallel_loop3A_384 = arith.index_cast %parallel_loop3A_378 : i32 to index
        %parallel_loop3A_385 = arith.constant 0 : index
        %parallel_loop3A_386 = tpu.vector_load %arg8[%parallel_loop3A_384, %parallel_loop3A_385] {strides = array<i32>} : memref<128x128xf32, #tpu.memory_space<vmem>>, vector<1x16xf32>,
        %parallel_loop3A_387 = vector.shape_cast %parallel_loop3A_386 : vector<1x16xf32> to vector<16xf32>
        %parallel_loop3A_388 = vector.shape_cast %parallel_loop3A_383 : vector<16xf32> to vector<1x16xf32>
        tpu.vector_store %arg8[%parallel_loop3A_384, %parallel_loop3A_385], %parallel_loop3A_388 {add = true, strides = array<i32>} : memref<128x128xf32, #tpu.memory_space<vmem>>, vector<1x16xf32>,
        %parallel_loop3A_389 = arith.addi %rem3A_367, %parallel_loop3A_378 : i32
        %parallel_loop3A_390 = arith.index_cast %parallel_loop3A_389 : i32 to index
        %parallel_loop3A_391 = arith.constant 16 : index
        %parallel_loop3A_392 = tpu.vector_load %arg7[%parallel_loop3A_390, %parallel_loop3A_391] {strides = array<i32>} : memref<320x128xf32, #tpu.memory_space<vmem>>, vector<1x16xf32>,
        %parallel_loop3A_393 = vector.shape_cast %parallel_loop3A_392 : vector<1x16xf32> to vector<16xf32>
        %parallel_loop3A_394 = arith.index_cast %parallel_loop3A_378 : i32 to index
        %parallel_loop3A_395 = arith.constant 16 : index
        %parallel_loop3A_396 = tpu.vector_load %arg8[%parallel_loop3A_394, %parallel_loop3A_395] {strides = array<i32>} : memref<128x128xf32, #tpu.memory_space<vmem>>, vector<1x16xf32>,
        %parallel_loop3A_397 = vector.shape_cast %parallel_loop3A_396 : vector<1x16xf32> to vector<16xf32>
        %parallel_loop3A_398 = vector.shape_cast %parallel_loop3A_393 : vector<16xf32> to vector<1x16xf32>
        tpu.vector_store %arg8[%parallel_loop3A_394, %parallel_loop3A_395], %parallel_loop3A_398 {add = true, strides = array<i32>} : memref<128x128xf32, #tpu.memory_space<vmem>>, vector<1x16xf32>,
        %parallel_loop3A_399 = arith.addi %rem3A_367, %parallel_loop3A_378 : i32
        %parallel_loop3A_400 = arith.index_cast %parallel_loop3A_399 : i32 to index
        %parallel_loop3A_401 = arith.constant 32 : index
        %parallel_loop3A_402 = tpu.vector_load %arg7[%parallel_loop3A_400, %parallel_loop3A_401] {strides = array<i32>} : memref<320x128xf32, #tpu.memory_space<vmem>>, vector<1x16xf32>,
        %parallel_loop3A_403 = vector.shape_cast %parallel_loop3A_402 : vector<1x16xf32> to vector<16xf32>
        %parallel_loop3A_404 = arith.index_cast %parallel_loop3A_378 : i32 to index
        %parallel_loop3A_405 = arith.constant 32 : index
        %parallel_loop3A_406 = tpu.vector_load %arg8[%parallel_loop3A_404, %parallel_loop3A_405] {strides = array<i32>} : memref<128x128xf32, #tpu.memory_space<vmem>>, vector<1x16xf32>,
        %parallel_loop3A_407 = vector.shape_cast %parallel_loop3A_406 : vector<1x16xf32> to vector<16xf32>
        %parallel_loop3A_408 = vector.shape_cast %parallel_loop3A_403 : vector<16xf32> to vector<1x16xf32>
        tpu.vector_store %arg8[%parallel_loop3A_404, %parallel_loop3A_405], %parallel_loop3A_408 {add = true, strides = array<i32>} : memref<128x128xf32, #tpu.memory_space<vmem>>, vector<1x16xf32>,
        %parallel_loop3A_409 = arith.addi %rem3A_367, %parallel_loop3A_378 : i32
        %parallel_loop3A_410 = arith.index_cast %parallel_loop3A_409 : i32 to index
        %parallel_loop3A_411 = arith.constant 48 : index
        %parallel_loop3A_412 = tpu.vector_load %arg7[%parallel_loop3A_410, %parallel_loop3A_411] {strides = array<i32>} : memref<320x128xf32, #tpu.memory_space<vmem>>, vector<1x16xf32>,
        %parallel_loop3A_413 = vector.shape_cast %parallel_loop3A_412 : vector<1x16xf32> to vector<16xf32>
        %parallel_loop3A_414 = arith.index_cast %parallel_loop3A_378 : i32 to index
        %parallel_loop3A_415 = arith.constant 48 : index
        %parallel_loop3A_416 = tpu.vector_load %arg8[%parallel_loop3A_414, %parallel_loop3A_415] {strides = array<i32>} : memref<128x128xf32, #tpu.memory_space<vmem>>, vector<1x16xf32>,
        %parallel_loop3A_417 = vector.shape_cast %parallel_loop3A_416 : vector<1x16xf32> to vector<16xf32>
        %parallel_loop3A_418 = vector.shape_cast %parallel_loop3A_413 : vector<16xf32> to vector<1x16xf32>
        tpu.vector_store %arg8[%parallel_loop3A_414, %parallel_loop3A_415], %parallel_loop3A_418 {add = true, strides = array<i32>} : memref<128x128xf32, #tpu.memory_space<vmem>>, vector<1x16xf32>,
        %parallel_loop3A_419 = arith.addi %rem3A_367, %parallel_loop3A_378 : i32
        %parallel_loop3A_420 = arith.index_cast %parallel_loop3A_419 : i32 to index
        %parallel_loop3A_421 = arith.constant 64 : index
        %parallel_loop3A_422 = tpu.vector_load %arg7[%parallel_loop3A_420, %parallel_loop3A_421] {strides = array<i32>} : memref<320x128xf32, #tpu.memory_space<vmem>>, vector<1x16xf32>,
        %parallel_loop3A_423 = vector.shape_cast %parallel_loop3A_422 : vector<1x16xf32> to vector<16xf32>
        %parallel_loop3A_424 = arith.index_cast %parallel_loop3A_378 : i32 to index
        %parallel_loop3A_425 = arith.constant 64 : index
        %parallel_loop3A_426 = tpu.vector_load %arg8[%parallel_loop3A_424, %parallel_loop3A_425] {strides = array<i32>} : memref<128x128xf32, #tpu.memory_space<vmem>>, vector<1x16xf32>,
        %parallel_loop3A_427 = vector.shape_cast %parallel_loop3A_426 : vector<1x16xf32> to vector<16xf32>
        %parallel_loop3A_428 = vector.shape_cast %parallel_loop3A_423 : vector<16xf32> to vector<1x16xf32>
        tpu.vector_store %arg8[%parallel_loop3A_424, %parallel_loop3A_425], %parallel_loop3A_428 {add = true, strides = array<i32>} : memref<128x128xf32, #tpu.memory_space<vmem>>, vector<1x16xf32>,
        %parallel_loop3A_429 = arith.addi %rem3A_367, %parallel_loop3A_378 : i32
        %parallel_loop3A_430 = arith.index_cast %parallel_loop3A_429 : i32 to index
        %parallel_loop3A_431 = arith.constant 80 : index
        %parallel_loop3A_432 = tpu.vector_load %arg7[%parallel_loop3A_430, %parallel_loop3A_431] {strides = array<i32>} : memref<320x128xf32, #tpu.memory_space<vmem>>, vector<1x16xf32>,
        %parallel_loop3A_433 = vector.shape_cast %parallel_loop3A_432 : vector<1x16xf32> to vector<16xf32>
        %parallel_loop3A_434 = arith.index_cast %parallel_loop3A_378 : i32 to index
        %parallel_loop3A_435 = arith.constant 80 : index
        %parallel_loop3A_436 = tpu.vector_load %arg8[%parallel_loop3A_434, %parallel_loop3A_435] {strides = array<i32>} : memref<128x128xf32, #tpu.memory_space<vmem>>, vector<1x16xf32>,
        %parallel_loop3A_437 = vector.shape_cast %parallel_loop3A_436 : vector<1x16xf32> to vector<16xf32>
        %parallel_loop3A_438 = vector.shape_cast %parallel_loop3A_433 : vector<16xf32> to vector<1x16xf32>
        tpu.vector_store %arg8[%parallel_loop3A_434, %parallel_loop3A_435], %parallel_loop3A_438 {add = true, strides = array<i32>} : memref<128x128xf32, #tpu.memory_space<vmem>>, vector<1x16xf32>,
        %parallel_loop3A_439 = arith.addi %rem3A_367, %parallel_loop3A_378 : i32
        %parallel_loop3A_440 = arith.index_cast %parallel_loop3A_439 : i32 to index
        %parallel_loop3A_441 = arith.constant 96 : index
        %parallel_loop3A_442 = tpu.vector_load %arg7[%parallel_loop3A_440, %parallel_loop3A_441] {strides = array<i32>} : memref<320x128xf32, #tpu.memory_space<vmem>>, vector<1x16xf32>,
        %parallel_loop3A_443 = vector.shape_cast %parallel_loop3A_442 : vector<1x16xf32> to vector<16xf32>
        %parallel_loop3A_444 = arith.index_cast %parallel_loop3A_378 : i32 to index
        %parallel_loop3A_445 = arith.constant 96 : index
        %parallel_loop3A_446 = tpu.vector_load %arg8[%parallel_loop3A_444, %parallel_loop3A_445] {strides = array<i32>} : memref<128x128xf32, #tpu.memory_space<vmem>>, vector<1x16xf32>,
        %parallel_loop3A_447 = vector.shape_cast %parallel_loop3A_446 : vector<1x16xf32> to vector<16xf32>
        %parallel_loop3A_448 = vector.shape_cast %parallel_loop3A_443 : vector<16xf32> to vector<1x16xf32>
        tpu.vector_store %arg8[%parallel_loop3A_444, %parallel_loop3A_445], %parallel_loop3A_448 {add = true, strides = array<i32>} : memref<128x128xf32, #tpu.memory_space<vmem>>, vector<1x16xf32>,
        %parallel_loop3A_449 = arith.addi %rem3A_367, %parallel_loop3A_378 : i32
        %parallel_loop3A_450 = arith.index_cast %parallel_loop3A_449 : i32 to index
        %parallel_loop3A_451 = arith.constant 112 : index
        %parallel_loop3A_452 = tpu.vector_load %arg7[%parallel_loop3A_450, %parallel_loop3A_451] {strides = array<i32>} : memref<320x128xf32, #tpu.memory_space<vmem>>, vector<1x16xf32>,
        %parallel_loop3A_453 = vector.shape_cast %parallel_loop3A_452 : vector<1x16xf32> to vector<16xf32>
        %parallel_loop3A_454 = arith.index_cast %parallel_loop3A_378 : i32 to index
        %parallel_loop3A_455 = arith.constant 112 : index
        %parallel_loop3A_456 = tpu.vector_load %arg8[%parallel_loop3A_454, %parallel_loop3A_455] {strides = array<i32>} : memref<128x128xf32, #tpu.memory_space<vmem>>, vector<1x16xf32>,
        %parallel_loop3A_457 = vector.shape_cast %parallel_loop3A_456 : vector<1x16xf32> to vector<16xf32>
        %parallel_loop3A_458 = vector.shape_cast %parallel_loop3A_453 : vector<16xf32> to vector<1x16xf32>
        tpu.vector_store %arg8[%parallel_loop3A_454, %parallel_loop3A_455], %parallel_loop3A_458 {add = true, strides = array<i32>} : memref<128x128xf32, #tpu.memory_space<vmem>>, vector<1x16xf32>,
      } {sc.loop_unroll_factor = 4 : i64, sc.parallel_access}
      %mul3A_371 = arith.constant 128 : i32
      %mul3A_372 = arith.muli %add3A_344, %mul3A_371 : i32
      %add3A_373 = arith.addi %mul3A_2, %mul3A_372 : i32
      %dma_start3A_374 = arith.constant 0 : i32
      %dma_start3A_375 = tpu.memref_slice %arg5[%add3A_373, %dma_start3A_374] : memref<204800x128xf32, #tpu.memory_space<hbm>> -> memref<128x128xf32, #tpu.memory_space<hbm>>
      %dma_start3A_376 = arith.constant 0 : i32
      %dma_start3A_377 = tpu.memref_slice %arg5[%add3A_373, %dma_start3A_376] : memref<204800x128xf32, #tpu.memory_space<hbm>> -> memref<128x128xf32, #tpu.memory_space<hbm>>
      tpu.enqueue_dma source(%arg8 : memref<128x128xf32, #tpu.memory_space<vmem>>) target(%dma_start3A_377 : memref<128x128xf32, #tpu.memory_space<hbm>>) target_semaphore(%arg14 : memref<!tpu.dma_semaphore, #tpu.memory_space<semaphore_mem>>)
    }
    %scan3A_234 = arith.constant 15 : i32
    %dma_wait3A_235 = arith.constant 0 : i32
    %dma_wait3A_236 = tpu.memref_slice %arg6[%dma_wait3A_235] : memref<6400xi32, #tpu.memory_space<vmem>> -> memref<128xi32, #tpu.memory_space<vmem>>
    %dma_wait3A_237 = arith.constant 0 : i32
    %dma_wait3A_238 = arith.constant 0 : i32
    %dma_wait3A_239 = tpu.memref_slice %arg2[%dma_wait3A_237, %dma_wait3A_238] : memref<1000001x128xf32, #tpu.memory_space<hbm>> -> memref<1000001x128xf32, #tpu.memory_space<hbm>>
    tpu.wait_indirect_dma semaphore(%arg12 : memref<!tpu.dma_semaphore, #tpu.memory_space<semaphore_mem>>) src(%dma_wait3A_239 : memref<1000001x128xf32, #tpu.memory_space<hbm>>) dst(%arg9 : memref<128x128xf32, #tpu.memory_space<vmem>>)
    %rem3A_240 = arith.constant 6272 : i32
    %rem3A_241 = arith.constant 200 : i32
    %rem3A_242 = arith.remsi %rem3A_240, %rem3A_241 : i32
    %parallel_loop3A_243 = arith.constant 0 : i32
    %parallel_loop3A_244 = arith.constant 128 : i32
    %parallel_loop3A_245 = arith.constant 1 : i32
    scf.for %parallel_loop3A_270 = %parallel_loop3A_243 to %parallel_loop3A_244 step %parallel_loop3A_245  : i32 {
      %parallel_loop3A_271 = arith.addi %rem3A_242, %parallel_loop3A_270 : i32
      %parallel_loop3A_272 = arith.index_cast %parallel_loop3A_271 : i32 to index
      %parallel_loop3A_273 = arith.constant 0 : index
      %parallel_loop3A_274 = tpu.vector_load %arg7[%parallel_loop3A_272, %parallel_loop3A_273] {strides = array<i32>} : memref<320x128xf32, #tpu.memory_space<vmem>>, vector<1x16xf32>,
      %parallel_loop3A_275 = vector.shape_cast %parallel_loop3A_274 : vector<1x16xf32> to vector<16xf32>
      %parallel_loop3A_276 = arith.index_cast %parallel_loop3A_270 : i32 to index
      %parallel_loop3A_277 = arith.constant 0 : index
      %parallel_loop3A_278 = tpu.vector_load %arg9[%parallel_loop3A_276, %parallel_loop3A_277] {strides = array<i32>} : memref<128x128xf32, #tpu.memory_space<vmem>>, vector<1x16xf32>,
      %parallel_loop3A_279 = vector.shape_cast %parallel_loop3A_278 : vector<1x16xf32> to vector<16xf32>
      %parallel_loop3A_280 = vector.shape_cast %parallel_loop3A_275 : vector<16xf32> to vector<1x16xf32>
      tpu.vector_store %arg9[%parallel_loop3A_276, %parallel_loop3A_277], %parallel_loop3A_280 {add = true, strides = array<i32>} : memref<128x128xf32, #tpu.memory_space<vmem>>, vector<1x16xf32>,
      %parallel_loop3A_281 = arith.addi %rem3A_242, %parallel_loop3A_270 : i32
      %parallel_loop3A_282 = arith.index_cast %parallel_loop3A_281 : i32 to index
      %parallel_loop3A_283 = arith.constant 16 : index
      %parallel_loop3A_284 = tpu.vector_load %arg7[%parallel_loop3A_282, %parallel_loop3A_283] {strides = array<i32>} : memref<320x128xf32, #tpu.memory_space<vmem>>, vector<1x16xf32>,
      %parallel_loop3A_285 = vector.shape_cast %parallel_loop3A_284 : vector<1x16xf32> to vector<16xf32>
      %parallel_loop3A_286 = arith.index_cast %parallel_loop3A_270 : i32 to index
      %parallel_loop3A_287 = arith.constant 16 : index
      %parallel_loop3A_288 = tpu.vector_load %arg9[%parallel_loop3A_286, %parallel_loop3A_287] {strides = array<i32>} : memref<128x128xf32, #tpu.memory_space<vmem>>, vector<1x16xf32>,
      %parallel_loop3A_289 = vector.shape_cast %parallel_loop3A_288 : vector<1x16xf32> to vector<16xf32>
      %parallel_loop3A_290 = vector.shape_cast %parallel_loop3A_285 : vector<16xf32> to vector<1x16xf32>
      tpu.vector_store %arg9[%parallel_loop3A_286, %parallel_loop3A_287], %parallel_loop3A_290 {add = true, strides = array<i32>} : memref<128x128xf32, #tpu.memory_space<vmem>>, vector<1x16xf32>,
      %parallel_loop3A_291 = arith.addi %rem3A_242, %parallel_loop3A_270 : i32
      %parallel_loop3A_292 = arith.index_cast %parallel_loop3A_291 : i32 to index
      %parallel_loop3A_293 = arith.constant 32 : index
      %parallel_loop3A_294 = tpu.vector_load %arg7[%parallel_loop3A_292, %parallel_loop3A_293] {strides = array<i32>} : memref<320x128xf32, #tpu.memory_space<vmem>>, vector<1x16xf32>,
      %parallel_loop3A_295 = vector.shape_cast %parallel_loop3A_294 : vector<1x16xf32> to vector<16xf32>
      %parallel_loop3A_296 = arith.index_cast %parallel_loop3A_270 : i32 to index
      %parallel_loop3A_297 = arith.constant 32 : index
      %parallel_loop3A_298 = tpu.vector_load %arg9[%parallel_loop3A_296, %parallel_loop3A_297] {strides = array<i32>} : memref<128x128xf32, #tpu.memory_space<vmem>>, vector<1x16xf32>,
      %parallel_loop3A_299 = vector.shape_cast %parallel_loop3A_298 : vector<1x16xf32> to vector<16xf32>
      %parallel_loop3A_300 = vector.shape_cast %parallel_loop3A_295 : vector<16xf32> to vector<1x16xf32>
      tpu.vector_store %arg9[%parallel_loop3A_296, %parallel_loop3A_297], %parallel_loop3A_300 {add = true, strides = array<i32>} : memref<128x128xf32, #tpu.memory_space<vmem>>, vector<1x16xf32>,
      %parallel_loop3A_301 = arith.addi %rem3A_242, %parallel_loop3A_270 : i32
      %parallel_loop3A_302 = arith.index_cast %parallel_loop3A_301 : i32 to index
      %parallel_loop3A_303 = arith.constant 48 : index
      %parallel_loop3A_304 = tpu.vector_load %arg7[%parallel_loop3A_302, %parallel_loop3A_303] {strides = array<i32>} : memref<320x128xf32, #tpu.memory_space<vmem>>, vector<1x16xf32>,
      %parallel_loop3A_305 = vector.shape_cast %parallel_loop3A_304 : vector<1x16xf32> to vector<16xf32>
      %parallel_loop3A_306 = arith.index_cast %parallel_loop3A_270 : i32 to index
      %parallel_loop3A_307 = arith.constant 48 : index
      %parallel_loop3A_308 = tpu.vector_load %arg9[%parallel_loop3A_306, %parallel_loop3A_307] {strides = array<i32>} : memref<128x128xf32, #tpu.memory_space<vmem>>, vector<1x16xf32>,
      %parallel_loop3A_309 = vector.shape_cast %parallel_loop3A_308 : vector<1x16xf32> to vector<16xf32>
      %parallel_loop3A_310 = vector.shape_cast %parallel_loop3A_305 : vector<16xf32> to vector<1x16xf32>
      tpu.vector_store %arg9[%parallel_loop3A_306, %parallel_loop3A_307], %parallel_loop3A_310 {add = true, strides = array<i32>} : memref<128x128xf32, #tpu.memory_space<vmem>>, vector<1x16xf32>,
      %parallel_loop3A_311 = arith.addi %rem3A_242, %parallel_loop3A_270 : i32
      %parallel_loop3A_312 = arith.index_cast %parallel_loop3A_311 : i32 to index
      %parallel_loop3A_313 = arith.constant 64 : index
      %parallel_loop3A_314 = tpu.vector_load %arg7[%parallel_loop3A_312, %parallel_loop3A_313] {strides = array<i32>} : memref<320x128xf32, #tpu.memory_space<vmem>>, vector<1x16xf32>,
      %parallel_loop3A_315 = vector.shape_cast %parallel_loop3A_314 : vector<1x16xf32> to vector<16xf32>
      %parallel_loop3A_316 = arith.index_cast %parallel_loop3A_270 : i32 to index
      %parallel_loop3A_317 = arith.constant 64 : index
      %parallel_loop3A_318 = tpu.vector_load %arg9[%parallel_loop3A_316, %parallel_loop3A_317] {strides = array<i32>} : memref<128x128xf32, #tpu.memory_space<vmem>>, vector<1x16xf32>,
      %parallel_loop3A_319 = vector.shape_cast %parallel_loop3A_318 : vector<1x16xf32> to vector<16xf32>
      %parallel_loop3A_320 = vector.shape_cast %parallel_loop3A_315 : vector<16xf32> to vector<1x16xf32>
      tpu.vector_store %arg9[%parallel_loop3A_316, %parallel_loop3A_317], %parallel_loop3A_320 {add = true, strides = array<i32>} : memref<128x128xf32, #tpu.memory_space<vmem>>, vector<1x16xf32>,
      %parallel_loop3A_321 = arith.addi %rem3A_242, %parallel_loop3A_270 : i32
      %parallel_loop3A_322 = arith.index_cast %parallel_loop3A_321 : i32 to index
      %parallel_loop3A_323 = arith.constant 80 : index
      %parallel_loop3A_324 = tpu.vector_load %arg7[%parallel_loop3A_322, %parallel_loop3A_323] {strides = array<i32>} : memref<320x128xf32, #tpu.memory_space<vmem>>, vector<1x16xf32>,
      %parallel_loop3A_325 = vector.shape_cast %parallel_loop3A_324 : vector<1x16xf32> to vector<16xf32>
      %parallel_loop3A_326 = arith.index_cast %parallel_loop3A_270 : i32 to index
      %parallel_loop3A_327 = arith.constant 80 : index
      %parallel_loop3A_328 = tpu.vector_load %arg9[%parallel_loop3A_326, %parallel_loop3A_327] {strides = array<i32>} : memref<128x128xf32, #tpu.memory_space<vmem>>, vector<1x16xf32>,
      %parallel_loop3A_329 = vector.shape_cast %parallel_loop3A_328 : vector<1x16xf32> to vector<16xf32>
      %parallel_loop3A_330 = vector.shape_cast %parallel_loop3A_325 : vector<16xf32> to vector<1x16xf32>
      tpu.vector_store %arg9[%parallel_loop3A_326, %parallel_loop3A_327], %parallel_loop3A_330 {add = true, strides = array<i32>} : memref<128x128xf32, #tpu.memory_space<vmem>>, vector<1x16xf32>,
      %parallel_loop3A_331 = arith.addi %rem3A_242, %parallel_loop3A_270 : i32
      %parallel_loop3A_332 = arith.index_cast %parallel_loop3A_331 : i32 to index
      %parallel_loop3A_333 = arith.constant 96 : index
      %parallel_loop3A_334 = tpu.vector_load %arg7[%parallel_loop3A_332, %parallel_loop3A_333] {strides = array<i32>} : memref<320x128xf32, #tpu.memory_space<vmem>>, vector<1x16xf32>,
      %parallel_loop3A_335 = vector.shape_cast %parallel_loop3A_334 : vector<1x16xf32> to vector<16xf32>
      %parallel_loop3A_336 = arith.index_cast %parallel_loop3A_270 : i32 to index
      %parallel_loop3A_337 = arith.constant 96 : index
      %parallel_loop3A_338 = tpu.vector_load %arg9[%parallel_loop3A_336, %parallel_loop3A_337] {strides = array<i32>} : memref<128x128xf32, #tpu.memory_space<vmem>>, vector<1x16xf32>,
      %parallel_loop3A_339 = vector.shape_cast %parallel_loop3A_338 : vector<1x16xf32> to vector<16xf32>
      %parallel_loop3A_340 = vector.shape_cast %parallel_loop3A_335 : vector<16xf32> to vector<1x16xf32>
      tpu.vector_store %arg9[%parallel_loop3A_336, %parallel_loop3A_337], %parallel_loop3A_340 {add = true, strides = array<i32>} : memref<128x128xf32, #tpu.memory_space<vmem>>, vector<1x16xf32>,
      %parallel_loop3A_341 = arith.addi %rem3A_242, %parallel_loop3A_270 : i32
      %parallel_loop3A_342 = arith.index_cast %parallel_loop3A_341 : i32 to index
      %parallel_loop3A_343 = arith.constant 112 : index
      %parallel_loop3A_344 = tpu.vector_load %arg7[%parallel_loop3A_342, %parallel_loop3A_343] {strides = array<i32>} : memref<320x128xf32, #tpu.memory_space<vmem>>, vector<1x16xf32>,
      %parallel_loop3A_345 = vector.shape_cast %parallel_loop3A_344 : vector<1x16xf32> to vector<16xf32>
      %parallel_loop3A_346 = arith.index_cast %parallel_loop3A_270 : i32 to index
      %parallel_loop3A_347 = arith.constant 112 : index
      %parallel_loop3A_348 = tpu.vector_load %arg9[%parallel_loop3A_346, %parallel_loop3A_347] {strides = array<i32>} : memref<128x128xf32, #tpu.memory_space<vmem>>, vector<1x16xf32>,
      %parallel_loop3A_349 = vector.shape_cast %parallel_loop3A_348 : vector<1x16xf32> to vector<16xf32>
      %parallel_loop3A_350 = vector.shape_cast %parallel_loop3A_345 : vector<16xf32> to vector<1x16xf32>
      tpu.vector_store %arg9[%parallel_loop3A_346, %parallel_loop3A_347], %parallel_loop3A_350 {add = true, strides = array<i32>} : memref<128x128xf32, #tpu.memory_space<vmem>>, vector<1x16xf32>,
    } {sc.loop_unroll_factor = 4 : i64, sc.parallel_access}
    %add3A_246 = arith.constant 6272 : i32
    %add3A_247 = arith.addi %mul3A_2, %add3A_246 : i32
    %dma_start3A_248 = arith.constant 0 : i32
    %dma_start3A_249 = tpu.memref_slice %arg5[%add3A_247, %dma_start3A_248] : memref<204800x128xf32, #tpu.memory_space<hbm>> -> memref<128x128xf32, #tpu.memory_space<hbm>>
    %dma_start3A_250 = arith.constant 0 : i32
    %dma_start3A_251 = tpu.memref_slice %arg5[%add3A_247, %dma_start3A_250] : memref<204800x128xf32, #tpu.memory_space<hbm>> -> memref<128x128xf32, #tpu.memory_space<hbm>>
    tpu.enqueue_dma source(%arg9 : memref<128x128xf32, #tpu.memory_space<vmem>>) target(%dma_start3A_251 : memref<128x128xf32, #tpu.memory_space<hbm>>) target_semaphore(%arg15 : memref<!tpu.dma_semaphore, #tpu.memory_space<semaphore_mem>>)
    %dma_wait3A_252 = arith.constant 0 : i32
    %dma_wait3A_253 = arith.constant 0 : i32
    %dma_wait3A_254 = tpu.memref_slice %arg5[%dma_wait3A_252, %dma_wait3A_253] : memref<204800x128xf32, #tpu.memory_space<hbm>> -> memref<128x128xf32, #tpu.memory_space<hbm>>
    %dma_wait3A_255 = arith.constant 0 : i32
    %dma_wait3A_256 = arith.constant 0 : i32
    %dma_wait3A_257 = tpu.memref_slice %arg5[%dma_wait3A_255, %dma_wait3A_256] : memref<204800x128xf32, #tpu.memory_space<hbm>> -> memref<128x128xf32, #tpu.memory_space<hbm>>
    tpu.wait_dma2 semaphore(%arg14 : memref<!tpu.dma_semaphore, #tpu.memory_space<semaphore_mem>>) src(%arg8 : memref<128x128xf32, #tpu.memory_space<vmem>>) dst(%dma_wait3A_257 : memref<128x128xf32, #tpu.memory_space<hbm>>)
    %dma_wait3A_258 = arith.constant 0 : i32
    %dma_wait3A_259 = arith.constant 0 : i32
    %dma_wait3A_260 = tpu.memref_slice %arg5[%dma_wait3A_258, %dma_wait3A_259] : memref<204800x128xf32, #tpu.memory_space<hbm>> -> memref<128x128xf32, #tpu.memory_space<hbm>>
    %dma_wait3A_261 = arith.constant 0 : i32
    %dma_wait3A_262 = arith.constant 0 : i32
    %dma_wait3A_263 = tpu.memref_slice %arg5[%dma_wait3A_261, %dma_wait3A_262] : memref<204800x128xf32, #tpu.memory_space<hbm>> -> memref<128x128xf32, #tpu.memory_space<hbm>>
    tpu.wait_dma2 semaphore(%arg15 : memref<!tpu.dma_semaphore, #tpu.memory_space<semaphore_mem>>) src(%arg9 : memref<128x128xf32, #tpu.memory_space<vmem>>) dst(%dma_wait3A_263 : memref<128x128xf32, #tpu.memory_space<hbm>>)
    %dma_wait3A_264 = arith.constant 0 : i32
    %dma_wait3A_265 = arith.constant 0 : i32
    %dma_wait3A_266 = tpu.memref_slice %arg5[%dma_wait3A_264, %dma_wait3A_265] : memref<204800x128xf32, #tpu.memory_space<hbm>> -> memref<128x128xf32, #tpu.memory_space<hbm>>
    %dma_wait3A_267 = arith.constant 0 : i32
    %dma_wait3A_268 = arith.constant 0 : i32
    %dma_wait3A_269 = tpu.memref_slice %arg5[%dma_wait3A_267, %dma_wait3A_268] : memref<204800x128xf32, #tpu.memory_space<hbm>> -> memref<128x128xf32, #tpu.memory_space<hbm>>
    tpu.wait_dma2 semaphore(%arg16 : memref<!tpu.dma_semaphore, #tpu.memory_space<semaphore_mem>>) src(%arg10 : memref<128x128xf32, #tpu.memory_space<vmem>>) dst(%dma_wait3A_269 : memref<128x128xf32, #tpu.memory_space<hbm>>)
    return
  }
}

</mosaic_0001>

<sc_bundles>
// kernel: kernel.3.cloned.1.call-start
scs
__scs_entry_jumppad:
0x0: {  	(pc) =	sbr.rel $0x88, $3  }
0x1: {  	(tag) =	ssettag $0x0;
	lr =	simm.s32 $0x1  }
0x2: {  	[smem:$0x3F9F] =	sst lr;
	_ =	strace $0xD0000000  }
0x3: {  	_ = 	snop  }
0x4: {  	_ = 	snop  }
0x5: {  	_ = 	snop  }
0x6: {  	_ = 	snop  }
0x7: {  	_ = 	snop  }
__scs_overlays_trampoline_lowered:
0x8: {  	[smem:$0x3FAE] =	sst s0  }
0x9: {  	[smem:$0x3FAF] =	sst s1  }
0xa: {  	[smem:$0x3FB0] =	sst s2  }
0xb: {  	[smem:$0x3FB1] =	sst s3  }
0xc: {  	[smem:$0x3FB2] =	sst s4  }
0xd: {  	[smem:$0x3FB3] =	sst s5  }
0xe: {  	[smem:$0x3FB4] =	sst s6  }
0xf: {  	[smem:$0x3FB5] =	sst s7  }
0x10: {  	[smem:$0x3FB6] =	sst s8  }
0x11: {  	[smem:$0x3FB7] =	sst s9;
	s0 =	simm.s32 @!p0 $0x0  }
0x12: {  	s1 =	sld [smem:$0x3F9D];
	s0 =	simm.s32 @p0 $0x1  }
0x13: {  	[smem:$0x3FB8] =	sst s0;
	s0 =	simm.s32 @!p1 $0x0  }
0x14: {  	s2 =	sld [smem:$0x3F9C];
	s0 =	simm.s32 @p1 $0x1  }
0x15: {  	[smem:$0x3FB9] =	sst s0;
	s0 =	simm.s32 @!p2 $0x0  }
0x16: {  	s3 =	sld [smem:$0x3FDB];
	s0 =	simm.s32 @p2 $0x1  }
0x17: {  	s4 =	simm.s32 $0x1BF5;
	[smem:$0x3FBB] =	sst s0  }
0x18: {  	s0 =	sld [smem:$0x3F9E];
	_ =	swait.ge [sflag:s4], $0x0  }
0x19: {  	s7 =	sld [smem:$0x3F9F]  }
0x1a: {  	s8 =	sadd.s32 $0xFFFFE003, lr  }
0x1b: {  	s9 =	sadd.s32 $0xFFFFFEF7, lr;
	s5 =	simm.s32 $0xFFFFFFFF;
	p2 =	slt.u32 s8, $0xFFFFF086  }
0x1c: {  	p1 =	slt.u32 s9, $0xF7A;
	s5 =	simm.s32 @!p2 $0x0  }
0x1d: {  	s5 =	simm.s32 @p1 $0x1;
	p0 =	seq.s32 s7, s2  }
0x1e: {  	s7 =	smul.u32 @!p0 $0xF7A, s2;
	p2 =	seq.s32 @!p0 s5, $0x0  }
0x1f: {  	s9 =	smul.u32 $0xF7A, s1;
	s8 =	simm.s32 @!p0 $0x1BF5;
	p2 =	por !p2, p0  }
0x20: {  	[sflag:s8] =	ssyncset.s32 @!p0 $0xFFFFF086;
	s6 =	sadd.s32 @!p0 s3, s7;
	s7 =	simm.s32 @!p0 $0x108  }
0x21: {  	s3 =	sadd.s32 s3, s9;
	s6 =	sadd.s32 @!p0 $0x88, s6;
	s7 =	simm.s32 @p2 $0x1082  }
0x22: {  	[simem:s7], [sflag:s8] =	dma.local @!p0 [hbm:s6], $0xF7A  }
0x23: {  	s9 =	sor.u32 $0xD0000000, s2;
	s6 =	simm.s32 $0x108;
	_ =	swait.ge @!p0 [sflag:s8], $0x0  }
0x24: {  	s3 =	sadd.s32 $0x88, s3;
	s6 =	simm.s32 @!p1 $0x1082;
	[sflag:s4] =	ssyncset.s32 $0xFFFFF086  }
0x25: {  	[simem:s6], [sflag:s4] =	dma.local [hbm:s3], $0xF7A  }
0x26: {  	[smem:$0x3F9F] =	sst s1;
	(tag) =	ssettag s2;
	_ =	strace s9  }
0x27: {  	s1 =	sld [smem:$0x3FAF]  }
0x28: {  	s2 =	sld [smem:$0x3FB0]  }
0x29: {  	s4 =	sld [smem:$0x3FB2]  }
0x2a: {  	p0 =	seq.s32 s5, $0x0;
	s5 =	sld [smem:$0x3FB3]  }
0x2b: {  	s6 =	sld [smem:$0x3FB4]  }
0x2c: {  	s7 =	sld [smem:$0x3FB5]  }
0x2d: {  	s3 =	simm.s32 $0x108;
	s8 =	sld [smem:$0x3FB6]  }
0x2e: {  	s3 =	simm.s32 @!p0 $0x1082;
	s9 =	sld [smem:$0x3FB7]  }
0x2f: {  	lr =	sadd.s32 s0, s3;
	s0 =	sld [smem:$0x3FAE]  }
0x30: {  	s3 =	sld [smem:$0x3FB1]  }
0x31: {  	[smem:$0x3FBA] =	sst s10  }
0x32: {  	s10 =	sld [smem:$0x3FB8];
	_ =	sdelay $0x3  }
0x33: {  	p0 =	seq.s32 s10, $0x1;
	s10 =	sld [smem:$0x3FBA];
	_ =	sdelay $0x3  }
0x34: {  	[smem:$0x3FBA] =	sst s10  }
0x35: {  	s10 =	sld [smem:$0x3FB9];
	_ =	sdelay $0x3  }
0x36: {  	p1 =	seq.s32 s10, $0x1;
	s10 =	sld [smem:$0x3FBA];
	_ =	sdelay $0x3  }
0x37: {  	[smem:$0x3FBA] =	sst s10  }
0x38: {  	s10 =	sld [smem:$0x3FBB]  }
0x39: {  	_ = 	snop;
	(pc) =	sbr.ind lr, $3  }
0x3a: {  	_ = 	snop  }
0x3b: {  	_ = 	snop  }
0x3c: {  	p2 =	seq.s32 s10, $0x1;
	s10 =	sld [smem:$0x3FBA]  }
0x3d: {  	_ =	shalt  }
0x3e: {  	_ =	shalt  }
0x3f: {  	_ =	shalt  }
0x40: {  	_ =	shalt  }
0x41: {  	_ =	shalt  }
0x42: {  	_ =	shalt  }
0x43: {  	_ =	shalt  }
0x44: {  	_ =	shalt  }
0x45: {  	_ =	shalt  }
0x46: {  	_ =	shalt  }
0x47: {  	_ =	shalt  }
0x48: {  	_ =	shalt  }
0x49: {  	_ =	shalt  }
0x4a: {  	_ =	shalt  }
0x4b: {  	_ =	shalt  }
0x4c: {  	_ =	shalt  }
0x4d: {  	_ =	shalt  }
0x4e: {  	_ =	shalt  }
0x4f: {  	_ =	shalt  }
0x50: {  	_ =	shalt  }
0x51: {  	_ =	shalt  }
0x52: {  	_ =	shalt  }
0x53: {  	_ =	shalt  }
0x54: {  	_ =	shalt  }
0x55: {  	_ =	shalt  }
0x56: {  	_ =	shalt  }
0x57: {  	_ =	shalt  }
0x58: {  	_ =	shalt  }
0x59: {  	_ =	shalt  }
0x5a: {  	_ =	shalt  }
0x5b: {  	_ =	shalt  }
0x5c: {  	_ =	shalt  }
0x5d: {  	_ =	shalt  }
0x5e: {  	_ =	shalt  }
0x5f: {  	_ =	shalt  }
0x60: {  	_ =	shalt  }
0x61: {  	_ =	shalt  }
0x62: {  	_ =	shalt  }
0x63: {  	_ =	shalt  }
0x64: {  	_ =	shalt  }
0x65: {  	_ =	shalt  }
0x66: {  	_ =	shalt  }
0x67: {  	_ =	shalt  }
0x68: {  	_ =	shalt  }
0x69: {  	_ =	shalt  }
0x6a: {  	_ =	shalt  }
0x6b: {  	_ =	shalt  }
0x6c: {  	_ =	shalt  }
0x6d: {  	_ =	shalt  }
0x6e: {  	_ =	shalt  }
0x6f: {  	_ =	shalt  }
0x70: {  	_ =	shalt  }
0x71: {  	_ =	shalt  }
0x72: {  	_ =	shalt  }
0x73: {  	_ =	shalt  }
0x74: {  	_ =	shalt  }
0x75: {  	_ =	shalt  }
0x76: {  	_ =	shalt  }
0x77: {  	_ =	shalt  }
0x78: {  	_ =	shalt  }
0x79: {  	_ =	shalt  }
0x7a: {  	_ =	shalt  }
0x7b: {  	_ =	shalt  }
0x7c: {  	_ =	shalt  }
0x7d: {  	_ =	shalt  }
0x7e: {  	_ =	shalt  }
0x7f: {  	_ =	shalt  }
0x80: {  	_ =	shalt  }
0x81: {  	_ =	shalt  }
0x82: {  	_ =	shalt  }
0x83: {  	_ =	shalt  }
0x84: {  	_ =	shalt  }
0x85: {  	_ =	shalt  }
0x86: {  	_ =	shalt  }
0x87: {  	_ =	shalt  }
.Lfunc_end0:
.L_simem_size_0:
called_computation_lowered:
.L_overlay_start_0:
0x88: {  	s2 =	sld [smem:$0x3FD9]  }
0x89: {  	s3 =	sld [smem:$0x3FFE];
	_ =	sdelay $0x1  }
0x8a: {  	s1 =	srdreg.scid  }
0x8b: {  	s0 =	sand.u32 $0x1, s1  }
0x8c: {  	s17 =	sshll.u32 s0, $0xA;
	s2 =	sadd.s32 s3, s2  }
0x8d: {  	s2 =	sadd.s32 s2, s17  }
0x8e: {  	[smem:$0x3FC6] =	sst s2  }
0x8f: {  	_ = 	snop  }
0x90: {  	s2 =	sld [smem:$0x3FC8]  }
0x91: {  	s18 =	sld [smem:$0x3FD0];
	(tm) =	ssettm $0x1  }
0x92: {  	s4 =	sld [smem:$0x3FFB];
	_ =	sdelay $0x3  }
0x93: {  	_ =	strace s4  }
0x94: {  	s4 =	sld [smem:$0x3FFC];
	_ =	sdelay $0x3  }
0x95: {  	_ =	strace s4  }
0x96: {  	s4 =	sld [smem:$0x3FFD];
	_ =	sdelay $0x3  }
0x97: {  	_ =	strace s4  }
0x98: {  	_ =	strace $0x8FFFFFFF  }
0x99: {  	s19 =	sld [smem:$0x3FDB];
	_ =	sdelay $0x1  }
0x9a: {  	s5 =	simm.s32 $_scs_section_size  }
0x9b: {  	s6 =	simm.s32 $_size__tile_overlayer_lowered;
	s7 =	simm.s32 $_tile_overlayer_lowered  }
0x9c: {  	s22 =	simm.s32 $0x1BFF;
	s21 =	sshll.u32 s7, $0x1;
	s4 =	sadd.s32 s5, s19  }
0x9d: {  	s8 =	simm.s32 $0x0;
	s20 =	sshll.u32 s6, $0x1;
	s6 =	sadd.s32 s21, s4  }
0x9e: {  	[timem:s8], [sflag:s22] =	dma.local [hbm:s6], s20  }
0x9f: {  	_ =	swait.ge [sflag:s22], s20  }
0xa0: {  	s5 =	ssub.s32 $0x0, s20;
	[sflag:s22] =	ssyncset.done $0x0  }
0xa1: {  	[sflag:s22] =	ssyncadd.s32 s5;
	_ =	sdelay $0x1  }
0xa2: {  	s23 =	simm.s32 $0x1B8B  }
0xa3: {  	_ =	swait.ge [sflag:s23], $0x1  }
0xa4: {  	[sflag:s23] =	ssyncset.done $0x0  }
0xa5: {  	s25 =	simm.s32 $0x1B8E;
	s24 =	sld [smem:$0x3FFE];
	[sflag:s23] =	ssyncadd.s32 $0xFFFFFFFF  }
0xa6: {  	s26 =	simm.s32 $execute0_lowered;
	[smem:$0x3FD2] =	sst s25  }
0xa7: {  	s6 =	sshll.u32 s26, $0x1;
	_ =	strace $0x80000046;
	[dreg:$0x1] =	wrdreg $0xFFFFFFFF  }
0xa8: {  	s28 =	simm.s32 $_size_execute0_lowered;
	s4 =	sadd.s32 s4, s6;
	[dreg:$0x0] =	wrdreg $0x0  }
0xa9: {  	s6 =	sshll.u32 s28, $0x1;
	[dreg:$0x2] =	wrdreg s4  }
0xaa: {  	[dreg:$0x3] =	wrdreg s6  }
0xab: {  	[dreg:$0x4] =	wrdreg $0xC0  }
0xac: {  	_ =	task [dreg:s8], $0x5FFFF  }
0xad: {  	[dreg:$0x1] =	wrdreg $0xFFFFFFFF  }
0xae: {  	[dreg:$0x0] =	wrdreg $0x60  }
0xaf: {  	[dreg:$0x2] =	wrdreg s2  }
0xb0: {  	[dreg:$0x3] =	wrdreg s24  }
0xb1: {  	[dreg:$0x4] =	wrdreg s18  }
0xb2: {  	[dreg:$0x5] =	wrdreg $0x9  }
0xb3: {  	_ =	task.clear_ibuf [dreg:s8], $0x6FFFF;
	_ =	strace $0x90000046  }
0xb4: {  	s29 =	simm.s32 $0x9;
	_ =	strace $0x80000048  }
0xb5: {  	_ =	swait.ge [sflag:s29], $0x1  }
0xb6: {  	[sflag:s29] =	ssyncadd.s32 $0xFFFFFFFF  }
0xb7: {  	_ =	strace $0x90000048  }
0xb8: {  	_ =	sfence  }
0xb9: {  	s30 =	sld [smem:$0x0];
	_ =	sdelay $0x2  }
0xba: {  	s31 =	sshll.u32 s1, $0xD;
	s1 =	sshrl.u32 s1, $0x2  }
0xbb: {  	s3 =	sand.u32 $0x4000, s31;
	s1 =	sadd.s32 s1, s30  }
0xbc: {  	s0 =	sor.u32 s3, s0;
	s1 =	sshll.u32 s1, $0x11  }
0xbd: {  	s0 =	sor.u32 s1, s0  }
0xbe: {  	s0 =	sadd.s32 $0x8F2B, s0  }
0xbf: {  	[sflag:s0] =	ssyncadd.remote.s32 $0x1  }
0xc0: {  	_ =	sfence.sel $0xFFFF  }
0xc1: {  	[dreg:$0x0] =	wrdreg $0xFFFFFFFF;
	(pc) =	sbr.abs _section_cstart, $3  }
0xc2: {  	[dreg:$0x1] =	wrdreg $0xFFFFFFFF  }
0xc3: {  	_ =	task.clear_ibuf [dreg:s8], $0x2FFFF;
	_ =	strace $0x9FFFFFFF  }
0xc4: {  	(tm) =	ssettm $0x7FFFFFFF  }
0xc5: {  	_ =	shalt  }
tec
execute0_lowered:
.L_overlay_start_1:
0x0: {  	(tag) =	ssettag $0x1  }
0x1: {  	s1 =	rddreg [dreg:$0x0]  }
0x2: {  	s0 =	rddreg [dreg:$0x1]  }
0x3: {  	s2 =	srdreg.scid;
	s4 =	stileid.u32  }
0x4: {  	s3 =	rddreg [dreg:$0x2];
	s2 =	sand.u32 $0x1, s2;
	s5 =	sshll.u32 s4, $0x1  }
0x5: {  	s15 =	simm.s32 $0x80;
	s16 =	simm.s32 $0xB900;
	s6 =	sor.u32 s2, s5  }
0x6: {  	s18 =	simm.s32 $0xF900;
	s19 =	simm.s32 $0x1;
	s5 =	smul.u32 $0x1900, s6  }
0x7: {  	s21 =	simm.s32 $0x13900;
	s4 =	simm.s32 $0x0;
	s8 =	smul.u32 $0xC8000, s6  }
0x8: {  	[smem:$0x7FF] =	sst s4;
	s2 =	ssub.s32 $0x2, s2;
	s6 =	smul.u32 $0x19000, s6  }
0x9: {  	s22 =	simm.s32 $0x2;
	_ =	strace $0x80000047;
	s9 =	sshrl.u32 s2, $0x1  }
0xa: {  	s25 =	ssub.s32 s2, s9;
	s7 =	sshrl.u32 s5, $0x3;
	s6 =	sadd.s32 s3, s6  }
0xb: {  	s7 =	sadd.s32 s7, s0;
	s0 =	sadd.s32 $0x6A00, s0;
	[dreg:$0x6] =	wrdreg s6  }
0xc: {  	s26 =	sshrl.u32 s8, $0x3;
	s6 =	sadd.s32 $0x800, s6;
	[dreg:$0x4] =	wrdreg s0  }
0xd: {  	s2 =	sadd.s32 s3, s26;
	s7 =	sadd.s32 $0x600, s7;
	[dreg:$0x7] =	wrdreg s6  }
0xe: {  	s23 =	simm.s32 $0x4;
	s28 =	sadd.s32 $0x1000, s2;
	[dreg:$0x5] =	wrdreg s7  }
0xf: {  	s29 =	simm.s32 $0x6;
	s31 =	sadd.s32 $0x1800, s2;
	[dreg:$0x8] =	wrdreg s28  }
0x10: {  	s30 =	simm.s32 $0x0;
	s2 =	sadd.s32 $0x18800, s2;
	[dreg:$0x9] =	wrdreg s31  }
0x11: {  	s26 =	simm.s32 $0x5;
	s0 =	smax.u32 s25, $0x1;
	[dreg:$0xa] =	wrdreg s2  }
0x12: {  	s25 =	simm.s32 $0x3;
	[dreg:$0xb] =	wrdreg s0;
	s7 =	simm.s32 $0x7  }
.LBB2_1:
0x13: {  	s0 =	rddreg [dreg:$0x5]  }
0x14: {  	[tilespmem:s4], [sflag:$0x7] =	stream.linear.gather [hbm4b:s0+s4], $0x1900, $0x38;
	[tilespmem:$0x17900] =	vst v63  }
0x15: {  	_ =	swait.ge [sflag:s7], $0x1900  }
0x16: {  	[sflag:s7] =	ssyncset.done $0x0  }
0x17: {  	[sflag:s7] =	ssyncadd.s32 $0xFFFFE700  }
0x18: {  	v0 =	vld [tilespmem:$0x0]  }
0x19: {  	v1 =	vld [tilespmem:$0x10]  }
0x1a: {  	v2 =	vld [tilespmem:$0x20]  }
0x1b: {  	v3 =	vld [tilespmem:$0x30]  }
0x1c: {  	v4 =	vld [tilespmem:$0x40]  }
0x1d: {  	v5 =	vld [tilespmem:$0x50];
	v0 =	vadd.s32 $0x1, v0  }
0x1e: {  	[tilespmem:$0x0] =	vst v0;
	v0 =	vadd.s32 $0x1, v1;
	v1 =	vld [tilespmem:$0x60]  }
0x1f: {  	[tilespmem:$0x10] =	vst v0;
	v0 =	vadd.s32 $0x1, v2;
	v2 =	vld [tilespmem:$0x70]  }
0x20: {  	[tilespmem:$0x20] =	vst v0;
	v0 =	vadd.s32 $0x1, v3  }
0x21: {  	[tilespmem:$0x30] =	vst v0;
	v0 =	vadd.s32 $0x1, v4  }
0x22: {  	[tilespmem:$0x40] =	vst v0;
	v0 =	vadd.s32 $0x1, v5  }
0x23: {  	[tilespmem:$0x50] =	vst v0;
	v0 =	vadd.s32 $0x1, v1  }
0x24: {  	[tilespmem:$0x60] =	vst v0;
	v0 =	vadd.s32 $0x1, v2  }
0x25: {  	s0 =	simm.s32 $0xF0;
	[tilespmem:$0x70] =	vst v0  }
0x26: {  	[tilespmem:s16], [sflag:$0x1] =	stream.indirect.gather [hbm4b:s1+s15], $0x80, s4, s15, $0xb8;
	[tilespmem:$0x17900] =	vst v63  }
0x27: {  	v2 =	vld [tilespmem:s0+$0xFFFFFF90]  }
0x28: {  	v3 =	vld [tilespmem:s0+$0xFFFFFFA0]  }
0x29: {  	v4 =	vld [tilespmem:s0+$0xFFFFFFB0]  }
0x2a: {  	v1 =	vld [tilespmem:s0+$0xFFFFFFC0]  }
0x2b: {  	v0 =	vld [tilespmem:s0+$0xFFFFFFD0]  }
0x2c: {  	v5 =	vadd.s32 $0x1, v2;
	v2 =	vld [tilespmem:s0+$0xFFFFFFE0]  }
0x2d: {  	[tilespmem:s0+$0xFFFFFF90] =	vst v5;
	v5 =	vadd.s32 $0x1, v3;
	v3 =	vld [tilespmem:s0+$0x0]  }
0x2e: {  	s2 =	simm.s32 $0x8;
	s6 =	simm.s32 $0x170;
	[tilespmem:s0+$0xFFFFFFA0] =	vst v5;
	v5 =	vadd.s32 $0x1, v4;
	v4 =	vld [tilespmem:s0+$0xFFFFFFF0]  }
.LBB2_2:
0x2f: {  	v6 =	vld [tilespmem:s6+$0xFFFFFF90];
	[tilespmem:s0+$0xFFFFFFB0] =	vst v5;
	v1 =	vadd.s32 $0x1, v1  }
0x30: {  	s2 =	sadd.s32 $0x8, s2;
	v5 =	vld [tilespmem:s6+$0xFFFFFFA0];
	[tilespmem:s0+$0xFFFFFFC0] =	vst v1;
	v0 =	vadd.s32 $0x1, v0  }
0x31: {  	p0 =	slt.u32 s2, $0x188;
	v7 =	vld [tilespmem:s6+$0xFFFFFFB0];
	[tilespmem:s0+$0xFFFFFFD0] =	vst v0;
	v0 =	vadd.s32 $0x1, v2  }
.Ltmp0:
0x32: {  	v1 =	vld [tilespmem:s6+$0xFFFFFFC0];
	[tilespmem:s0+$0xFFFFFFE0] =	vst v0;
	v2 =	vadd.s32 $0x1, v3;
	(pc) =	sbr.rel @p0 .LBB2_2-.Ltmp0, $4  }
0x33: {  	v0 =	vld [tilespmem:s6+$0xFFFFFFD0];
	v3 =	vadd.s32 $0x1, v4;
	[tilespmem:s0+$0x0] =	vst v2  }
0x34: {  	v4 =	vadd.s32 $0x1, v6;
	v2 =	vld [tilespmem:s6+$0xFFFFFFE0];
	[tilespmem:s0+$0xFFFFFFF0] =	vst v3;
	s0 =	smov.u32 s6  }
0x35: {  	[tilespmem:s6+$0xFFFFFF90] =	vst v4;
	v4 =	vadd.s32 $0x1, v5;
	v3 =	vld [tilespmem:s6+$0x0]  }
0x36: {  	s6 =	sadd.s32 $0x80, s6;
	[tilespmem:s0+$0xFFFFFFA0] =	vst v4;
	v5 =	vadd.s32 $0x1, v7;
	v4 =	vld [tilespmem:s0+$0xFFFFFFF0]  }
0x37: {  	[tilespmem:s0+$0xFFFFFFB0] =	vst v5;
	v1 =	vadd.s32 $0x1, v1  }
0x38: {  	[tilespmem:s0+$0xFFFFFFC0] =	vst v1;
	v0 =	vadd.s32 $0x1, v0  }
0x39: {  	[tilespmem:s0+$0xFFFFFFD0] =	vst v0;
	v0 =	vadd.s32 $0x1, v2  }
0x3a: {  	[tilespmem:s0+$0xFFFFFFE0] =	vst v0;
	v0 =	vadd.s32 $0x1, v3  }
0x3b: {  	v1 =	vadd.s32 $0x1, v4;
	[tilespmem:s0+$0x0] =	vst v0  }
0x3c: {  	s31 =	simm.s32 $0x0;
	s2 =	rddreg [dreg:$0x4];
	s6 =	simm.s32 $0x1900;
	[tilespmem:s0+$0xFFFFFFF0] =	vst v1  }
0x3d: {  	[tilespmem:s6], [sflag:$0x7] =	stream.linear.gather [hbm4b:s2+s31], $0xA000, $0x38;
	[tilespmem:$0x17900] =	vst v63  }
0x3e: {  	_ =	swait.ge [sflag:s7], $0xA000  }
0x3f: {  	[sflag:s7] =	ssyncset.done $0x0  }
0x40: {  	[sflag:s7] =	ssyncadd.s32 $0xFFFF6000  }
0x41: {  	[tilespmem:s18], [sflag:$0x2] =	stream.indirect.gather [hbm4b:s1+s15], $0x80, s15, s15, $0xb8;
	[tilespmem:$0x17900] =	vst v63  }
0x42: {  	_ =	swait.ge [sflag:s19], $0x4000  }
0x43: {  	[sflag:s19] =	ssyncset.done $0x0  }
0x44: {  	s0 =	simm.s32 $0x0;
	[sflag:s19] =	ssyncadd.s32 $0xFFFFC000  }
0x45: {  	v0 =	vld [tilespmem:s0+$0x1AF0]  }
0x46: {  	v1 =	vld [tilespmem:s0+$0x1900]  }
0x47: {  	v2 =	vld [tilespmem:s0+$0x1910]  }
0x48: {  	v3 =	vld [tilespmem:s0+$0x1920]  }
0x49: {  	v62 =	vld [tilespmem:s0+$0x1930]  }
0x4a: {  	v63 =	vld [tilespmem:s0+$0x1940]  }
0x4b: {  	v6 =	vld [tilespmem:s0+$0x1950]  }
0x4c: {  	v7 =	vld [tilespmem:s0+$0x1960]  }
0x4d: {  	v8 =	vld [tilespmem:s0+$0x1970]  }
0x4e: {  	v9 =	vld [tilespmem:s0+$0x1980]  }
0x4f: {  	v10 =	vld [tilespmem:s0+$0x1990]  }
0x50: {  	v11 =	vld [tilespmem:s0+$0x19A0]  }
0x51: {  	v12 =	vld [tilespmem:s0+$0x19B0]  }
0x52: {  	v13 =	vld [tilespmem:s0+$0x19C0]  }
0x53: {  	v14 =	vld [tilespmem:s0+$0x19D0]  }
0x54: {  	v15 =	vld [tilespmem:s0+$0x19E0]  }
0x55: {  	v16 =	vld [tilespmem:s0+$0x19F0]  }
0x56: {  	v17 =	vld [tilespmem:s0+$0x1A00]  }
0x57: {  	v18 =	vld [tilespmem:s0+$0x1A10]  }
0x58: {  	v19 =	vld [tilespmem:s0+$0x1A20]  }
0x59: {  	v20 =	vld [tilespmem:s0+$0x1A30]  }
0x5a: {  	v21 =	vld [tilespmem:s0+$0x1A40]  }
0x5b: {  	v22 =	vld [tilespmem:s0+$0x1A50]  }
0x5c: {  	v23 =	vld [tilespmem:s0+$0x1A60]  }
0x5d: {  	v24 =	vld [tilespmem:s0+$0x1A70]  }
0x5e: {  	v25 =	vld [tilespmem:s0+$0x1A80]  }
0x5f: {  	v26 =	vld [tilespmem:s0+$0x1A90]  }
0x60: {  	v27 =	vld [tilespmem:s0+$0x1AA0]  }
0x61: {  	v28 =	vld [tilespmem:s0+$0x1AB0]  }
0x62: {  	v29 =	vld [tilespmem:s0+$0x1AC0]  }
0x63: {  	v30 =	vld [tilespmem:s0+$0x1AD0]  }
0x64: {  	[tilespmem:s0+$0xBAF0] =	vst.add.f32.msk $0xffff, v0  }
0x65: {  	v0 =	vld [tilespmem:s0+$0x1AE0]  }
0x66: {  	[tilespmem:s0+$0xB900] =	vst.add.f32.msk $0xffff, v1  }
0x67: {  	[tilespmem:s0+$0xB910] =	vst.add.f32.msk $0xffff, v2  }
0x68: {  	[tilespmem:s0+$0xB920] =	vst.add.f32.msk $0xffff, v3  }
0x69: {  	[tilespmem:s0+$0xB930] =	vst.add.f32.msk $0xffff, v62  }
0x6a: {  	[tilespmem:s0+$0xB940] =	vst.add.f32.msk $0xffff, v63  }
0x6b: {  	[tilespmem:s0+$0xB950] =	vst.add.f32.msk $0xffff, v6  }
0x6c: {  	[tilespmem:s0+$0xB960] =	vst.add.f32.msk $0xffff, v7  }
0x6d: {  	[tilespmem:s0+$0xB970] =	vst.add.f32.msk $0xffff, v8  }
0x6e: {  	[tilespmem:s0+$0xB980] =	vst.add.f32.msk $0xffff, v9  }
0x6f: {  	[tilespmem:s0+$0xB990] =	vst.add.f32.msk $0xffff, v10  }
0x70: {  	[tilespmem:s0+$0xB9A0] =	vst.add.f32.msk $0xffff, v11  }
0x71: {  	[tilespmem:s0+$0xB9B0] =	vst.add.f32.msk $0xffff, v12  }
0x72: {  	[tilespmem:s0+$0xB9C0] =	vst.add.f32.msk $0xffff, v13  }
0x73: {  	[tilespmem:s0+$0xB9D0] =	vst.add.f32.msk $0xffff, v14  }
0x74: {  	[tilespmem:s0+$0xB9E0] =	vst.add.f32.msk $0xffff, v15  }
0x75: {  	[tilespmem:s0+$0xB9F0] =	vst.add.f32.msk $0xffff, v16  }
0x76: {  	[tilespmem:s0+$0xBA00] =	vst.add.f32.msk $0xffff, v17  }
0x77: {  	[tilespmem:s0+$0xBA10] =	vst.add.f32.msk $0xffff, v18  }
0x78: {  	[tilespmem:s0+$0xBA20] =	vst.add.f32.msk $0xffff, v19  }
0x79: {  	[tilespmem:s0+$0xBA30] =	vst.add.f32.msk $0xffff, v20  }
0x7a: {  	[tilespmem:s0+$0xBA40] =	vst.add.f32.msk $0xffff, v21  }
0x7b: {  	[tilespmem:s0+$0xBA50] =	vst.add.f32.msk $0xffff, v22  }
0x7c: {  	[tilespmem:s0+$0xBA60] =	vst.add.f32.msk $0xffff, v23  }
0x7d: {  	[tilespmem:s0+$0xBA70] =	vst.add.f32.msk $0xffff, v24  }
0x7e: {  	[tilespmem:s0+$0xBA80] =	vst.add.f32.msk $0xffff, v25  }
0x7f: {  	[tilespmem:s0+$0xBA90] =	vst.add.f32.msk $0xffff, v26  }
0x80: {  	[tilespmem:s0+$0xBAA0] =	vst.add.f32.msk $0xffff, v27  }
0x81: {  	[tilespmem:s0+$0xBAB0] =	vst.add.f32.msk $0xffff, v28  }
0x82: {  	[tilespmem:s0+$0xBAC0] =	vst.add.f32.msk $0xffff, v29  }
0x83: {  	s2 =	simm.s32 $0x0;
	s6 =	simm.s32 $0x800;
	[tilespmem:s0+$0xBAD0] =	vst.add.f32.msk $0xffff, v30  }
.LBB2_4:
0x84: {  	s2 =	sadd.s32 $0x4, s2;
	[tilespmem:s0+$0xBAE0] =	vst.add.f32.msk $0xffff, v0;
	s0 =	sshra.s32 s6, $0x2  }
0x85: {  	v0 =	vld [tilespmem:s0+$0x1AF0];
	p0 =	slt.u32 s2, $0x7C  }
0x86: {  	v1 =	vld [tilespmem:s0+$0x1900]  }
0x87: {  	v2 =	vld [tilespmem:s0+$0x1910]  }
0x88: {  	v3 =	vld [tilespmem:s0+$0x1920]  }
0x89: {  	v4 =	vld [tilespmem:s0+$0x1930]  }
0x8a: {  	[tilespmem:s0+$0xBAF0] =	vst.add.f32.msk $0xffff, v0  }
0x8b: {  	v5 =	vld [tilespmem:s0+$0x1940]  }
0x8c: {  	v6 =	vld [tilespmem:s0+$0x1950]  }
0x8d: {  	v7 =	vld [tilespmem:s0+$0x1960]  }
0x8e: {  	v8 =	vld [tilespmem:s0+$0x1970]  }
0x8f: {  	v9 =	vld [tilespmem:s0+$0x1980]  }
0x90: {  	v10 =	vld [tilespmem:s0+$0x1990]  }
0x91: {  	v11 =	vld [tilespmem:s0+$0x19A0]  }
0x92: {  	v12 =	vld [tilespmem:s0+$0x19B0]  }
0x93: {  	v13 =	vld [tilespmem:s0+$0x19C0]  }
0x94: {  	v14 =	vld [tilespmem:s0+$0x19D0]  }
0x95: {  	v15 =	vld [tilespmem:s0+$0x19E0]  }
0x96: {  	v16 =	vld [tilespmem:s0+$0x19F0]  }
0x97: {  	v17 =	vld [tilespmem:s0+$0x1A00]  }
0x98: {  	v18 =	vld [tilespmem:s0+$0x1A10]  }
0x99: {  	v19 =	vld [tilespmem:s0+$0x1A20]  }
0x9a: {  	v20 =	vld [tilespmem:s0+$0x1A30]  }
0x9b: {  	v21 =	vld [tilespmem:s0+$0x1A40]  }
0x9c: {  	v22 =	vld [tilespmem:s0+$0x1A50]  }
0x9d: {  	v23 =	vld [tilespmem:s0+$0x1A60]  }
0x9e: {  	v24 =	vld [tilespmem:s0+$0x1A70]  }
0x9f: {  	v25 =	vld [tilespmem:s0+$0x1A80]  }
0xa0: {  	v26 =	vld [tilespmem:s0+$0x1A90]  }
0xa1: {  	v27 =	vld [tilespmem:s0+$0x1AA0]  }
0xa2: {  	v28 =	vld [tilespmem:s0+$0x1AB0]  }
0xa3: {  	v29 =	vld [tilespmem:s0+$0x1AC0]  }
0xa4: {  	v30 =	vld [tilespmem:s0+$0x1AD0]  }
0xa5: {  	v0 =	vld [tilespmem:s0+$0x1AE0]  }
0xa6: {  	[tilespmem:s0+$0xB900] =	vst.add.f32.msk $0xffff, v1  }
0xa7: {  	[tilespmem:s0+$0xB910] =	vst.add.f32.msk $0xffff, v2  }
0xa8: {  	[tilespmem:s0+$0xB920] =	vst.add.f32.msk $0xffff, v3  }
0xa9: {  	[tilespmem:s0+$0xB930] =	vst.add.f32.msk $0xffff, v4  }
0xaa: {  	[tilespmem:s0+$0xB940] =	vst.add.f32.msk $0xffff, v5  }
0xab: {  	[tilespmem:s0+$0xB950] =	vst.add.f32.msk $0xffff, v6  }
0xac: {  	[tilespmem:s0+$0xB960] =	vst.add.f32.msk $0xffff, v7  }
0xad: {  	[tilespmem:s0+$0xB970] =	vst.add.f32.msk $0xffff, v8  }
0xae: {  	[tilespmem:s0+$0xB980] =	vst.add.f32.msk $0xffff, v9  }
0xaf: {  	[tilespmem:s0+$0xB990] =	vst.add.f32.msk $0xffff, v10  }
0xb0: {  	[tilespmem:s0+$0xB9A0] =	vst.add.f32.msk $0xffff, v11  }
0xb1: {  	[tilespmem:s0+$0xB9B0] =	vst.add.f32.msk $0xffff, v12  }
0xb2: {  	[tilespmem:s0+$0xB9C0] =	vst.add.f32.msk $0xffff, v13  }
0xb3: {  	[tilespmem:s0+$0xB9D0] =	vst.add.f32.msk $0xffff, v14  }
0xb4: {  	[tilespmem:s0+$0xB9E0] =	vst.add.f32.msk $0xffff, v15  }
0xb5: {  	[tilespmem:s0+$0xB9F0] =	vst.add.f32.msk $0xffff, v16  }
0xb6: {  	[tilespmem:s0+$0xBA00] =	vst.add.f32.msk $0xffff, v17  }
0xb7: {  	[tilespmem:s0+$0xBA10] =	vst.add.f32.msk $0xffff, v18  }
0xb8: {  	[tilespmem:s0+$0xBA20] =	vst.add.f32.msk $0xffff, v19  }
0xb9: {  	[tilespmem:s0+$0xBA30] =	vst.add.f32.msk $0xffff, v20  }
0xba: {  	[tilespmem:s0+$0xBA40] =	vst.add.f32.msk $0xffff, v21  }
0xbb: {  	[tilespmem:s0+$0xBA50] =	vst.add.f32.msk $0xffff, v22  }
0xbc: {  	[tilespmem:s0+$0xBA60] =	vst.add.f32.msk $0xffff, v23  }
0xbd: {  	[tilespmem:s0+$0xBA70] =	vst.add.f32.msk $0xffff, v24  }
0xbe: {  	[tilespmem:s0+$0xBA80] =	vst.add.f32.msk $0xffff, v25  }
.Ltmp1:
0xbf: {  	[tilespmem:s0+$0xBA90] =	vst.add.f32.msk $0xffff, v26;
	(pc) =	sbr.rel @p0 .LBB2_4-.Ltmp1, $4  }
0xc0: {  	[tilespmem:s0+$0xBAA0] =	vst.add.f32.msk $0xffff, v27  }
0xc1: {  	[tilespmem:s0+$0xBAB0] =	vst.add.f32.msk $0xffff, v28  }
0xc2: {  	[tilespmem:s0+$0xBAC0] =	vst.add.f32.msk $0xffff, v29  }
0xc3: {  	s6 =	sadd.s32 $0x800, s6;
	[tilespmem:s0+$0xBAD0] =	vst.add.f32.msk $0xffff, v30  }
0xc4: {  	[tilespmem:s0+$0xBAE0] =	vst.add.f32.msk $0xffff, v0  }
0xc5: {  	s28 =	simm.s32 $0x0;
	s2 =	rddreg [dreg:$0x6]  }
0xc6: {  	[hbm4b:s2+s28] =	stream.linear.scatter [tilespmem:s16], [sflag:$0x4], $0x4000, $0x38;
	[tilespmem:$0x17900] =	vst v63  }
0xc7: {  	s31 =	simm.s32 $0x100  }
0xc8: {  	[tilespmem:s21], [sflag:$0x3] =	stream.indirect.gather [hbm4b:s1+s15], $0x80, s31, s15, $0xb8;
	[tilespmem:$0x17900] =	vst v63  }
0xc9: {  	_ =	swait.ge [sflag:s22], $0x4000  }
0xca: {  	[sflag:s22] =	ssyncset.done $0x0  }
0xcb: {  	s0 =	simm.s32 $0x0;
	[sflag:s22] =	ssyncadd.s32 $0xFFFFC000  }
0xcc: {  	v0 =	vld [tilespmem:s0+$0x5AF0]  }
0xcd: {  	v1 =	vld [tilespmem:s0+$0x5900]  }
0xce: {  	v2 =	vld [tilespmem:s0+$0x5910]  }
0xcf: {  	v3 =	vld [tilespmem:s0+$0x5920]  }
0xd0: {  	v4 =	vld [tilespmem:s0+$0x5930]  }
0xd1: {  	v5 =	vld [tilespmem:s0+$0x5940]  }
0xd2: {  	v6 =	vld [tilespmem:s0+$0x5950]  }
0xd3: {  	v7 =	vld [tilespmem:s0+$0x5960]  }
0xd4: {  	v8 =	vld [tilespmem:s0+$0x5970]  }
0xd5: {  	v9 =	vld [tilespmem:s0+$0x5980]  }
0xd6: {  	v10 =	vld [tilespmem:s0+$0x5990]  }
0xd7: {  	v11 =	vld [tilespmem:s0+$0x59A0]  }
0xd8: {  	v12 =	vld [tilespmem:s0+$0x59B0]  }
0xd9: {  	v13 =	vld [tilespmem:s0+$0x59C0]  }
0xda: {  	v14 =	vld [tilespmem:s0+$0x59D0]  }
0xdb: {  	v15 =	vld [tilespmem:s0+$0x59E0]  }
0xdc: {  	v16 =	vld [tilespmem:s0+$0x59F0]  }
0xdd: {  	v17 =	vld [tilespmem:s0+$0x5A00]  }
0xde: {  	v18 =	vld [tilespmem:s0+$0x5A10]  }
0xdf: {  	v19 =	vld [tilespmem:s0+$0x5A20]  }
0xe0: {  	v20 =	vld [tilespmem:s0+$0x5A30]  }
0xe1: {  	v21 =	vld [tilespmem:s0+$0x5A40]  }
0xe2: {  	v22 =	vld [tilespmem:s0+$0x5A50]  }
0xe3: {  	v23 =	vld [tilespmem:s0+$0x5A60]  }
0xe4: {  	v24 =	vld [tilespmem:s0+$0x5A70]  }
0xe5: {  	v25 =	vld [tilespmem:s0+$0x5A80]  }
0xe6: {  	v26 =	vld [tilespmem:s0+$0x5A90]  }
0xe7: {  	v27 =	vld [tilespmem:s0+$0x5AA0]  }
0xe8: {  	v28 =	vld [tilespmem:s0+$0x5AB0]  }
0xe9: {  	v29 =	vld [tilespmem:s0+$0x5AC0]  }
0xea: {  	v30 =	vld [tilespmem:s0+$0x5AD0]  }
0xeb: {  	[tilespmem:s0+$0xFAF0] =	vst.add.f32.msk $0xffff, v0  }
0xec: {  	v0 =	vld [tilespmem:s0+$0x5AE0]  }
0xed: {  	[tilespmem:s0+$0xF900] =	vst.add.f32.msk $0xffff, v1  }
0xee: {  	[tilespmem:s0+$0xF910] =	vst.add.f32.msk $0xffff, v2  }
0xef: {  	[tilespmem:s0+$0xF920] =	vst.add.f32.msk $0xffff, v3  }
0xf0: {  	[tilespmem:s0+$0xF930] =	vst.add.f32.msk $0xffff, v4  }
0xf1: {  	[tilespmem:s0+$0xF940] =	vst.add.f32.msk $0xffff, v5  }
0xf2: {  	[tilespmem:s0+$0xF950] =	vst.add.f32.msk $0xffff, v6  }
0xf3: {  	[tilespmem:s0+$0xF960] =	vst.add.f32.msk $0xffff, v7  }
0xf4: {  	[tilespmem:s0+$0xF970] =	vst.add.f32.msk $0xffff, v8  }
0xf5: {  	[tilespmem:s0+$0xF980] =	vst.add.f32.msk $0xffff, v9  }
0xf6: {  	[tilespmem:s0+$0xF990] =	vst.add.f32.msk $0xffff, v10  }
0xf7: {  	[tilespmem:s0+$0xF9A0] =	vst.add.f32.msk $0xffff, v11  }
0xf8: {  	[tilespmem:s0+$0xF9B0] =	vst.add.f32.msk $0xffff, v12  }
0xf9: {  	[tilespmem:s0+$0xF9C0] =	vst.add.f32.msk $0xffff, v13  }
0xfa: {  	[tilespmem:s0+$0xF9D0] =	vst.add.f32.msk $0xffff, v14  }
0xfb: {  	[tilespmem:s0+$0xF9E0] =	vst.add.f32.msk $0xffff, v15  }
0xfc: {  	[tilespmem:s0+$0xF9F0] =	vst.add.f32.msk $0xffff, v16  }
0xfd: {  	[tilespmem:s0+$0xFA00] =	vst.add.f32.msk $0xffff, v17  }
0xfe: {  	[tilespmem:s0+$0xFA10] =	vst.add.f32.msk $0xffff, v18  }
0xff: {  	[tilespmem:s0+$0xFA20] =	vst.add.f32.msk $0xffff, v19  }
0x100: {  	[tilespmem:s0+$0xFA30] =	vst.add.f32.msk $0xffff, v20  }
0x101: {  	[tilespmem:s0+$0xFA40] =	vst.add.f32.msk $0xffff, v21  }
0x102: {  	[tilespmem:s0+$0xFA50] =	vst.add.f32.msk $0xffff, v22  }
0x103: {  	[tilespmem:s0+$0xFA60] =	vst.add.f32.msk $0xffff, v23  }
0x104: {  	[tilespmem:s0+$0xFA70] =	vst.add.f32.msk $0xffff, v24  }
0x105: {  	[tilespmem:s0+$0xFA80] =	vst.add.f32.msk $0xffff, v25  }
0x106: {  	[tilespmem:s0+$0xFA90] =	vst.add.f32.msk $0xffff, v26  }
0x107: {  	[tilespmem:s0+$0xFAA0] =	vst.add.f32.msk $0xffff, v27  }
0x108: {  	[tilespmem:s0+$0xFAB0] =	vst.add.f32.msk $0xffff, v28  }
0x109: {  	[tilespmem:s0+$0xFAC0] =	vst.add.f32.msk $0xffff, v29  }
0x10a: {  	s6 =	simm.s32 $0x800;
	s2 =	simm.s32 $0x0;
	[tilespmem:s0+$0xFAD0] =	vst.add.f32.msk $0xffff, v30  }
.LBB2_6:
0x10b: {  	s2 =	sadd.s32 $0x4, s2;
	[tilespmem:s0+$0xFAE0] =	vst.add.f32.msk $0xffff, v0;
	s0 =	sshra.s32 s6, $0x2  }
0x10c: {  	v0 =	vld [tilespmem:s0+$0x5AF0];
	p0 =	slt.u32 s2, $0x7C  }
0x10d: {  	v1 =	vld [tilespmem:s0+$0x5900]  }
0x10e: {  	v2 =	vld [tilespmem:s0+$0x5910]  }
0x10f: {  	v3 =	vld [tilespmem:s0+$0x5920]  }
0x110: {  	v4 =	vld [tilespmem:s0+$0x5930]  }
0x111: {  	[tilespmem:s0+$0xFAF0] =	vst.add.f32.msk $0xffff, v0  }
0x112: {  	v5 =	vld [tilespmem:s0+$0x5940]  }
0x113: {  	v6 =	vld [tilespmem:s0+$0x5950]  }
0x114: {  	v7 =	vld [tilespmem:s0+$0x5960]  }
0x115: {  	v8 =	vld [tilespmem:s0+$0x5970]  }
0x116: {  	v9 =	vld [tilespmem:s0+$0x5980]  }
0x117: {  	v10 =	vld [tilespmem:s0+$0x5990]  }
0x118: {  	v11 =	vld [tilespmem:s0+$0x59A0]  }
0x119: {  	v12 =	vld [tilespmem:s0+$0x59B0]  }
0x11a: {  	v13 =	vld [tilespmem:s0+$0x59C0]  }
0x11b: {  	v14 =	vld [tilespmem:s0+$0x59D0]  }
0x11c: {  	v15 =	vld [tilespmem:s0+$0x59E0]  }
0x11d: {  	v16 =	vld [tilespmem:s0+$0x59F0]  }
0x11e: {  	v17 =	vld [tilespmem:s0+$0x5A00]  }
0x11f: {  	v18 =	vld [tilespmem:s0+$0x5A10]  }
0x120: {  	v19 =	vld [tilespmem:s0+$0x5A20]  }
0x121: {  	v20 =	vld [tilespmem:s0+$0x5A30]  }
0x122: {  	v21 =	vld [tilespmem:s0+$0x5A40]  }
0x123: {  	v22 =	vld [tilespmem:s0+$0x5A50]  }
0x124: {  	v23 =	vld [tilespmem:s0+$0x5A60]  }
0x125: {  	v24 =	vld [tilespmem:s0+$0x5A70]  }
0x126: {  	v25 =	vld [tilespmem:s0+$0x5A80]  }
0x127: {  	v26 =	vld [tilespmem:s0+$0x5A90]  }
0x128: {  	v27 =	vld [tilespmem:s0+$0x5AA0]  }
0x129: {  	v28 =	vld [tilespmem:s0+$0x5AB0]  }
0x12a: {  	v29 =	vld [tilespmem:s0+$0x5AC0]  }
0x12b: {  	v30 =	vld [tilespmem:s0+$0x5AD0]  }
0x12c: {  	v0 =	vld [tilespmem:s0+$0x5AE0]  }
0x12d: {  	[tilespmem:s0+$0xF900] =	vst.add.f32.msk $0xffff, v1  }
0x12e: {  	[tilespmem:s0+$0xF910] =	vst.add.f32.msk $0xffff, v2  }
0x12f: {  	[tilespmem:s0+$0xF920] =	vst.add.f32.msk $0xffff, v3  }
0x130: {  	[tilespmem:s0+$0xF930] =	vst.add.f32.msk $0xffff, v4  }
0x131: {  	[tilespmem:s0+$0xF940] =	vst.add.f32.msk $0xffff, v5  }
0x132: {  	[tilespmem:s0+$0xF950] =	vst.add.f32.msk $0xffff, v6  }
0x133: {  	[tilespmem:s0+$0xF960] =	vst.add.f32.msk $0xffff, v7  }
0x134: {  	[tilespmem:s0+$0xF970] =	vst.add.f32.msk $0xffff, v8  }
0x135: {  	[tilespmem:s0+$0xF980] =	vst.add.f32.msk $0xffff, v9  }
0x136: {  	[tilespmem:s0+$0xF990] =	vst.add.f32.msk $0xffff, v10  }
0x137: {  	[tilespmem:s0+$0xF9A0] =	vst.add.f32.msk $0xffff, v11  }
0x138: {  	[tilespmem:s0+$0xF9B0] =	vst.add.f32.msk $0xffff, v12  }
0x139: {  	[tilespmem:s0+$0xF9C0] =	vst.add.f32.msk $0xffff, v13  }
0x13a: {  	[tilespmem:s0+$0xF9D0] =	vst.add.f32.msk $0xffff, v14  }
0x13b: {  	[tilespmem:s0+$0xF9E0] =	vst.add.f32.msk $0xffff, v15  }
0x13c: {  	[tilespmem:s0+$0xF9F0] =	vst.add.f32.msk $0xffff, v16  }
0x13d: {  	[tilespmem:s0+$0xFA00] =	vst.add.f32.msk $0xffff, v17  }
0x13e: {  	[tilespmem:s0+$0xFA10] =	vst.add.f32.msk $0xffff, v18  }
0x13f: {  	[tilespmem:s0+$0xFA20] =	vst.add.f32.msk $0xffff, v19  }
0x140: {  	[tilespmem:s0+$0xFA30] =	vst.add.f32.msk $0xffff, v20  }
0x141: {  	[tilespmem:s0+$0xFA40] =	vst.add.f32.msk $0xffff, v21  }
0x142: {  	[tilespmem:s0+$0xFA50] =	vst.add.f32.msk $0xffff, v22  }
0x143: {  	[tilespmem:s0+$0xFA60] =	vst.add.f32.msk $0xffff, v23  }
0x144: {  	[tilespmem:s0+$0xFA70] =	vst.add.f32.msk $0xffff, v24  }
0x145: {  	[tilespmem:s0+$0xFA80] =	vst.add.f32.msk $0xffff, v25  }
.Ltmp2:
0x146: {  	[tilespmem:s0+$0xFA90] =	vst.add.f32.msk $0xffff, v26;
	(pc) =	sbr.rel @p0 .LBB2_6-.Ltmp2, $4  }
0x147: {  	[tilespmem:s0+$0xFAA0] =	vst.add.f32.msk $0xffff, v27  }
0x148: {  	[tilespmem:s0+$0xFAB0] =	vst.add.f32.msk $0xffff, v28  }
0x149: {  	[tilespmem:s0+$0xFAC0] =	vst.add.f32.msk $0xffff, v29  }
0x14a: {  	s6 =	sadd.s32 $0x800, s6;
	[tilespmem:s0+$0xFAD0] =	vst.add.f32.msk $0xffff, v30  }
0x14b: {  	[tilespmem:s0+$0xFAE0] =	vst.add.f32.msk $0xffff, v0  }
0x14c: {  	s28 =	simm.s32 $0x0;
	s2 =	rddreg [dreg:$0x7]  }
0x14d: {  	[hbm4b:s2+s28] =	stream.linear.scatter [tilespmem:s18], [sflag:$0x5], $0x4000, $0x38;
	[tilespmem:$0x17900] =	vst v63  }
0x14e: {  	_ =	swait.ge [sflag:s23], $0x4000  }
0x14f: {  	[sflag:s23] =	ssyncset.done $0x0  }
0x150: {  	s31 =	simm.s32 $0x180;
	[sflag:s23] =	ssyncadd.s32 $0xFFFFC000  }
0x151: {  	[tilespmem:s16], [sflag:$0x1] =	stream.indirect.gather [hbm4b:s1+s15], $0x80, s31, s15, $0xb8;
	[tilespmem:$0x17900] =	vst v63  }
0x152: {  	_ =	swait.ge [sflag:s25], $0x4000  }
0x153: {  	[sflag:s25] =	ssyncset.done $0x0  }
0x154: {  	s0 =	simm.s32 $0x0;
	[sflag:s25] =	ssyncadd.s32 $0xFFFFC000  }
0x155: {  	v0 =	vld [tilespmem:s0+$0x36F0]  }
0x156: {  	v1 =	vld [tilespmem:s0+$0x3500]  }
0x157: {  	v2 =	vld [tilespmem:s0+$0x3510]  }
0x158: {  	v3 =	vld [tilespmem:s0+$0x3520]  }
0x159: {  	v4 =	vld [tilespmem:s0+$0x3530]  }
0x15a: {  	v5 =	vld [tilespmem:s0+$0x3540]  }
0x15b: {  	v6 =	vld [tilespmem:s0+$0x3550]  }
0x15c: {  	v7 =	vld [tilespmem:s0+$0x3560]  }
0x15d: {  	v8 =	vld [tilespmem:s0+$0x3570]  }
0x15e: {  	v9 =	vld [tilespmem:s0+$0x3580]  }
0x15f: {  	v10 =	vld [tilespmem:s0+$0x3590]  }
0x160: {  	v11 =	vld [tilespmem:s0+$0x35A0]  }
0x161: {  	v12 =	vld [tilespmem:s0+$0x35B0]  }
0x162: {  	v13 =	vld [tilespmem:s0+$0x35C0]  }
0x163: {  	v14 =	vld [tilespmem:s0+$0x35D0]  }
0x164: {  	v15 =	vld [tilespmem:s0+$0x35E0]  }
0x165: {  	v16 =	vld [tilespmem:s0+$0x35F0]  }
0x166: {  	v17 =	vld [tilespmem:s0+$0x3600]  }
0x167: {  	v18 =	vld [tilespmem:s0+$0x3610]  }
0x168: {  	v19 =	vld [tilespmem:s0+$0x3620]  }
0x169: {  	v20 =	vld [tilespmem:s0+$0x3630]  }
0x16a: {  	v21 =	vld [tilespmem:s0+$0x3640]  }
0x16b: {  	v22 =	vld [tilespmem:s0+$0x3650]  }
0x16c: {  	v23 =	vld [tilespmem:s0+$0x3660]  }
0x16d: {  	v24 =	vld [tilespmem:s0+$0x3670]  }
0x16e: {  	v25 =	vld [tilespmem:s0+$0x3680]  }
0x16f: {  	v26 =	vld [tilespmem:s0+$0x3690]  }
0x170: {  	v27 =	vld [tilespmem:s0+$0x36A0]  }
0x171: {  	v28 =	vld [tilespmem:s0+$0x36B0]  }
0x172: {  	v29 =	vld [tilespmem:s0+$0x36C0]  }
0x173: {  	v30 =	vld [tilespmem:s0+$0x36D0]  }
0x174: {  	[tilespmem:s0+$0x13AF0] =	vst.add.f32.msk $0xffff, v0  }
0x175: {  	v0 =	vld [tilespmem:s0+$0x36E0]  }
0x176: {  	[tilespmem:s0+$0x13900] =	vst.add.f32.msk $0xffff, v1  }
0x177: {  	[tilespmem:s0+$0x13910] =	vst.add.f32.msk $0xffff, v2  }
0x178: {  	[tilespmem:s0+$0x13920] =	vst.add.f32.msk $0xffff, v3  }
0x179: {  	[tilespmem:s0+$0x13930] =	vst.add.f32.msk $0xffff, v4  }
0x17a: {  	[tilespmem:s0+$0x13940] =	vst.add.f32.msk $0xffff, v5  }
0x17b: {  	[tilespmem:s0+$0x13950] =	vst.add.f32.msk $0xffff, v6  }
0x17c: {  	[tilespmem:s0+$0x13960] =	vst.add.f32.msk $0xffff, v7  }
0x17d: {  	[tilespmem:s0+$0x13970] =	vst.add.f32.msk $0xffff, v8  }
0x17e: {  	[tilespmem:s0+$0x13980] =	vst.add.f32.msk $0xffff, v9  }
0x17f: {  	[tilespmem:s0+$0x13990] =	vst.add.f32.msk $0xffff, v10  }
0x180: {  	[tilespmem:s0+$0x139A0] =	vst.add.f32.msk $0xffff, v11  }
0x181: {  	[tilespmem:s0+$0x139B0] =	vst.add.f32.msk $0xffff, v12  }
0x182: {  	[tilespmem:s0+$0x139C0] =	vst.add.f32.msk $0xffff, v13  }
0x183: {  	[tilespmem:s0+$0x139D0] =	vst.add.f32.msk $0xffff, v14  }
0x184: {  	[tilespmem:s0+$0x139E0] =	vst.add.f32.msk $0xffff, v15  }
0x185: {  	[tilespmem:s0+$0x139F0] =	vst.add.f32.msk $0xffff, v16  }
0x186: {  	[tilespmem:s0+$0x13A00] =	vst.add.f32.msk $0xffff, v17  }
0x187: {  	[tilespmem:s0+$0x13A10] =	vst.add.f32.msk $0xffff, v18  }
0x188: {  	[tilespmem:s0+$0x13A20] =	vst.add.f32.msk $0xffff, v19  }
0x189: {  	[tilespmem:s0+$0x13A30] =	vst.add.f32.msk $0xffff, v20  }
0x18a: {  	[tilespmem:s0+$0x13A40] =	vst.add.f32.msk $0xffff, v21  }
0x18b: {  	[tilespmem:s0+$0x13A50] =	vst.add.f32.msk $0xffff, v22  }
0x18c: {  	[tilespmem:s0+$0x13A60] =	vst.add.f32.msk $0xffff, v23  }
0x18d: {  	[tilespmem:s0+$0x13A70] =	vst.add.f32.msk $0xffff, v24  }
0x18e: {  	[tilespmem:s0+$0x13A80] =	vst.add.f32.msk $0xffff, v25  }
0x18f: {  	[tilespmem:s0+$0x13A90] =	vst.add.f32.msk $0xffff, v26  }
0x190: {  	[tilespmem:s0+$0x13AA0] =	vst.add.f32.msk $0xffff, v27  }
0x191: {  	[tilespmem:s0+$0x13AB0] =	vst.add.f32.msk $0xffff, v28  }
0x192: {  	[tilespmem:s0+$0x13AC0] =	vst.add.f32.msk $0xffff, v29  }
0x193: {  	s6 =	simm.s32 $0x800;
	s2 =	simm.s32 $0x0;
	[tilespmem:s0+$0x13AD0] =	vst.add.f32.msk $0xffff, v30  }
.LBB2_8:
0x194: {  	s2 =	sadd.s32 $0x4, s2;
	[tilespmem:s0+$0x13AE0] =	vst.add.f32.msk $0xffff, v0;
	s0 =	sshra.s32 s6, $0x2  }
0x195: {  	v0 =	vld [tilespmem:s0+$0x36F0];
	p0 =	slt.u32 s2, $0x7C  }
0x196: {  	v1 =	vld [tilespmem:s0+$0x3500]  }
0x197: {  	v2 =	vld [tilespmem:s0+$0x3510]  }
0x198: {  	v3 =	vld [tilespmem:s0+$0x3520]  }
0x199: {  	v4 =	vld [tilespmem:s0+$0x3530]  }
0x19a: {  	[tilespmem:s0+$0x13AF0] =	vst.add.f32.msk $0xffff, v0  }
0x19b: {  	v5 =	vld [tilespmem:s0+$0x3540]  }
0x19c: {  	v6 =	vld [tilespmem:s0+$0x3550]  }
0x19d: {  	v7 =	vld [tilespmem:s0+$0x3560]  }
0x19e: {  	v8 =	vld [tilespmem:s0+$0x3570]  }
0x19f: {  	v9 =	vld [tilespmem:s0+$0x3580]  }
0x1a0: {  	v10 =	vld [tilespmem:s0+$0x3590]  }
0x1a1: {  	v11 =	vld [tilespmem:s0+$0x35A0]  }
0x1a2: {  	v12 =	vld [tilespmem:s0+$0x35B0]  }
0x1a3: {  	v13 =	vld [tilespmem:s0+$0x35C0]  }
0x1a4: {  	v14 =	vld [tilespmem:s0+$0x35D0]  }
0x1a5: {  	v15 =	vld [tilespmem:s0+$0x35E0]  }
0x1a6: {  	v16 =	vld [tilespmem:s0+$0x35F0]  }
0x1a7: {  	v17 =	vld [tilespmem:s0+$0x3600]  }
0x1a8: {  	v18 =	vld [tilespmem:s0+$0x3610]  }
0x1a9: {  	v19 =	vld [tilespmem:s0+$0x3620]  }
0x1aa: {  	v20 =	vld [tilespmem:s0+$0x3630]  }
0x1ab: {  	v21 =	vld [tilespmem:s0+$0x3640]  }
0x1ac: {  	v22 =	vld [tilespmem:s0+$0x3650]  }
0x1ad: {  	v23 =	vld [tilespmem:s0+$0x3660]  }
0x1ae: {  	v24 =	vld [tilespmem:s0+$0x3670]  }
0x1af: {  	v25 =	vld [tilespmem:s0+$0x3680]  }
0x1b0: {  	v26 =	vld [tilespmem:s0+$0x3690]  }
0x1b1: {  	v27 =	vld [tilespmem:s0+$0x36A0]  }
0x1b2: {  	v28 =	vld [tilespmem:s0+$0x36B0]  }
0x1b3: {  	v29 =	vld [tilespmem:s0+$0x36C0]  }
0x1b4: {  	v30 =	vld [tilespmem:s0+$0x36D0]  }
0x1b5: {  	v0 =	vld [tilespmem:s0+$0x36E0]  }
0x1b6: {  	[tilespmem:s0+$0x13900] =	vst.add.f32.msk $0xffff, v1  }
0x1b7: {  	[tilespmem:s0+$0x13910] =	vst.add.f32.msk $0xffff, v2  }
0x1b8: {  	[tilespmem:s0+$0x13920] =	vst.add.f32.msk $0xffff, v3  }
0x1b9: {  	[tilespmem:s0+$0x13930] =	vst.add.f32.msk $0xffff, v4  }
0x1ba: {  	[tilespmem:s0+$0x13940] =	vst.add.f32.msk $0xffff, v5  }
0x1bb: {  	[tilespmem:s0+$0x13950] =	vst.add.f32.msk $0xffff, v6  }
0x1bc: {  	[tilespmem:s0+$0x13960] =	vst.add.f32.msk $0xffff, v7  }
0x1bd: {  	[tilespmem:s0+$0x13970] =	vst.add.f32.msk $0xffff, v8  }
0x1be: {  	[tilespmem:s0+$0x13980] =	vst.add.f32.msk $0xffff, v9  }
0x1bf: {  	[tilespmem:s0+$0x13990] =	vst.add.f32.msk $0xffff, v10  }
0x1c0: {  	[tilespmem:s0+$0x139A0] =	vst.add.f32.msk $0xffff, v11  }
0x1c1: {  	[tilespmem:s0+$0x139B0] =	vst.add.f32.msk $0xffff, v12  }
0x1c2: {  	[tilespmem:s0+$0x139C0] =	vst.add.f32.msk $0xffff, v13  }
0x1c3: {  	[tilespmem:s0+$0x139D0] =	vst.add.f32.msk $0xffff, v14  }
0x1c4: {  	[tilespmem:s0+$0x139E0] =	vst.add.f32.msk $0xffff, v15  }
0x1c5: {  	[tilespmem:s0+$0x139F0] =	vst.add.f32.msk $0xffff, v16  }
0x1c6: {  	[tilespmem:s0+$0x13A00] =	vst.add.f32.msk $0xffff, v17  }
0x1c7: {  	[tilespmem:s0+$0x13A10] =	vst.add.f32.msk $0xffff, v18  }
0x1c8: {  	[tilespmem:s0+$0x13A20] =	vst.add.f32.msk $0xffff, v19  }
0x1c9: {  	[tilespmem:s0+$0x13A30] =	vst.add.f32.msk $0xffff, v20  }
0x1ca: {  	[tilespmem:s0+$0x13A40] =	vst.add.f32.msk $0xffff, v21  }
0x1cb: {  	[tilespmem:s0+$0x13A50] =	vst.add.f32.msk $0xffff, v22  }
0x1cc: {  	[tilespmem:s0+$0x13A60] =	vst.add.f32.msk $0xffff, v23  }
0x1cd: {  	[tilespmem:s0+$0x13A70] =	vst.add.f32.msk $0xffff, v24  }
0x1ce: {  	[tilespmem:s0+$0x13A80] =	vst.add.f32.msk $0xffff, v25  }
.Ltmp3:
0x1cf: {  	[tilespmem:s0+$0x13A90] =	vst.add.f32.msk $0xffff, v26;
	(pc) =	sbr.rel @p0 .LBB2_8-.Ltmp3, $4  }
0x1d0: {  	[tilespmem:s0+$0x13AA0] =	vst.add.f32.msk $0xffff, v27  }
0x1d1: {  	[tilespmem:s0+$0x13AB0] =	vst.add.f32.msk $0xffff, v28  }
0x1d2: {  	[tilespmem:s0+$0x13AC0] =	vst.add.f32.msk $0xffff, v29  }
0x1d3: {  	s6 =	sadd.s32 $0x800, s6;
	[tilespmem:s0+$0x13AD0] =	vst.add.f32.msk $0xffff, v30  }
0x1d4: {  	[tilespmem:s0+$0x13AE0] =	vst.add.f32.msk $0xffff, v0  }
0x1d5: {  	s28 =	simm.s32 $0x0;
	s2 =	rddreg [dreg:$0x8]  }
0x1d6: {  	[hbm4b:s2+s28] =	stream.linear.scatter [tilespmem:s21], [sflag:$0x6], $0x4000, $0x38;
	[tilespmem:$0x17900] =	vst v63  }
0x1d7: {  	_ =	swait.ge [sflag:s26], $0x4000  }
0x1d8: {  	[sflag:s26] =	ssyncset.done $0x0  }
0x1d9: {  	s31 =	simm.s32 $0x200;
	[sflag:s26] =	ssyncadd.s32 $0xFFFFC000  }
0x1da: {  	[tilespmem:s18], [sflag:$0x2] =	stream.indirect.gather [hbm4b:s1+s15], $0x80, s31, s15, $0xb8;
	[tilespmem:$0x17900] =	vst v63  }
0x1db: {  	_ =	swait.ge [sflag:s19], $0x4000  }
0x1dc: {  	[sflag:s19] =	ssyncset.done $0x0  }
0x1dd: {  	s0 =	simm.s32 $0x0;
	[sflag:s19] =	ssyncadd.s32 $0xFFFFC000  }
0x1de: {  	v0 =	vld [tilespmem:s0+$0x76F0]  }
0x1df: {  	v1 =	vld [tilespmem:s0+$0x7500]  }
0x1e0: {  	v2 =	vld [tilespmem:s0+$0x7510]  }
0x1e1: {  	v3 =	vld [tilespmem:s0+$0x7520]  }
0x1e2: {  	v4 =	vld [tilespmem:s0+$0x7530]  }
0x1e3: {  	v5 =	vld [tilespmem:s0+$0x7540]  }
0x1e4: {  	v6 =	vld [tilespmem:s0+$0x7550]  }
0x1e5: {  	v7 =	vld [tilespmem:s0+$0x7560]  }
0x1e6: {  	v8 =	vld [tilespmem:s0+$0x7570]  }
0x1e7: {  	v9 =	vld [tilespmem:s0+$0x7580]  }
0x1e8: {  	v10 =	vld [tilespmem:s0+$0x7590]  }
0x1e9: {  	v11 =	vld [tilespmem:s0+$0x75A0]  }
0x1ea: {  	v12 =	vld [tilespmem:s0+$0x75B0]  }
0x1eb: {  	v13 =	vld [tilespmem:s0+$0x75C0]  }
0x1ec: {  	v14 =	vld [tilespmem:s0+$0x75D0]  }
0x1ed: {  	v15 =	vld [tilespmem:s0+$0x75E0]  }
0x1ee: {  	v16 =	vld [tilespmem:s0+$0x75F0]  }
0x1ef: {  	v17 =	vld [tilespmem:s0+$0x7600]  }
0x1f0: {  	v18 =	vld [tilespmem:s0+$0x7610]  }
0x1f1: {  	v19 =	vld [tilespmem:s0+$0x7620]  }
0x1f2: {  	v20 =	vld [tilespmem:s0+$0x7630]  }
0x1f3: {  	v21 =	vld [tilespmem:s0+$0x7640]  }
0x1f4: {  	v22 =	vld [tilespmem:s0+$0x7650]  }
0x1f5: {  	v23 =	vld [tilespmem:s0+$0x7660]  }
0x1f6: {  	v24 =	vld [tilespmem:s0+$0x7670]  }
0x1f7: {  	v25 =	vld [tilespmem:s0+$0x7680]  }
0x1f8: {  	v26 =	vld [tilespmem:s0+$0x7690]  }
0x1f9: {  	v27 =	vld [tilespmem:s0+$0x76A0]  }
0x1fa: {  	v28 =	vld [tilespmem:s0+$0x76B0]  }
0x1fb: {  	v29 =	vld [tilespmem:s0+$0x76C0]  }
0x1fc: {  	v30 =	vld [tilespmem:s0+$0x76D0]  }
0x1fd: {  	[tilespmem:s0+$0xBAF0] =	vst.add.f32.msk $0xffff, v0  }
0x1fe: {  	v0 =	vld [tilespmem:s0+$0x76E0]  }
0x1ff: {  	[tilespmem:s0+$0xB900] =	vst.add.f32.msk $0xffff, v1  }
0x200: {  	[tilespmem:s0+$0xB910] =	vst.add.f32.msk $0xffff, v2  }
0x201: {  	[tilespmem:s0+$0xB920] =	vst.add.f32.msk $0xffff, v3  }
0x202: {  	[tilespmem:s0+$0xB930] =	vst.add.f32.msk $0xffff, v4  }
0x203: {  	[tilespmem:s0+$0xB940] =	vst.add.f32.msk $0xffff, v5  }
0x204: {  	[tilespmem:s0+$0xB950] =	vst.add.f32.msk $0xffff, v6  }
0x205: {  	[tilespmem:s0+$0xB960] =	vst.add.f32.msk $0xffff, v7  }
0x206: {  	[tilespmem:s0+$0xB970] =	vst.add.f32.msk $0xffff, v8  }
0x207: {  	[tilespmem:s0+$0xB980] =	vst.add.f32.msk $0xffff, v9  }
0x208: {  	[tilespmem:s0+$0xB990] =	vst.add.f32.msk $0xffff, v10  }
0x209: {  	[tilespmem:s0+$0xB9A0] =	vst.add.f32.msk $0xffff, v11  }
0x20a: {  	[tilespmem:s0+$0xB9B0] =	vst.add.f32.msk $0xffff, v12  }
0x20b: {  	[tilespmem:s0+$0xB9C0] =	vst.add.f32.msk $0xffff, v13  }
0x20c: {  	[tilespmem:s0+$0xB9D0] =	vst.add.f32.msk $0xffff, v14  }
0x20d: {  	[tilespmem:s0+$0xB9E0] =	vst.add.f32.msk $0xffff, v15  }
0x20e: {  	[tilespmem:s0+$0xB9F0] =	vst.add.f32.msk $0xffff, v16  }
0x20f: {  	[tilespmem:s0+$0xBA00] =	vst.add.f32.msk $0xffff, v17  }
0x210: {  	[tilespmem:s0+$0xBA10] =	vst.add.f32.msk $0xffff, v18  }
0x211: {  	[tilespmem:s0+$0xBA20] =	vst.add.f32.msk $0xffff, v19  }
0x212: {  	[tilespmem:s0+$0xBA30] =	vst.add.f32.msk $0xffff, v20  }
0x213: {  	[tilespmem:s0+$0xBA40] =	vst.add.f32.msk $0xffff, v21  }
0x214: {  	[tilespmem:s0+$0xBA50] =	vst.add.f32.msk $0xffff, v22  }
0x215: {  	[tilespmem:s0+$0xBA60] =	vst.add.f32.msk $0xffff, v23  }
0x216: {  	[tilespmem:s0+$0xBA70] =	vst.add.f32.msk $0xffff, v24  }
0x217: {  	[tilespmem:s0+$0xBA80] =	vst.add.f32.msk $0xffff, v25  }
0x218: {  	[tilespmem:s0+$0xBA90] =	vst.add.f32.msk $0xffff, v26  }
0x219: {  	[tilespmem:s0+$0xBAA0] =	vst.add.f32.msk $0xffff, v27  }
0x21a: {  	[tilespmem:s0+$0xBAB0] =	vst.add.f32.msk $0xffff, v28  }
0x21b: {  	[tilespmem:s0+$0xBAC0] =	vst.add.f32.msk $0xffff, v29  }
0x21c: {  	s6 =	simm.s32 $0x800;
	s2 =	simm.s32 $0x0;
	[tilespmem:s0+$0xBAD0] =	vst.add.f32.msk $0xffff, v30  }
.LBB2_10:
0x21d: {  	s2 =	sadd.s32 $0x4, s2;
	[tilespmem:s0+$0xBAE0] =	vst.add.f32.msk $0xffff, v0;
	s0 =	sshra.s32 s6, $0x2  }
0x21e: {  	v0 =	vld [tilespmem:s0+$0x76F0];
	p0 =	slt.u32 s2, $0x7C  }
0x21f: {  	v1 =	vld [tilespmem:s0+$0x7500]  }
0x220: {  	v2 =	vld [tilespmem:s0+$0x7510]  }
0x221: {  	v3 =	vld [tilespmem:s0+$0x7520]  }
0x222: {  	v4 =	vld [tilespmem:s0+$0x7530]  }
0x223: {  	[tilespmem:s0+$0xBAF0] =	vst.add.f32.msk $0xffff, v0  }
0x224: {  	v5 =	vld [tilespmem:s0+$0x7540]  }
0x225: {  	v6 =	vld [tilespmem:s0+$0x7550]  }
0x226: {  	v7 =	vld [tilespmem:s0+$0x7560]  }
0x227: {  	v8 =	vld [tilespmem:s0+$0x7570]  }
0x228: {  	v9 =	vld [tilespmem:s0+$0x7580]  }
0x229: {  	v10 =	vld [tilespmem:s0+$0x7590]  }
0x22a: {  	v11 =	vld [tilespmem:s0+$0x75A0]  }
0x22b: {  	v12 =	vld [tilespmem:s0+$0x75B0]  }
0x22c: {  	v13 =	vld [tilespmem:s0+$0x75C0]  }
0x22d: {  	v14 =	vld [tilespmem:s0+$0x75D0]  }
0x22e: {  	v15 =	vld [tilespmem:s0+$0x75E0]  }
0x22f: {  	v16 =	vld [tilespmem:s0+$0x75F0]  }
0x230: {  	v17 =	vld [tilespmem:s0+$0x7600]  }
0x231: {  	v18 =	vld [tilespmem:s0+$0x7610]  }
0x232: {  	v19 =	vld [tilespmem:s0+$0x7620]  }
0x233: {  	v20 =	vld [tilespmem:s0+$0x7630]  }
0x234: {  	v21 =	vld [tilespmem:s0+$0x7640]  }
0x235: {  	v22 =	vld [tilespmem:s0+$0x7650]  }
0x236: {  	v23 =	vld [tilespmem:s0+$0x7660]  }
0x237: {  	v24 =	vld [tilespmem:s0+$0x7670]  }
0x238: {  	v25 =	vld [tilespmem:s0+$0x7680]  }
0x239: {  	v26 =	vld [tilespmem:s0+$0x7690]  }
0x23a: {  	v27 =	vld [tilespmem:s0+$0x76A0]  }
0x23b: {  	v28 =	vld [tilespmem:s0+$0x76B0]  }
0x23c: {  	v29 =	vld [tilespmem:s0+$0x76C0]  }
0x23d: {  	v30 =	vld [tilespmem:s0+$0x76D0]  }
0x23e: {  	v0 =	vld [tilespmem:s0+$0x76E0]  }
0x23f: {  	[tilespmem:s0+$0xB900] =	vst.add.f32.msk $0xffff, v1  }
0x240: {  	[tilespmem:s0+$0xB910] =	vst.add.f32.msk $0xffff, v2  }
0x241: {  	[tilespmem:s0+$0xB920] =	vst.add.f32.msk $0xffff, v3  }
0x242: {  	[tilespmem:s0+$0xB930] =	vst.add.f32.msk $0xffff, v4  }
0x243: {  	[tilespmem:s0+$0xB940] =	vst.add.f32.msk $0xffff, v5  }
0x244: {  	[tilespmem:s0+$0xB950] =	vst.add.f32.msk $0xffff, v6  }
0x245: {  	[tilespmem:s0+$0xB960] =	vst.add.f32.msk $0xffff, v7  }
0x246: {  	[tilespmem:s0+$0xB970] =	vst.add.f32.msk $0xffff, v8  }
0x247: {  	[tilespmem:s0+$0xB980] =	vst.add.f32.msk $0xffff, v9  }
0x248: {  	[tilespmem:s0+$0xB990] =	vst.add.f32.msk $0xffff, v10  }
0x249: {  	[tilespmem:s0+$0xB9A0] =	vst.add.f32.msk $0xffff, v11  }
0x24a: {  	[tilespmem:s0+$0xB9B0] =	vst.add.f32.msk $0xffff, v12  }
0x24b: {  	[tilespmem:s0+$0xB9C0] =	vst.add.f32.msk $0xffff, v13  }
0x24c: {  	[tilespmem:s0+$0xB9D0] =	vst.add.f32.msk $0xffff, v14  }
0x24d: {  	[tilespmem:s0+$0xB9E0] =	vst.add.f32.msk $0xffff, v15  }
0x24e: {  	[tilespmem:s0+$0xB9F0] =	vst.add.f32.msk $0xffff, v16  }
0x24f: {  	[tilespmem:s0+$0xBA00] =	vst.add.f32.msk $0xffff, v17  }
0x250: {  	[tilespmem:s0+$0xBA10] =	vst.add.f32.msk $0xffff, v18  }
0x251: {  	[tilespmem:s0+$0xBA20] =	vst.add.f32.msk $0xffff, v19  }
0x252: {  	[tilespmem:s0+$0xBA30] =	vst.add.f32.msk $0xffff, v20  }
0x253: {  	[tilespmem:s0+$0xBA40] =	vst.add.f32.msk $0xffff, v21  }
0x254: {  	[tilespmem:s0+$0xBA50] =	vst.add.f32.msk $0xffff, v22  }
0x255: {  	[tilespmem:s0+$0xBA60] =	vst.add.f32.msk $0xffff, v23  }
0x256: {  	[tilespmem:s0+$0xBA70] =	vst.add.f32.msk $0xffff, v24  }
0x257: {  	[tilespmem:s0+$0xBA80] =	vst.add.f32.msk $0xffff, v25  }
.Ltmp4:
0x258: {  	[tilespmem:s0+$0xBA90] =	vst.add.f32.msk $0xffff, v26;
	(pc) =	sbr.rel @p0 .LBB2_10-.Ltmp4, $4  }
0x259: {  	[tilespmem:s0+$0xBAA0] =	vst.add.f32.msk $0xffff, v27  }
0x25a: {  	[tilespmem:s0+$0xBAB0] =	vst.add.f32.msk $0xffff, v28  }
0x25b: {  	[tilespmem:s0+$0xBAC0] =	vst.add.f32.msk $0xffff, v29  }
0x25c: {  	s6 =	sadd.s32 $0x800, s6;
	[tilespmem:s0+$0xBAD0] =	vst.add.f32.msk $0xffff, v30  }
0x25d: {  	[tilespmem:s0+$0xBAE0] =	vst.add.f32.msk $0xffff, v0;
	s31 =	simm.s32 $0x0;
	s2 =	simm.s32 $0x11900  }
0x25e: {  	s17 =	simm.s32 $0x15900;
	s20 =	simm.s32 $0x280;
	s0 =	rddreg [dreg:$0x9]  }
0x25f: {  	[hbm4b:s0+s31] =	stream.linear.scatter [tilespmem:s16], [sflag:$0x4], $0x4000, $0x38;
	[tilespmem:$0x17900] =	vst v63  }
0x260: {  	s24 =	simm.s32 $0x19900;
	s28 =	simm.s32 $0x300;
	s0 =	simm.s32 $0x200  }
.LBB2_12:
0x261: {  	s6 =	smulhi.u32 $0x51EB851F, s0;
	_ =	sdelay $0x1  }
0x262: {  	s6 =	sshrl.u32 s6, $0x6  }
0x263: {  	s6 =	smul.u32 $0xFFFE7000, s6;
	_ =	sdelay $0x1  }
0x264: {  	_ =	swait.ge [sflag:s29], $0x4000;
	s7 =	smul.u32 $0x180, s31;
	s6 =	sshra.s32 s6, $0x2  }
0x265: {  	[sflag:s29] =	ssyncset.done $0x0;
	s8 =	sadd.s32 s6, s2  }
0x266: {  	[sflag:s29] =	ssyncadd.s32 $0xFFFFC000;
	s6 =	sadd.s32 $0x280, s7;
	v0 =	vmov s8  }
0x267: {  	[tilespmem:s21], [sflag:$0x3] =	stream.indirect.gather [hbm4b:s1+s15], $0x80, s6, s15, $0xb8;
	[tilespmem:$0x17900] =	vst v63  }
0x268: {  	_ =	swait.ge [sflag:s22], $0x4000  }
0x269: {  	[sflag:s22] =	ssyncset.done $0x0  }
0x26a: {  	s10 =	simm.s32 $0x0;
	[sflag:s22] =	ssyncadd.s32 $0xFFFFC000  }
0x26b: {  	v1 =	vld.idx.msk [tilespmem:v0+s10+$0x180 ss:$0x1], $0xffff  }
0x26c: {  	v2 =	vld.idx.msk [tilespmem:v0+s10+$0x0 ss:$0x1], $0xffff  }
0x26d: {  	v3 =	vld.idx.msk [tilespmem:v0+s10+$0x80 ss:$0x1], $0xffff;
	_ =	sdelay $0x1  }
0x26e: {  	v4 =	vld.idx.msk [tilespmem:v0+s10+$0x100 ss:$0x1], $0xffff  }
0x26f: {  	[tilespmem:s10+$0xFA80] =	vst.add.f32.msk $0xffff, v1  }
0x270: {  	[tilespmem:s10+$0xF900] =	vst.add.f32.msk $0xffff, v2  }
0x271: {  	[tilespmem:s10+$0xF980] =	vst.add.f32.msk $0xffff, v3  }
0x272: {  	v1 =	vld.idx.msk [tilespmem:v0+s10+$0x190 ss:$0x1], $0xffff  }
0x273: {  	v2 =	vld.idx.msk [tilespmem:v0+s10+$0x10 ss:$0x1], $0xffff  }
0x274: {  	v3 =	vld.idx.msk [tilespmem:v0+s10+$0x90 ss:$0x1], $0xffff  }
0x275: {  	[tilespmem:s10+$0xFA00] =	vst.add.f32.msk $0xffff, v4  }
0x276: {  	v4 =	vld.idx.msk [tilespmem:v0+s10+$0x110 ss:$0x1], $0xffff  }
0x277: {  	[tilespmem:s10+$0xFA90] =	vst.add.f32.msk $0xffff, v1  }
0x278: {  	[tilespmem:s10+$0xF910] =	vst.add.f32.msk $0xffff, v2  }
0x279: {  	[tilespmem:s10+$0xF990] =	vst.add.f32.msk $0xffff, v3  }
0x27a: {  	v1 =	vld.idx.msk [tilespmem:v0+s10+$0x1A0 ss:$0x1], $0xffff  }
0x27b: {  	v2 =	vld.idx.msk [tilespmem:v0+s10+$0x20 ss:$0x1], $0xffff  }
0x27c: {  	v3 =	vld.idx.msk [tilespmem:v0+s10+$0xA0 ss:$0x1], $0xffff  }
0x27d: {  	[tilespmem:s10+$0xFA10] =	vst.add.f32.msk $0xffff, v4  }
0x27e: {  	v4 =	vld.idx.msk [tilespmem:v0+s10+$0x120 ss:$0x1], $0xffff  }
0x27f: {  	[tilespmem:s10+$0xFAA0] =	vst.add.f32.msk $0xffff, v1  }
0x280: {  	[tilespmem:s10+$0xF920] =	vst.add.f32.msk $0xffff, v2  }
0x281: {  	[tilespmem:s10+$0xF9A0] =	vst.add.f32.msk $0xffff, v3  }
0x282: {  	v1 =	vld.idx.msk [tilespmem:v0+s10+$0x1B0 ss:$0x1], $0xffff  }
0x283: {  	v2 =	vld.idx.msk [tilespmem:v0+s10+$0x30 ss:$0x1], $0xffff  }
0x284: {  	v3 =	vld.idx.msk [tilespmem:v0+s10+$0xB0 ss:$0x1], $0xffff  }
0x285: {  	[tilespmem:s10+$0xFA20] =	vst.add.f32.msk $0xffff, v4  }
0x286: {  	v4 =	vld.idx.msk [tilespmem:v0+s10+$0x130 ss:$0x1], $0xffff  }
0x287: {  	[tilespmem:s10+$0xFAB0] =	vst.add.f32.msk $0xffff, v1  }
0x288: {  	[tilespmem:s10+$0xF930] =	vst.add.f32.msk $0xffff, v2  }
0x289: {  	[tilespmem:s10+$0xF9B0] =	vst.add.f32.msk $0xffff, v3  }
0x28a: {  	v1 =	vld.idx.msk [tilespmem:v0+s10+$0x1C0 ss:$0x1], $0xffff  }
0x28b: {  	v2 =	vld.idx.msk [tilespmem:v0+s10+$0x40 ss:$0x1], $0xffff  }
0x28c: {  	v3 =	vld.idx.msk [tilespmem:v0+s10+$0xC0 ss:$0x1], $0xffff  }
0x28d: {  	[tilespmem:s10+$0xFA30] =	vst.add.f32.msk $0xffff, v4  }
0x28e: {  	v4 =	vld.idx.msk [tilespmem:v0+s10+$0x140 ss:$0x1], $0xffff  }
0x28f: {  	[tilespmem:s10+$0xFAC0] =	vst.add.f32.msk $0xffff, v1  }
0x290: {  	[tilespmem:s10+$0xF940] =	vst.add.f32.msk $0xffff, v2  }
0x291: {  	[tilespmem:s10+$0xF9C0] =	vst.add.f32.msk $0xffff, v3  }
0x292: {  	v1 =	vld.idx.msk [tilespmem:v0+s10+$0x1D0 ss:$0x1], $0xffff  }
0x293: {  	v2 =	vld.idx.msk [tilespmem:v0+s10+$0x50 ss:$0x1], $0xffff  }
0x294: {  	[tilespmem:s10+$0xFA40] =	vst.add.f32.msk $0xffff, v4  }
0x295: {  	v3 =	vld.idx.msk [tilespmem:v0+s10+$0xD0 ss:$0x1], $0xffff  }
0x296: {  	v4 =	vld.idx.msk [tilespmem:v0+s10+$0x150 ss:$0x1], $0xffff  }
0x297: {  	[tilespmem:s10+$0xFAD0] =	vst.add.f32.msk $0xffff, v1  }
0x298: {  	[tilespmem:s10+$0xF950] =	vst.add.f32.msk $0xffff, v2  }
0x299: {  	v1 =	vld.idx.msk [tilespmem:v0+s10+$0x1E0 ss:$0x1], $0xffff  }
0x29a: {  	[tilespmem:s10+$0xF9D0] =	vst.add.f32.msk $0xffff, v3  }
0x29b: {  	[tilespmem:s10+$0xFA50] =	vst.add.f32.msk $0xffff, v4  }
0x29c: {  	v2 =	vld.idx.msk [tilespmem:v0+s10+$0x60 ss:$0x1], $0xffff  }
0x29d: {  	v5 =	vld.idx.msk [tilespmem:v0+s10+$0xE0 ss:$0x1], $0xffff  }
0x29e: {  	s9 =	smulhi.u32 $0x51EB851F, s20;
	[tilespmem:s10+$0xFAE0] =	vst.add.f32.msk $0xffff, v1  }
0x29f: {  	s14 =	smulhi.u32 $0x51EB851F, s28;
	v1 =	vld.idx.msk [tilespmem:v0+s10+$0x1F0 ss:$0x1], $0xffff  }
0x2a0: {  	s9 =	sshrl.u32 s9, $0x6;
	v3 =	vld.idx.msk [tilespmem:v0+s10+$0x160 ss:$0x1], $0xffff  }
0x2a1: {  	s9 =	smul.u32 $0xFFFE7000, s9;
	s8 =	sshrl.u32 s14, $0x6;
	[tilespmem:s10+$0xF960] =	vst.add.f32.msk $0xffff, v2  }
0x2a2: {  	s8 =	smul.u32 $0xFFFE7000, s8;
	[tilespmem:s10+$0xF9E0] =	vst.add.f32.msk $0xffff, v5  }
0x2a3: {  	s13 =	simm.s32 $0x0;
	v2 =	vld.idx.msk [tilespmem:v0+s10+$0x70 ss:$0x1], $0xffff  }
0x2a4: {  	s12 =	sadd.s32 $0x200, s7;
	s11 =	sshra.s32 s9, $0x2;
	s8 =	sshra.s32 s8, $0x2;
	[tilespmem:s10+$0xFAF0] =	vst.add.f32.msk $0xffff, v1  }
0x2a5: {  	s11 =	sadd.s32 s11, s17;
	s9 =	sadd.s32 s8, s24;
	s8 =	simm.s32 $0x800;
	v1 =	vld.idx.msk [tilespmem:v0+s10+$0xF0 ss:$0x1], $0xffff  }
.LBB2_13:
0x2a6: {  	s14 =	sshra.s32 s8, $0x2;
	s13 =	sadd.s32 $0x4, s13;
	[tilespmem:s10+$0xFA60] =	vst.add.f32.msk $0xffff, v3  }
0x2a7: {  	v3 =	vld.idx.msk [tilespmem:v0+s14+$0x180 ss:$0x1], $0xffff;
	p0 =	slt.u32 s13, $0x7C  }
0x2a8: {  	v4 =	vld.idx.msk [tilespmem:v0+s14+$0x0 ss:$0x1], $0xffff  }
0x2a9: {  	v5 =	vld.idx.msk [tilespmem:v0+s14+$0x80 ss:$0x1], $0xffff  }
0x2aa: {  	v6 =	vld.idx.msk [tilespmem:v0+s14+$0x100 ss:$0x1], $0xffff  }
0x2ab: {  	v7 =	vld.idx.msk [tilespmem:v0+s10+$0x170 ss:$0x1], $0xffff  }
0x2ac: {  	[tilespmem:s10+$0xF970] =	vst.add.f32.msk $0xffff, v2  }
0x2ad: {  	[tilespmem:s14+$0xFA80] =	vst.add.f32.msk $0xffff, v3  }
0x2ae: {  	v2 =	vld.idx.msk [tilespmem:v0+s14+$0x190 ss:$0x1], $0xffff  }
0x2af: {  	[tilespmem:s14+$0xF900] =	vst.add.f32.msk $0xffff, v4  }
0x2b0: {  	[tilespmem:s14+$0xF980] =	vst.add.f32.msk $0xffff, v5  }
0x2b1: {  	[tilespmem:s14+$0xFA00] =	vst.add.f32.msk $0xffff, v6  }
0x2b2: {  	v3 =	vld.idx.msk [tilespmem:v0+s14+$0x10 ss:$0x1], $0xffff  }
0x2b3: {  	v4 =	vld.idx.msk [tilespmem:v0+s14+$0x90 ss:$0x1], $0xffff  }
0x2b4: {  	[tilespmem:s14+$0xFA90] =	vst.add.f32.msk $0xffff, v2  }
0x2b5: {  	v2 =	vld.idx.msk [tilespmem:v0+s14+$0x1A0 ss:$0x1], $0xffff  }
0x2b6: {  	v5 =	vld.idx.msk [tilespmem:v0+s14+$0x110 ss:$0x1], $0xffff  }
0x2b7: {  	[tilespmem:s10+$0xF9F0] =	vst.add.f32.msk $0xffff, v1  }
0x2b8: {  	[tilespmem:s14+$0xF910] =	vst.add.f32.msk $0xffff, v3  }
0x2b9: {  	[tilespmem:s14+$0xF990] =	vst.add.f32.msk $0xffff, v4  }
0x2ba: {  	v1 =	vld.idx.msk [tilespmem:v0+s14+$0x20 ss:$0x1], $0xffff  }
0x2bb: {  	[tilespmem:s14+$0xFAA0] =	vst.add.f32.msk $0xffff, v2  }
0x2bc: {  	v2 =	vld.idx.msk [tilespmem:v0+s14+$0x1B0 ss:$0x1], $0xffff  }
0x2bd: {  	[tilespmem:s14+$0xFA10] =	vst.add.f32.msk $0xffff, v5  }
0x2be: {  	v3 =	vld.idx.msk [tilespmem:v0+s14+$0xA0 ss:$0x1], $0xffff  }
0x2bf: {  	v4 =	vld.idx.msk [tilespmem:v0+s14+$0x120 ss:$0x1], $0xffff  }
0x2c0: {  	[tilespmem:s14+$0xF920] =	vst.add.f32.msk $0xffff, v1  }
0x2c1: {  	v1 =	vld.idx.msk [tilespmem:v0+s14+$0x30 ss:$0x1], $0xffff  }
0x2c2: {  	[tilespmem:s14+$0xFAB0] =	vst.add.f32.msk $0xffff, v2  }
0x2c3: {  	v2 =	vld.idx.msk [tilespmem:v0+s14+$0x1C0 ss:$0x1], $0xffff  }
0x2c4: {  	[tilespmem:s14+$0xF9A0] =	vst.add.f32.msk $0xffff, v3  }
0x2c5: {  	[tilespmem:s14+$0xFA20] =	vst.add.f32.msk $0xffff, v4  }
0x2c6: {  	v3 =	vld.idx.msk [tilespmem:v0+s14+$0xB0 ss:$0x1], $0xffff  }
0x2c7: {  	v4 =	vld.idx.msk [tilespmem:v0+s14+$0x130 ss:$0x1], $0xffff  }
0x2c8: {  	[tilespmem:s14+$0xF930] =	vst.add.f32.msk $0xffff, v1  }
0x2c9: {  	[tilespmem:s14+$0xFAC0] =	vst.add.f32.msk $0xffff, v2  }
0x2ca: {  	v1 =	vld.idx.msk [tilespmem:v0+s14+$0x1D0 ss:$0x1], $0xffff  }
0x2cb: {  	v2 =	vld.idx.msk [tilespmem:v0+s14+$0x40 ss:$0x1], $0xffff  }
0x2cc: {  	[tilespmem:s14+$0xF9B0] =	vst.add.f32.msk $0xffff, v3  }
0x2cd: {  	[tilespmem:s14+$0xFA30] =	vst.add.f32.msk $0xffff, v4  }
0x2ce: {  	v3 =	vld.idx.msk [tilespmem:v0+s14+$0xC0 ss:$0x1], $0xffff  }
0x2cf: {  	v4 =	vld.idx.msk [tilespmem:v0+s14+$0x140 ss:$0x1], $0xffff  }
0x2d0: {  	[tilespmem:s14+$0xFAD0] =	vst.add.f32.msk $0xffff, v1  }
0x2d1: {  	v1 =	vld.idx.msk [tilespmem:v0+s14+$0x1E0 ss:$0x1], $0xffff  }
0x2d2: {  	[tilespmem:s14+$0xF940] =	vst.add.f32.msk $0xffff, v2  }
0x2d3: {  	v2 =	vld.idx.msk [tilespmem:v0+s14+$0x50 ss:$0x1], $0xffff  }
0x2d4: {  	[tilespmem:s14+$0xF9C0] =	vst.add.f32.msk $0xffff, v3  }
0x2d5: {  	[tilespmem:s14+$0xFA40] =	vst.add.f32.msk $0xffff, v4  }
0x2d6: {  	v3 =	vld.idx.msk [tilespmem:v0+s14+$0xD0 ss:$0x1], $0xffff  }
0x2d7: {  	[tilespmem:s14+$0xFAE0] =	vst.add.f32.msk $0xffff, v1  }
0x2d8: {  	v1 =	vld.idx.msk [tilespmem:v0+s14+$0x1F0 ss:$0x1], $0xffff  }
0x2d9: {  	v4 =	vld.idx.msk [tilespmem:v0+s14+$0x150 ss:$0x1], $0xffff  }
0x2da: {  	[tilespmem:s14+$0xF950] =	vst.add.f32.msk $0xffff, v2  }
0x2db: {  	v2 =	vld.idx.msk [tilespmem:v0+s14+$0x60 ss:$0x1], $0xffff  }
0x2dc: {  	[tilespmem:s14+$0xF9D0] =	vst.add.f32.msk $0xffff, v3  }
0x2dd: {  	v5 =	vld.idx.msk [tilespmem:v0+s14+$0xE0 ss:$0x1], $0xffff  }
0x2de: {  	[tilespmem:s14+$0xFAF0] =	vst.add.f32.msk $0xffff, v1  }
0x2df: {  	[tilespmem:s14+$0xFA50] =	vst.add.f32.msk $0xffff, v4  }
0x2e0: {  	v3 =	vld.idx.msk [tilespmem:v0+s14+$0x160 ss:$0x1], $0xffff  }
.Ltmp5:
0x2e1: {  	[tilespmem:s14+$0xF960] =	vst.add.f32.msk $0xffff, v2;
	(pc) =	sbr.rel @p0 .LBB2_13-.Ltmp5, $4  }
0x2e2: {  	v2 =	vld.idx.msk [tilespmem:v0+s14+$0x70 ss:$0x1], $0xffff  }
0x2e3: {  	[tilespmem:s14+$0xF9E0] =	vst.add.f32.msk $0xffff, v5  }
0x2e4: {  	v1 =	vld.idx.msk [tilespmem:v0+s14+$0xF0 ss:$0x1], $0xffff  }
0x2e5: {  	s8 =	sadd.s32 $0x800, s8;
	[tilespmem:s10+$0xFA70] =	vst.add.f32.msk $0xffff, v7;
	s10 =	smov.u32 s14  }
0x2e6: {  	_ =	sdelay $0x2  }
0x2e7: {  	[tilespmem:s10+$0xFA60] =	vst.add.f32.msk $0xffff, v3  }
0x2e8: {  	v0 =	vld.idx.msk [tilespmem:v0+s10+$0x170 ss:$0x1], $0xffff;
	_ =	sdelay $0x2  }
0x2e9: {  	s8 =	sadd.s32 s5, s12;
	[tilespmem:s10+$0xF970] =	vst.add.f32.msk $0xffff, v2  }
0x2ea: {  	s8 =	sshll.u32 s8, $0x4;
	[tilespmem:s10+$0xF9F0] =	vst.add.f32.msk $0xffff, v1  }
0x2eb: {  	s14 =	simm.s32 $0x0;
	s8 =	sadd.s32 s3, s8;
	[tilespmem:s10+$0xFA70] =	vst.add.f32.msk $0xffff, v0  }
0x2ec: {  	[hbm4b:s8+s14] =	stream.linear.scatter [tilespmem:s18], [sflag:$0x5], $0x4000, $0x38;
	[tilespmem:$0x17900] =	vst v63  }
0x2ed: {  	_ =	swait.ge [sflag:s23], $0x4000  }
0x2ee: {  	[sflag:s23] =	ssyncset.done $0x0  }
0x2ef: {  	s7 =	sadd.s32 $0x300, s7;
	v0 =	vmov s11;
	[sflag:s23] =	ssyncadd.s32 $0xFFFFC000  }
0x2f0: {  	[tilespmem:s16], [sflag:$0x1] =	stream.indirect.gather [hbm4b:s1+s15], $0x80, s7, s15, $0xb8;
	[tilespmem:$0x17900] =	vst v63  }
0x2f1: {  	_ =	swait.ge [sflag:s25], $0x4000  }
0x2f2: {  	[sflag:s25] =	ssyncset.done $0x0  }
0x2f3: {  	s10 =	simm.s32 $0x0;
	[sflag:s25] =	ssyncadd.s32 $0xFFFFC000  }
0x2f4: {  	v1 =	vld.idx.msk [tilespmem:v0+s10+$0x180 ss:$0x1], $0xffff  }
0x2f5: {  	v2 =	vld.idx.msk [tilespmem:v0+s10+$0x0 ss:$0x1], $0xffff  }
0x2f6: {  	v3 =	vld.idx.msk [tilespmem:v0+s10+$0x80 ss:$0x1], $0xffff;
	_ =	sdelay $0x1  }
0x2f7: {  	v4 =	vld.idx.msk [tilespmem:v0+s10+$0x100 ss:$0x1], $0xffff  }
0x2f8: {  	[tilespmem:s10+$0x13A80] =	vst.add.f32.msk $0xffff, v1  }
0x2f9: {  	[tilespmem:s10+$0x13900] =	vst.add.f32.msk $0xffff, v2  }
0x2fa: {  	[tilespmem:s10+$0x13980] =	vst.add.f32.msk $0xffff, v3  }
0x2fb: {  	v1 =	vld.idx.msk [tilespmem:v0+s10+$0x190 ss:$0x1], $0xffff  }
0x2fc: {  	v2 =	vld.idx.msk [tilespmem:v0+s10+$0x10 ss:$0x1], $0xffff  }
0x2fd: {  	v3 =	vld.idx.msk [tilespmem:v0+s10+$0x90 ss:$0x1], $0xffff  }
0x2fe: {  	[tilespmem:s10+$0x13A00] =	vst.add.f32.msk $0xffff, v4  }
0x2ff: {  	v4 =	vld.idx.msk [tilespmem:v0+s10+$0x110 ss:$0x1], $0xffff  }
0x300: {  	[tilespmem:s10+$0x13A90] =	vst.add.f32.msk $0xffff, v1  }
0x301: {  	[tilespmem:s10+$0x13910] =	vst.add.f32.msk $0xffff, v2  }
0x302: {  	[tilespmem:s10+$0x13990] =	vst.add.f32.msk $0xffff, v3  }
0x303: {  	v1 =	vld.idx.msk [tilespmem:v0+s10+$0x1A0 ss:$0x1], $0xffff  }
0x304: {  	v2 =	vld.idx.msk [tilespmem:v0+s10+$0x20 ss:$0x1], $0xffff  }
0x305: {  	v3 =	vld.idx.msk [tilespmem:v0+s10+$0xA0 ss:$0x1], $0xffff  }
0x306: {  	[tilespmem:s10+$0x13A10] =	vst.add.f32.msk $0xffff, v4  }
0x307: {  	v4 =	vld.idx.msk [tilespmem:v0+s10+$0x120 ss:$0x1], $0xffff  }
0x308: {  	[tilespmem:s10+$0x13AA0] =	vst.add.f32.msk $0xffff, v1  }
0x309: {  	[tilespmem:s10+$0x13920] =	vst.add.f32.msk $0xffff, v2  }
0x30a: {  	[tilespmem:s10+$0x139A0] =	vst.add.f32.msk $0xffff, v3  }
0x30b: {  	v1 =	vld.idx.msk [tilespmem:v0+s10+$0x1B0 ss:$0x1], $0xffff  }
0x30c: {  	v2 =	vld.idx.msk [tilespmem:v0+s10+$0x30 ss:$0x1], $0xffff  }
0x30d: {  	v3 =	vld.idx.msk [tilespmem:v0+s10+$0xB0 ss:$0x1], $0xffff  }
0x30e: {  	[tilespmem:s10+$0x13A20] =	vst.add.f32.msk $0xffff, v4  }
0x30f: {  	v4 =	vld.idx.msk [tilespmem:v0+s10+$0x130 ss:$0x1], $0xffff  }
0x310: {  	[tilespmem:s10+$0x13AB0] =	vst.add.f32.msk $0xffff, v1  }
0x311: {  	[tilespmem:s10+$0x13930] =	vst.add.f32.msk $0xffff, v2  }
0x312: {  	[tilespmem:s10+$0x139B0] =	vst.add.f32.msk $0xffff, v3  }
0x313: {  	v1 =	vld.idx.msk [tilespmem:v0+s10+$0x1C0 ss:$0x1], $0xffff  }
0x314: {  	v2 =	vld.idx.msk [tilespmem:v0+s10+$0x40 ss:$0x1], $0xffff  }
0x315: {  	v3 =	vld.idx.msk [tilespmem:v0+s10+$0xC0 ss:$0x1], $0xffff  }
0x316: {  	[tilespmem:s10+$0x13A30] =	vst.add.f32.msk $0xffff, v4  }
0x317: {  	v4 =	vld.idx.msk [tilespmem:v0+s10+$0x140 ss:$0x1], $0xffff  }
0x318: {  	[tilespmem:s10+$0x13AC0] =	vst.add.f32.msk $0xffff, v1  }
0x319: {  	[tilespmem:s10+$0x13940] =	vst.add.f32.msk $0xffff, v2  }
0x31a: {  	[tilespmem:s10+$0x139C0] =	vst.add.f32.msk $0xffff, v3  }
0x31b: {  	v1 =	vld.idx.msk [tilespmem:v0+s10+$0x1D0 ss:$0x1], $0xffff  }
0x31c: {  	v2 =	vld.idx.msk [tilespmem:v0+s10+$0x50 ss:$0x1], $0xffff  }
0x31d: {  	[tilespmem:s10+$0x13A40] =	vst.add.f32.msk $0xffff, v4  }
0x31e: {  	v3 =	vld.idx.msk [tilespmem:v0+s10+$0xD0 ss:$0x1], $0xffff  }
0x31f: {  	v4 =	vld.idx.msk [tilespmem:v0+s10+$0x150 ss:$0x1], $0xffff  }
0x320: {  	[tilespmem:s10+$0x13AD0] =	vst.add.f32.msk $0xffff, v1  }
0x321: {  	[tilespmem:s10+$0x13950] =	vst.add.f32.msk $0xffff, v2  }
0x322: {  	v1 =	vld.idx.msk [tilespmem:v0+s10+$0x1E0 ss:$0x1], $0xffff  }
0x323: {  	[tilespmem:s10+$0x139D0] =	vst.add.f32.msk $0xffff, v3  }
0x324: {  	[tilespmem:s10+$0x13A50] =	vst.add.f32.msk $0xffff, v4  }
0x325: {  	v2 =	vld.idx.msk [tilespmem:v0+s10+$0x60 ss:$0x1], $0xffff  }
0x326: {  	v5 =	vld.idx.msk [tilespmem:v0+s10+$0xE0 ss:$0x1], $0xffff  }
0x327: {  	[tilespmem:s10+$0x13AE0] =	vst.add.f32.msk $0xffff, v1  }
0x328: {  	v1 =	vld.idx.msk [tilespmem:v0+s10+$0x1F0 ss:$0x1], $0xffff  }
0x329: {  	v3 =	vld.idx.msk [tilespmem:v0+s10+$0x160 ss:$0x1], $0xffff  }
0x32a: {  	[tilespmem:s10+$0x13960] =	vst.add.f32.msk $0xffff, v2  }
0x32b: {  	[tilespmem:s10+$0x139E0] =	vst.add.f32.msk $0xffff, v5  }
0x32c: {  	v2 =	vld.idx.msk [tilespmem:v0+s10+$0x70 ss:$0x1], $0xffff  }
0x32d: {  	[tilespmem:s10+$0x13AF0] =	vst.add.f32.msk $0xffff, v1  }
0x32e: {  	s11 =	simm.s32 $0x0;
	s8 =	simm.s32 $0x800;
	v1 =	vld.idx.msk [tilespmem:v0+s10+$0xF0 ss:$0x1], $0xffff  }
.LBB2_15:
0x32f: {  	s12 =	sshra.s32 s8, $0x2;
	s11 =	sadd.s32 $0x4, s11;
	[tilespmem:s10+$0x13A60] =	vst.add.f32.msk $0xffff, v3  }
0x330: {  	v3 =	vld.idx.msk [tilespmem:v0+s12+$0x180 ss:$0x1], $0xffff;
	p0 =	slt.u32 s11, $0x7C  }
0x331: {  	v4 =	vld.idx.msk [tilespmem:v0+s12+$0x0 ss:$0x1], $0xffff  }
0x332: {  	v5 =	vld.idx.msk [tilespmem:v0+s12+$0x80 ss:$0x1], $0xffff  }
0x333: {  	v6 =	vld.idx.msk [tilespmem:v0+s12+$0x100 ss:$0x1], $0xffff  }
0x334: {  	v7 =	vld.idx.msk [tilespmem:v0+s10+$0x170 ss:$0x1], $0xffff  }
0x335: {  	[tilespmem:s10+$0x13970] =	vst.add.f32.msk $0xffff, v2  }
0x336: {  	[tilespmem:s12+$0x13A80] =	vst.add.f32.msk $0xffff, v3  }
0x337: {  	v2 =	vld.idx.msk [tilespmem:v0+s12+$0x190 ss:$0x1], $0xffff  }
0x338: {  	[tilespmem:s12+$0x13900] =	vst.add.f32.msk $0xffff, v4  }
0x339: {  	[tilespmem:s12+$0x13980] =	vst.add.f32.msk $0xffff, v5  }
0x33a: {  	[tilespmem:s12+$0x13A00] =	vst.add.f32.msk $0xffff, v6  }
0x33b: {  	v3 =	vld.idx.msk [tilespmem:v0+s12+$0x10 ss:$0x1], $0xffff  }
0x33c: {  	v4 =	vld.idx.msk [tilespmem:v0+s12+$0x90 ss:$0x1], $0xffff  }
0x33d: {  	[tilespmem:s12+$0x13A90] =	vst.add.f32.msk $0xffff, v2  }
0x33e: {  	v2 =	vld.idx.msk [tilespmem:v0+s12+$0x1A0 ss:$0x1], $0xffff  }
0x33f: {  	v5 =	vld.idx.msk [tilespmem:v0+s12+$0x110 ss:$0x1], $0xffff  }
0x340: {  	[tilespmem:s10+$0x139F0] =	vst.add.f32.msk $0xffff, v1  }
0x341: {  	[tilespmem:s12+$0x13910] =	vst.add.f32.msk $0xffff, v3  }
0x342: {  	[tilespmem:s12+$0x13990] =	vst.add.f32.msk $0xffff, v4  }
0x343: {  	v1 =	vld.idx.msk [tilespmem:v0+s12+$0x20 ss:$0x1], $0xffff  }
0x344: {  	[tilespmem:s12+$0x13AA0] =	vst.add.f32.msk $0xffff, v2  }
0x345: {  	v2 =	vld.idx.msk [tilespmem:v0+s12+$0x1B0 ss:$0x1], $0xffff  }
0x346: {  	[tilespmem:s12+$0x13A10] =	vst.add.f32.msk $0xffff, v5  }
0x347: {  	v3 =	vld.idx.msk [tilespmem:v0+s12+$0xA0 ss:$0x1], $0xffff  }
0x348: {  	v4 =	vld.idx.msk [tilespmem:v0+s12+$0x120 ss:$0x1], $0xffff  }
0x349: {  	[tilespmem:s12+$0x13920] =	vst.add.f32.msk $0xffff, v1  }
0x34a: {  	v1 =	vld.idx.msk [tilespmem:v0+s12+$0x30 ss:$0x1], $0xffff  }
0x34b: {  	[tilespmem:s12+$0x13AB0] =	vst.add.f32.msk $0xffff, v2  }
0x34c: {  	v2 =	vld.idx.msk [tilespmem:v0+s12+$0x1C0 ss:$0x1], $0xffff  }
0x34d: {  	[tilespmem:s12+$0x139A0] =	vst.add.f32.msk $0xffff, v3  }
0x34e: {  	[tilespmem:s12+$0x13A20] =	vst.add.f32.msk $0xffff, v4  }
0x34f: {  	v3 =	vld.idx.msk [tilespmem:v0+s12+$0xB0 ss:$0x1], $0xffff  }
0x350: {  	v4 =	vld.idx.msk [tilespmem:v0+s12+$0x130 ss:$0x1], $0xffff  }
0x351: {  	[tilespmem:s12+$0x13930] =	vst.add.f32.msk $0xffff, v1  }
0x352: {  	[tilespmem:s12+$0x13AC0] =	vst.add.f32.msk $0xffff, v2  }
0x353: {  	v1 =	vld.idx.msk [tilespmem:v0+s12+$0x1D0 ss:$0x1], $0xffff  }
0x354: {  	v2 =	vld.idx.msk [tilespmem:v0+s12+$0x40 ss:$0x1], $0xffff  }
0x355: {  	[tilespmem:s12+$0x139B0] =	vst.add.f32.msk $0xffff, v3  }
0x356: {  	[tilespmem:s12+$0x13A30] =	vst.add.f32.msk $0xffff, v4  }
0x357: {  	v3 =	vld.idx.msk [tilespmem:v0+s12+$0xC0 ss:$0x1], $0xffff  }
0x358: {  	v4 =	vld.idx.msk [tilespmem:v0+s12+$0x140 ss:$0x1], $0xffff  }
0x359: {  	[tilespmem:s12+$0x13AD0] =	vst.add.f32.msk $0xffff, v1  }
0x35a: {  	v1 =	vld.idx.msk [tilespmem:v0+s12+$0x1E0 ss:$0x1], $0xffff  }
0x35b: {  	[tilespmem:s12+$0x13940] =	vst.add.f32.msk $0xffff, v2  }
0x35c: {  	v2 =	vld.idx.msk [tilespmem:v0+s12+$0x50 ss:$0x1], $0xffff  }
0x35d: {  	[tilespmem:s12+$0x139C0] =	vst.add.f32.msk $0xffff, v3  }
0x35e: {  	[tilespmem:s12+$0x13A40] =	vst.add.f32.msk $0xffff, v4  }
0x35f: {  	v3 =	vld.idx.msk [tilespmem:v0+s12+$0xD0 ss:$0x1], $0xffff  }
0x360: {  	[tilespmem:s12+$0x13AE0] =	vst.add.f32.msk $0xffff, v1  }
0x361: {  	v1 =	vld.idx.msk [tilespmem:v0+s12+$0x1F0 ss:$0x1], $0xffff  }
0x362: {  	v4 =	vld.idx.msk [tilespmem:v0+s12+$0x150 ss:$0x1], $0xffff  }
0x363: {  	[tilespmem:s12+$0x13950] =	vst.add.f32.msk $0xffff, v2  }
0x364: {  	v2 =	vld.idx.msk [tilespmem:v0+s12+$0x60 ss:$0x1], $0xffff  }
0x365: {  	[tilespmem:s12+$0x139D0] =	vst.add.f32.msk $0xffff, v3  }
0x366: {  	v5 =	vld.idx.msk [tilespmem:v0+s12+$0xE0 ss:$0x1], $0xffff  }
0x367: {  	[tilespmem:s12+$0x13AF0] =	vst.add.f32.msk $0xffff, v1  }
0x368: {  	[tilespmem:s12+$0x13A50] =	vst.add.f32.msk $0xffff, v4  }
0x369: {  	v3 =	vld.idx.msk [tilespmem:v0+s12+$0x160 ss:$0x1], $0xffff  }
.Ltmp6:
0x36a: {  	[tilespmem:s12+$0x13960] =	vst.add.f32.msk $0xffff, v2;
	(pc) =	sbr.rel @p0 .LBB2_15-.Ltmp6, $4  }
0x36b: {  	v2 =	vld.idx.msk [tilespmem:v0+s12+$0x70 ss:$0x1], $0xffff  }
0x36c: {  	[tilespmem:s12+$0x139E0] =	vst.add.f32.msk $0xffff, v5  }
0x36d: {  	v1 =	vld.idx.msk [tilespmem:v0+s12+$0xF0 ss:$0x1], $0xffff  }
0x36e: {  	s8 =	sadd.s32 $0x800, s8;
	[tilespmem:s10+$0x13A70] =	vst.add.f32.msk $0xffff, v7;
	s10 =	smov.u32 s12  }
0x36f: {  	_ =	sdelay $0x2  }
0x370: {  	[tilespmem:s10+$0x13A60] =	vst.add.f32.msk $0xffff, v3  }
0x371: {  	v0 =	vld.idx.msk [tilespmem:v0+s10+$0x170 ss:$0x1], $0xffff;
	_ =	sdelay $0x2  }
0x372: {  	s6 =	sadd.s32 s5, s6;
	[tilespmem:s10+$0x13970] =	vst.add.f32.msk $0xffff, v2  }
0x373: {  	s6 =	sshll.u32 s6, $0x4;
	[tilespmem:s10+$0x139F0] =	vst.add.f32.msk $0xffff, v1  }
0x374: {  	s8 =	simm.s32 $0x0;
	s14 =	smul.u32 $0x600, s31;
	s6 =	sadd.s32 s3, s6;
	[tilespmem:s10+$0x13A70] =	vst.add.f32.msk $0xffff, v0  }
0x375: {  	[hbm4b:s6+s8] =	stream.linear.scatter [tilespmem:s21], [sflag:$0x6], $0x4000, $0x38;
	[tilespmem:$0x17900] =	vst v63  }
0x376: {  	_ =	swait.ge [sflag:s26], $0x4000  }
0x377: {  	s6 =	sshra.s32 s14, $0x2;
	[sflag:s26] =	ssyncset.done $0x0  }
0x378: {  	v0 =	vmov s9;
	s6 =	sadd.s32 $0x380, s6;
	[sflag:s26] =	ssyncadd.s32 $0xFFFFC000  }
0x379: {  	[tilespmem:s18], [sflag:$0x2] =	stream.indirect.gather [hbm4b:s1+s15], $0x80, s6, s15, $0xb8;
	[tilespmem:$0x17900] =	vst v63  }
0x37a: {  	_ =	swait.ge [sflag:s19], $0x4000  }
0x37b: {  	[sflag:s19] =	ssyncset.done $0x0  }
0x37c: {  	s6 =	simm.s32 $0x0;
	[sflag:s19] =	ssyncadd.s32 $0xFFFFC000  }
0x37d: {  	v1 =	vld.idx.msk [tilespmem:v0+s6+$0x180 ss:$0x1], $0xffff  }
0x37e: {  	v2 =	vld.idx.msk [tilespmem:v0+s6+$0x0 ss:$0x1], $0xffff  }
0x37f: {  	v3 =	vld.idx.msk [tilespmem:v0+s6+$0x80 ss:$0x1], $0xffff;
	_ =	sdelay $0x1  }
0x380: {  	v4 =	vld.idx.msk [tilespmem:v0+s6+$0x100 ss:$0x1], $0xffff  }
0x381: {  	[tilespmem:s6+$0xBA80] =	vst.add.f32.msk $0xffff, v1  }
0x382: {  	[tilespmem:s6+$0xB900] =	vst.add.f32.msk $0xffff, v2  }
0x383: {  	[tilespmem:s6+$0xB980] =	vst.add.f32.msk $0xffff, v3  }
0x384: {  	v1 =	vld.idx.msk [tilespmem:v0+s6+$0x190 ss:$0x1], $0xffff  }
0x385: {  	v2 =	vld.idx.msk [tilespmem:v0+s6+$0x10 ss:$0x1], $0xffff  }
0x386: {  	v3 =	vld.idx.msk [tilespmem:v0+s6+$0x90 ss:$0x1], $0xffff  }
0x387: {  	[tilespmem:s6+$0xBA00] =	vst.add.f32.msk $0xffff, v4  }
0x388: {  	v4 =	vld.idx.msk [tilespmem:v0+s6+$0x110 ss:$0x1], $0xffff  }
0x389: {  	[tilespmem:s6+$0xBA90] =	vst.add.f32.msk $0xffff, v1  }
0x38a: {  	[tilespmem:s6+$0xB910] =	vst.add.f32.msk $0xffff, v2  }
0x38b: {  	[tilespmem:s6+$0xB990] =	vst.add.f32.msk $0xffff, v3  }
0x38c: {  	v1 =	vld.idx.msk [tilespmem:v0+s6+$0x1A0 ss:$0x1], $0xffff  }
0x38d: {  	v2 =	vld.idx.msk [tilespmem:v0+s6+$0x20 ss:$0x1], $0xffff  }
0x38e: {  	v3 =	vld.idx.msk [tilespmem:v0+s6+$0xA0 ss:$0x1], $0xffff  }
0x38f: {  	[tilespmem:s6+$0xBA10] =	vst.add.f32.msk $0xffff, v4  }
0x390: {  	v4 =	vld.idx.msk [tilespmem:v0+s6+$0x120 ss:$0x1], $0xffff  }
0x391: {  	[tilespmem:s6+$0xBAA0] =	vst.add.f32.msk $0xffff, v1  }
0x392: {  	[tilespmem:s6+$0xB920] =	vst.add.f32.msk $0xffff, v2  }
0x393: {  	[tilespmem:s6+$0xB9A0] =	vst.add.f32.msk $0xffff, v3  }
0x394: {  	v1 =	vld.idx.msk [tilespmem:v0+s6+$0x1B0 ss:$0x1], $0xffff  }
0x395: {  	v2 =	vld.idx.msk [tilespmem:v0+s6+$0x30 ss:$0x1], $0xffff  }
0x396: {  	v3 =	vld.idx.msk [tilespmem:v0+s6+$0xB0 ss:$0x1], $0xffff  }
0x397: {  	[tilespmem:s6+$0xBA20] =	vst.add.f32.msk $0xffff, v4  }
0x398: {  	v4 =	vld.idx.msk [tilespmem:v0+s6+$0x130 ss:$0x1], $0xffff  }
0x399: {  	[tilespmem:s6+$0xBAB0] =	vst.add.f32.msk $0xffff, v1  }
0x39a: {  	[tilespmem:s6+$0xB930] =	vst.add.f32.msk $0xffff, v2  }
0x39b: {  	[tilespmem:s6+$0xB9B0] =	vst.add.f32.msk $0xffff, v3  }
0x39c: {  	v1 =	vld.idx.msk [tilespmem:v0+s6+$0x1C0 ss:$0x1], $0xffff  }
0x39d: {  	v2 =	vld.idx.msk [tilespmem:v0+s6+$0x40 ss:$0x1], $0xffff  }
0x39e: {  	v3 =	vld.idx.msk [tilespmem:v0+s6+$0xC0 ss:$0x1], $0xffff  }
0x39f: {  	[tilespmem:s6+$0xBA30] =	vst.add.f32.msk $0xffff, v4  }
0x3a0: {  	v4 =	vld.idx.msk [tilespmem:v0+s6+$0x140 ss:$0x1], $0xffff  }
0x3a1: {  	[tilespmem:s6+$0xBAC0] =	vst.add.f32.msk $0xffff, v1  }
0x3a2: {  	[tilespmem:s6+$0xB940] =	vst.add.f32.msk $0xffff, v2  }
0x3a3: {  	[tilespmem:s6+$0xB9C0] =	vst.add.f32.msk $0xffff, v3  }
0x3a4: {  	v1 =	vld.idx.msk [tilespmem:v0+s6+$0x1D0 ss:$0x1], $0xffff  }
0x3a5: {  	v2 =	vld.idx.msk [tilespmem:v0+s6+$0x50 ss:$0x1], $0xffff  }
0x3a6: {  	[tilespmem:s6+$0xBA40] =	vst.add.f32.msk $0xffff, v4  }
0x3a7: {  	v3 =	vld.idx.msk [tilespmem:v0+s6+$0xD0 ss:$0x1], $0xffff  }
0x3a8: {  	v4 =	vld.idx.msk [tilespmem:v0+s6+$0x150 ss:$0x1], $0xffff  }
0x3a9: {  	[tilespmem:s6+$0xBAD0] =	vst.add.f32.msk $0xffff, v1  }
0x3aa: {  	[tilespmem:s6+$0xB950] =	vst.add.f32.msk $0xffff, v2  }
0x3ab: {  	v1 =	vld.idx.msk [tilespmem:v0+s6+$0x1E0 ss:$0x1], $0xffff  }
0x3ac: {  	[tilespmem:s6+$0xB9D0] =	vst.add.f32.msk $0xffff, v3  }
0x3ad: {  	[tilespmem:s6+$0xBA50] =	vst.add.f32.msk $0xffff, v4  }
0x3ae: {  	v2 =	vld.idx.msk [tilespmem:v0+s6+$0x60 ss:$0x1], $0xffff  }
0x3af: {  	v5 =	vld.idx.msk [tilespmem:v0+s6+$0xE0 ss:$0x1], $0xffff  }
0x3b0: {  	[tilespmem:s6+$0xBAE0] =	vst.add.f32.msk $0xffff, v1  }
0x3b1: {  	v1 =	vld.idx.msk [tilespmem:v0+s6+$0x1F0 ss:$0x1], $0xffff  }
0x3b2: {  	v3 =	vld.idx.msk [tilespmem:v0+s6+$0x160 ss:$0x1], $0xffff  }
0x3b3: {  	[tilespmem:s6+$0xB960] =	vst.add.f32.msk $0xffff, v2  }
0x3b4: {  	[tilespmem:s6+$0xB9E0] =	vst.add.f32.msk $0xffff, v5  }
0x3b5: {  	v2 =	vld.idx.msk [tilespmem:v0+s6+$0x70 ss:$0x1], $0xffff  }
0x3b6: {  	[tilespmem:s6+$0xBAF0] =	vst.add.f32.msk $0xffff, v1  }
0x3b7: {  	s9 =	simm.s32 $0x0;
	s8 =	simm.s32 $0x800;
	v1 =	vld.idx.msk [tilespmem:v0+s6+$0xF0 ss:$0x1], $0xffff  }
.LBB2_17:
0x3b8: {  	s10 =	sshra.s32 s8, $0x2;
	s9 =	sadd.s32 $0x4, s9;
	[tilespmem:s6+$0xBA60] =	vst.add.f32.msk $0xffff, v3  }
0x3b9: {  	v3 =	vld.idx.msk [tilespmem:v0+s10+$0x180 ss:$0x1], $0xffff;
	p0 =	slt.u32 s9, $0x7C  }
0x3ba: {  	v4 =	vld.idx.msk [tilespmem:v0+s10+$0x0 ss:$0x1], $0xffff  }
0x3bb: {  	v5 =	vld.idx.msk [tilespmem:v0+s10+$0x80 ss:$0x1], $0xffff  }
0x3bc: {  	v6 =	vld.idx.msk [tilespmem:v0+s10+$0x100 ss:$0x1], $0xffff  }
0x3bd: {  	v7 =	vld.idx.msk [tilespmem:v0+s6+$0x170 ss:$0x1], $0xffff  }
0x3be: {  	[tilespmem:s6+$0xB970] =	vst.add.f32.msk $0xffff, v2  }
0x3bf: {  	[tilespmem:s10+$0xBA80] =	vst.add.f32.msk $0xffff, v3  }
0x3c0: {  	v2 =	vld.idx.msk [tilespmem:v0+s10+$0x190 ss:$0x1], $0xffff  }
0x3c1: {  	[tilespmem:s10+$0xB900] =	vst.add.f32.msk $0xffff, v4  }
0x3c2: {  	[tilespmem:s10+$0xB980] =	vst.add.f32.msk $0xffff, v5  }
0x3c3: {  	[tilespmem:s10+$0xBA00] =	vst.add.f32.msk $0xffff, v6  }
0x3c4: {  	v3 =	vld.idx.msk [tilespmem:v0+s10+$0x10 ss:$0x1], $0xffff  }
0x3c5: {  	v4 =	vld.idx.msk [tilespmem:v0+s10+$0x90 ss:$0x1], $0xffff  }
0x3c6: {  	[tilespmem:s10+$0xBA90] =	vst.add.f32.msk $0xffff, v2  }
0x3c7: {  	v2 =	vld.idx.msk [tilespmem:v0+s10+$0x1A0 ss:$0x1], $0xffff  }
0x3c8: {  	v5 =	vld.idx.msk [tilespmem:v0+s10+$0x110 ss:$0x1], $0xffff  }
0x3c9: {  	[tilespmem:s6+$0xB9F0] =	vst.add.f32.msk $0xffff, v1  }
0x3ca: {  	[tilespmem:s10+$0xB910] =	vst.add.f32.msk $0xffff, v3  }
0x3cb: {  	[tilespmem:s10+$0xB990] =	vst.add.f32.msk $0xffff, v4  }
0x3cc: {  	v1 =	vld.idx.msk [tilespmem:v0+s10+$0x20 ss:$0x1], $0xffff  }
0x3cd: {  	[tilespmem:s10+$0xBAA0] =	vst.add.f32.msk $0xffff, v2  }
0x3ce: {  	v2 =	vld.idx.msk [tilespmem:v0+s10+$0x1B0 ss:$0x1], $0xffff  }
0x3cf: {  	[tilespmem:s10+$0xBA10] =	vst.add.f32.msk $0xffff, v5  }
0x3d0: {  	v3 =	vld.idx.msk [tilespmem:v0+s10+$0xA0 ss:$0x1], $0xffff  }
0x3d1: {  	v4 =	vld.idx.msk [tilespmem:v0+s10+$0x120 ss:$0x1], $0xffff  }
0x3d2: {  	[tilespmem:s10+$0xB920] =	vst.add.f32.msk $0xffff, v1  }
0x3d3: {  	v1 =	vld.idx.msk [tilespmem:v0+s10+$0x30 ss:$0x1], $0xffff  }
0x3d4: {  	[tilespmem:s10+$0xBAB0] =	vst.add.f32.msk $0xffff, v2  }
0x3d5: {  	v2 =	vld.idx.msk [tilespmem:v0+s10+$0x1C0 ss:$0x1], $0xffff  }
0x3d6: {  	[tilespmem:s10+$0xB9A0] =	vst.add.f32.msk $0xffff, v3  }
0x3d7: {  	[tilespmem:s10+$0xBA20] =	vst.add.f32.msk $0xffff, v4  }
0x3d8: {  	v3 =	vld.idx.msk [tilespmem:v0+s10+$0xB0 ss:$0x1], $0xffff  }
0x3d9: {  	v4 =	vld.idx.msk [tilespmem:v0+s10+$0x130 ss:$0x1], $0xffff  }
0x3da: {  	[tilespmem:s10+$0xB930] =	vst.add.f32.msk $0xffff, v1  }
0x3db: {  	[tilespmem:s10+$0xBAC0] =	vst.add.f32.msk $0xffff, v2  }
0x3dc: {  	v1 =	vld.idx.msk [tilespmem:v0+s10+$0x1D0 ss:$0x1], $0xffff  }
0x3dd: {  	v2 =	vld.idx.msk [tilespmem:v0+s10+$0x40 ss:$0x1], $0xffff  }
0x3de: {  	[tilespmem:s10+$0xB9B0] =	vst.add.f32.msk $0xffff, v3  }
0x3df: {  	[tilespmem:s10+$0xBA30] =	vst.add.f32.msk $0xffff, v4  }
0x3e0: {  	v3 =	vld.idx.msk [tilespmem:v0+s10+$0xC0 ss:$0x1], $0xffff  }
0x3e1: {  	v4 =	vld.idx.msk [tilespmem:v0+s10+$0x140 ss:$0x1], $0xffff  }
0x3e2: {  	[tilespmem:s10+$0xBAD0] =	vst.add.f32.msk $0xffff, v1  }
0x3e3: {  	v1 =	vld.idx.msk [tilespmem:v0+s10+$0x1E0 ss:$0x1], $0xffff  }
0x3e4: {  	[tilespmem:s10+$0xB940] =	vst.add.f32.msk $0xffff, v2  }
0x3e5: {  	v2 =	vld.idx.msk [tilespmem:v0+s10+$0x50 ss:$0x1], $0xffff  }
0x3e6: {  	[tilespmem:s10+$0xB9C0] =	vst.add.f32.msk $0xffff, v3  }
0x3e7: {  	[tilespmem:s10+$0xBA40] =	vst.add.f32.msk $0xffff, v4  }
0x3e8: {  	v3 =	vld.idx.msk [tilespmem:v0+s10+$0xD0 ss:$0x1], $0xffff  }
0x3e9: {  	[tilespmem:s10+$0xBAE0] =	vst.add.f32.msk $0xffff, v1  }
0x3ea: {  	v1 =	vld.idx.msk [tilespmem:v0+s10+$0x1F0 ss:$0x1], $0xffff  }
0x3eb: {  	v4 =	vld.idx.msk [tilespmem:v0+s10+$0x150 ss:$0x1], $0xffff  }
0x3ec: {  	[tilespmem:s10+$0xB950] =	vst.add.f32.msk $0xffff, v2  }
0x3ed: {  	v2 =	vld.idx.msk [tilespmem:v0+s10+$0x60 ss:$0x1], $0xffff  }
0x3ee: {  	[tilespmem:s10+$0xB9D0] =	vst.add.f32.msk $0xffff, v3  }
0x3ef: {  	v5 =	vld.idx.msk [tilespmem:v0+s10+$0xE0 ss:$0x1], $0xffff  }
0x3f0: {  	[tilespmem:s10+$0xBAF0] =	vst.add.f32.msk $0xffff, v1  }
0x3f1: {  	[tilespmem:s10+$0xBA50] =	vst.add.f32.msk $0xffff, v4  }
0x3f2: {  	v3 =	vld.idx.msk [tilespmem:v0+s10+$0x160 ss:$0x1], $0xffff  }
.Ltmp7:
0x3f3: {  	[tilespmem:s10+$0xB960] =	vst.add.f32.msk $0xffff, v2;
	(pc) =	sbr.rel @p0 .LBB2_17-.Ltmp7, $4  }
0x3f4: {  	v2 =	vld.idx.msk [tilespmem:v0+s10+$0x70 ss:$0x1], $0xffff  }
0x3f5: {  	[tilespmem:s10+$0xB9E0] =	vst.add.f32.msk $0xffff, v5  }
0x3f6: {  	v1 =	vld.idx.msk [tilespmem:v0+s10+$0xF0 ss:$0x1], $0xffff  }
0x3f7: {  	s8 =	sadd.s32 $0x800, s8;
	[tilespmem:s6+$0xBA70] =	vst.add.f32.msk $0xffff, v7;
	s6 =	smov.u32 s10  }
0x3f8: {  	_ =	sdelay $0x2  }
0x3f9: {  	[tilespmem:s6+$0xBA60] =	vst.add.f32.msk $0xffff, v3  }
0x3fa: {  	s31 =	sadd.s32 $0x1, s31;
	v0 =	vld.idx.msk [tilespmem:v0+s6+$0x170 ss:$0x1], $0xffff  }
0x3fb: {  	p0 =	sne.s32 s31, $0xF  }
.Ltmp8:
0x3fc: {  	_ = 	snop;
	(pc) =	sbr.rel @p0 .LBB2_12-.Ltmp8, $4  }
0x3fd: {  	s7 =	sadd.s32 s5, s7;
	s2 =	sadd.s32 $0xC000, s2;
	s0 =	sadd.s32 $0x180, s0;
	[tilespmem:s6+$0xB970] =	vst.add.f32.msk $0xffff, v2  }
0x3fe: {  	s17 =	sadd.s32 $0xC000, s17;
	s20 =	sadd.s32 $0x180, s20;
	s7 =	sshll.u32 s7, $0x4;
	[tilespmem:s6+$0xB9F0] =	vst.add.f32.msk $0xffff, v1  }
0x3ff: {  	s24 =	sadd.s32 $0xC000, s24;
	s28 =	sadd.s32 $0x180, s28;
	s14 =	sadd.s32 s3, s7;
	[tilespmem:s6+$0xBA70] =	vst.add.f32.msk $0xffff, v0  }
0x400: {  	[hbm4b:s14+s4] =	stream.linear.scatter [tilespmem:s16], [sflag:$0x4], $0x4000, $0x38;
	[tilespmem:$0x17900] =	vst v63  }
0x401: {  	_ =	swait.ge [sflag:s22], $0x4000  }
0x402: {  	[sflag:s22] =	ssyncset.done $0x0  }
0x403: {  	s0 =	simm.s32 $0x0;
	[sflag:s22] =	ssyncadd.s32 $0xFFFFC000  }
0x404: {  	v0 =	vld [tilespmem:s0+$0x3EF0]  }
0x405: {  	v1 =	vld [tilespmem:s0+$0x3D00]  }
0x406: {  	v2 =	vld [tilespmem:s0+$0x3D10]  }
0x407: {  	v3 =	vld [tilespmem:s0+$0x3D20]  }
0x408: {  	v4 =	vld [tilespmem:s0+$0x3D30]  }
0x409: {  	v5 =	vld [tilespmem:s0+$0x3D40]  }
0x40a: {  	v6 =	vld [tilespmem:s0+$0x3D50]  }
0x40b: {  	v7 =	vld [tilespmem:s0+$0x3D60]  }
0x40c: {  	v8 =	vld [tilespmem:s0+$0x3D70]  }
0x40d: {  	v9 =	vld [tilespmem:s0+$0x3D80]  }
0x40e: {  	v10 =	vld [tilespmem:s0+$0x3D90]  }
0x40f: {  	v11 =	vld [tilespmem:s0+$0x3DA0]  }
0x410: {  	v12 =	vld [tilespmem:s0+$0x3DB0]  }
0x411: {  	v13 =	vld [tilespmem:s0+$0x3DC0]  }
0x412: {  	v14 =	vld [tilespmem:s0+$0x3DD0]  }
0x413: {  	v15 =	vld [tilespmem:s0+$0x3DE0]  }
0x414: {  	v16 =	vld [tilespmem:s0+$0x3DF0]  }
0x415: {  	v17 =	vld [tilespmem:s0+$0x3E00]  }
0x416: {  	v18 =	vld [tilespmem:s0+$0x3E10]  }
0x417: {  	v19 =	vld [tilespmem:s0+$0x3E20]  }
0x418: {  	v20 =	vld [tilespmem:s0+$0x3E30]  }
0x419: {  	v21 =	vld [tilespmem:s0+$0x3E40]  }
0x41a: {  	v22 =	vld [tilespmem:s0+$0x3E50]  }
0x41b: {  	v23 =	vld [tilespmem:s0+$0x3E60]  }
0x41c: {  	v24 =	vld [tilespmem:s0+$0x3E70]  }
0x41d: {  	v25 =	vld [tilespmem:s0+$0x3E80]  }
0x41e: {  	v26 =	vld [tilespmem:s0+$0x3E90]  }
0x41f: {  	v27 =	vld [tilespmem:s0+$0x3EA0]  }
0x420: {  	v28 =	vld [tilespmem:s0+$0x3EB0]  }
0x421: {  	v29 =	vld [tilespmem:s0+$0x3EC0]  }
0x422: {  	v30 =	vld [tilespmem:s0+$0x3ED0]  }
0x423: {  	[tilespmem:s0+$0xFAF0] =	vst.add.f32.msk $0xffff, v0  }
0x424: {  	v0 =	vld [tilespmem:s0+$0x3EE0]  }
0x425: {  	[tilespmem:s0+$0xF900] =	vst.add.f32.msk $0xffff, v1  }
0x426: {  	[tilespmem:s0+$0xF910] =	vst.add.f32.msk $0xffff, v2  }
0x427: {  	[tilespmem:s0+$0xF920] =	vst.add.f32.msk $0xffff, v3  }
0x428: {  	[tilespmem:s0+$0xF930] =	vst.add.f32.msk $0xffff, v4  }
0x429: {  	[tilespmem:s0+$0xF940] =	vst.add.f32.msk $0xffff, v5  }
0x42a: {  	[tilespmem:s0+$0xF950] =	vst.add.f32.msk $0xffff, v6  }
0x42b: {  	[tilespmem:s0+$0xF960] =	vst.add.f32.msk $0xffff, v7  }
0x42c: {  	[tilespmem:s0+$0xF970] =	vst.add.f32.msk $0xffff, v8  }
0x42d: {  	[tilespmem:s0+$0xF980] =	vst.add.f32.msk $0xffff, v9  }
0x42e: {  	[tilespmem:s0+$0xF990] =	vst.add.f32.msk $0xffff, v10  }
0x42f: {  	[tilespmem:s0+$0xF9A0] =	vst.add.f32.msk $0xffff, v11  }
0x430: {  	[tilespmem:s0+$0xF9B0] =	vst.add.f32.msk $0xffff, v12  }
0x431: {  	[tilespmem:s0+$0xF9C0] =	vst.add.f32.msk $0xffff, v13  }
0x432: {  	[tilespmem:s0+$0xF9D0] =	vst.add.f32.msk $0xffff, v14  }
0x433: {  	[tilespmem:s0+$0xF9E0] =	vst.add.f32.msk $0xffff, v15  }
0x434: {  	[tilespmem:s0+$0xF9F0] =	vst.add.f32.msk $0xffff, v16  }
0x435: {  	[tilespmem:s0+$0xFA00] =	vst.add.f32.msk $0xffff, v17  }
0x436: {  	[tilespmem:s0+$0xFA10] =	vst.add.f32.msk $0xffff, v18  }
0x437: {  	[tilespmem:s0+$0xFA20] =	vst.add.f32.msk $0xffff, v19  }
0x438: {  	[tilespmem:s0+$0xFA30] =	vst.add.f32.msk $0xffff, v20  }
0x439: {  	[tilespmem:s0+$0xFA40] =	vst.add.f32.msk $0xffff, v21  }
0x43a: {  	[tilespmem:s0+$0xFA50] =	vst.add.f32.msk $0xffff, v22  }
0x43b: {  	[tilespmem:s0+$0xFA60] =	vst.add.f32.msk $0xffff, v23  }
0x43c: {  	[tilespmem:s0+$0xFA70] =	vst.add.f32.msk $0xffff, v24  }
0x43d: {  	[tilespmem:s0+$0xFA80] =	vst.add.f32.msk $0xffff, v25  }
0x43e: {  	[tilespmem:s0+$0xFA90] =	vst.add.f32.msk $0xffff, v26  }
0x43f: {  	[tilespmem:s0+$0xFAA0] =	vst.add.f32.msk $0xffff, v27  }
0x440: {  	[tilespmem:s0+$0xFAB0] =	vst.add.f32.msk $0xffff, v28  }
0x441: {  	[tilespmem:s0+$0xFAC0] =	vst.add.f32.msk $0xffff, v29  }
0x442: {  	s2 =	simm.s32 $0x0;
	s6 =	simm.s32 $0x800;
	[tilespmem:s0+$0xFAD0] =	vst.add.f32.msk $0xffff, v30  }
.LBB2_20:
0x443: {  	s2 =	sadd.s32 $0x4, s2;
	[tilespmem:s0+$0xFAE0] =	vst.add.f32.msk $0xffff, v0;
	s0 =	sshra.s32 s6, $0x2  }
0x444: {  	v0 =	vld [tilespmem:s0+$0x3EF0];
	p0 =	slt.u32 s2, $0x7C  }
0x445: {  	v1 =	vld [tilespmem:s0+$0x3D00]  }
0x446: {  	v2 =	vld [tilespmem:s0+$0x3D10]  }
0x447: {  	v3 =	vld [tilespmem:s0+$0x3D20]  }
0x448: {  	v4 =	vld [tilespmem:s0+$0x3D30]  }
0x449: {  	[tilespmem:s0+$0xFAF0] =	vst.add.f32.msk $0xffff, v0  }
0x44a: {  	v5 =	vld [tilespmem:s0+$0x3D40]  }
0x44b: {  	v6 =	vld [tilespmem:s0+$0x3D50]  }
0x44c: {  	v7 =	vld [tilespmem:s0+$0x3D60]  }
0x44d: {  	v8 =	vld [tilespmem:s0+$0x3D70]  }
0x44e: {  	v9 =	vld [tilespmem:s0+$0x3D80]  }
0x44f: {  	v10 =	vld [tilespmem:s0+$0x3D90]  }
0x450: {  	v11 =	vld [tilespmem:s0+$0x3DA0]  }
0x451: {  	v12 =	vld [tilespmem:s0+$0x3DB0]  }
0x452: {  	v13 =	vld [tilespmem:s0+$0x3DC0]  }
0x453: {  	v14 =	vld [tilespmem:s0+$0x3DD0]  }
0x454: {  	v15 =	vld [tilespmem:s0+$0x3DE0]  }
0x455: {  	v16 =	vld [tilespmem:s0+$0x3DF0]  }
0x456: {  	v17 =	vld [tilespmem:s0+$0x3E00]  }
0x457: {  	v18 =	vld [tilespmem:s0+$0x3E10]  }
0x458: {  	v19 =	vld [tilespmem:s0+$0x3E20]  }
0x459: {  	v20 =	vld [tilespmem:s0+$0x3E30]  }
0x45a: {  	v21 =	vld [tilespmem:s0+$0x3E40]  }
0x45b: {  	v22 =	vld [tilespmem:s0+$0x3E50]  }
0x45c: {  	v23 =	vld [tilespmem:s0+$0x3E60]  }
0x45d: {  	v24 =	vld [tilespmem:s0+$0x3E70]  }
0x45e: {  	v25 =	vld [tilespmem:s0+$0x3E80]  }
0x45f: {  	v26 =	vld [tilespmem:s0+$0x3E90]  }
0x460: {  	v27 =	vld [tilespmem:s0+$0x3EA0]  }
0x461: {  	v28 =	vld [tilespmem:s0+$0x3EB0]  }
0x462: {  	v29 =	vld [tilespmem:s0+$0x3EC0]  }
0x463: {  	v30 =	vld [tilespmem:s0+$0x3ED0]  }
0x464: {  	v0 =	vld [tilespmem:s0+$0x3EE0]  }
0x465: {  	[tilespmem:s0+$0xF900] =	vst.add.f32.msk $0xffff, v1  }
0x466: {  	[tilespmem:s0+$0xF910] =	vst.add.f32.msk $0xffff, v2  }
0x467: {  	[tilespmem:s0+$0xF920] =	vst.add.f32.msk $0xffff, v3  }
0x468: {  	[tilespmem:s0+$0xF930] =	vst.add.f32.msk $0xffff, v4  }
0x469: {  	[tilespmem:s0+$0xF940] =	vst.add.f32.msk $0xffff, v5  }
0x46a: {  	[tilespmem:s0+$0xF950] =	vst.add.f32.msk $0xffff, v6  }
0x46b: {  	[tilespmem:s0+$0xF960] =	vst.add.f32.msk $0xffff, v7  }
0x46c: {  	[tilespmem:s0+$0xF970] =	vst.add.f32.msk $0xffff, v8  }
0x46d: {  	[tilespmem:s0+$0xF980] =	vst.add.f32.msk $0xffff, v9  }
0x46e: {  	[tilespmem:s0+$0xF990] =	vst.add.f32.msk $0xffff, v10  }
0x46f: {  	[tilespmem:s0+$0xF9A0] =	vst.add.f32.msk $0xffff, v11  }
0x470: {  	[tilespmem:s0+$0xF9B0] =	vst.add.f32.msk $0xffff, v12  }
0x471: {  	[tilespmem:s0+$0xF9C0] =	vst.add.f32.msk $0xffff, v13  }
0x472: {  	[tilespmem:s0+$0xF9D0] =	vst.add.f32.msk $0xffff, v14  }
0x473: {  	[tilespmem:s0+$0xF9E0] =	vst.add.f32.msk $0xffff, v15  }
0x474: {  	[tilespmem:s0+$0xF9F0] =	vst.add.f32.msk $0xffff, v16  }
0x475: {  	[tilespmem:s0+$0xFA00] =	vst.add.f32.msk $0xffff, v17  }
0x476: {  	[tilespmem:s0+$0xFA10] =	vst.add.f32.msk $0xffff, v18  }
0x477: {  	[tilespmem:s0+$0xFA20] =	vst.add.f32.msk $0xffff, v19  }
0x478: {  	[tilespmem:s0+$0xFA30] =	vst.add.f32.msk $0xffff, v20  }
0x479: {  	[tilespmem:s0+$0xFA40] =	vst.add.f32.msk $0xffff, v21  }
0x47a: {  	[tilespmem:s0+$0xFA50] =	vst.add.f32.msk $0xffff, v22  }
0x47b: {  	[tilespmem:s0+$0xFA60] =	vst.add.f32.msk $0xffff, v23  }
0x47c: {  	[tilespmem:s0+$0xFA70] =	vst.add.f32.msk $0xffff, v24  }
0x47d: {  	[tilespmem:s0+$0xFA80] =	vst.add.f32.msk $0xffff, v25  }
.Ltmp9:
0x47e: {  	[tilespmem:s0+$0xFA90] =	vst.add.f32.msk $0xffff, v26;
	(pc) =	sbr.rel @p0 .LBB2_20-.Ltmp9, $4  }
0x47f: {  	[tilespmem:s0+$0xFAA0] =	vst.add.f32.msk $0xffff, v27  }
0x480: {  	[tilespmem:s0+$0xFAB0] =	vst.add.f32.msk $0xffff, v28  }
0x481: {  	[tilespmem:s0+$0xFAC0] =	vst.add.f32.msk $0xffff, v29  }
0x482: {  	s6 =	sadd.s32 $0x800, s6;
	[tilespmem:s0+$0xFAD0] =	vst.add.f32.msk $0xffff, v30  }
0x483: {  	[tilespmem:s0+$0xFAE0] =	vst.add.f32.msk $0xffff, v0  }
0x484: {  	s0 =	rddreg [dreg:$0xa]  }
0x485: {  	[hbm4b:s0+s4] =	stream.linear.scatter [tilespmem:s18], [sflag:$0x5], $0x4000, $0x38;
	[tilespmem:$0x17900] =	vst v63  }
0x486: {  	_ =	swait.ge [sflag:s23], $0x4000  }
0x487: {  	[sflag:s23] =	ssyncset.done $0x0  }
0x488: {  	[sflag:s23] =	ssyncadd.s32 $0xFFFFC000  }
0x489: {  	_ =	swait.ge [sflag:s26], $0x4000  }
0x48a: {  	[sflag:s26] =	ssyncset.done $0x0  }
0x48b: {  	[sflag:s26] =	ssyncadd.s32 $0xFFFFC000  }
0x48c: {  	_ =	swait.ge [sflag:s29], $0x4000  }
0x48d: {  	s30 =	sadd.s32 $0x1, s30;
	s31 =	rddreg [dreg:$0xb]  }
0x48e: {  	p0 =	sne.s32 s30, s31  }
.Ltmp10:
0x48f: {  	_ = 	snop;
	(pc) =	sbr.rel @p0 .LBB2_1-.Ltmp10, $3  }
0x490: {  	_ =	sdelay $0x1  }
0x491: {  	[sflag:s29] =	ssyncset.done $0x0  }
0x492: {  	s7 =	simm.s32 $0x7;
	[sflag:s29] =	ssyncadd.s32 $0xFFFFC000  }
0x493: {  	_ =	sfence.sel $0x180000  }
0x494: {  	[bflag:$0x0] =	sbarrier.arrive $0xFFFF  }
0x495: {  	_ =	strace $0x90000047  }
0x496: {  	s0 =	stileid.u32;
	[bflag:$0x2] =	sbarrier.arrive $0xFFFF  }
0x497: {  	p0 =	sne.s32 s0, $0x0;
	s0 =	rddreg [dreg:$0x3]  }
0x498: {  	s0 =	sadd.s32 @!p0 $0x100000, s0  }
0x499: {  	[sflag:s0] =	ssyncadd.tile.s32 @!p0 $0x1;
	_ =	shalt  }
.Lfunc_end2:
_tile_overlayer_lowered:
.L_overlay_start_2:
0x49a: {  	(tag) =	ssettag $0x2  }
0x49b: {  	s0 =	rddreg [dreg:$0x0];
	s2 =	stileid.u32  }
0x49c: {  	s1 =	rddreg [dreg:$0x1];
	p0 =	sne.s32 s2, $0x0  }
0x49d: {  	s3 =	rddreg [dreg:$0x2];
	[bflag:$0x3] =	sbarrier.arrive $0xFFFF;
	s2 =	simm.s32 @!p0 $0x1C07  }
0x49e: {  	[timem:s3], [sflag:s2] =	dma.local @!p0 [hbm:s0], s1  }
0x49f: {  	s0 =	simm.s32 @!p0 $0x7  }
0x4a0: {  	_ =	swait.ge @!p0 [sflag:s0], s1  }
0x4a1: {  	s1 =	ssub.s32 @!p0 $0x0, s1;
	[sflag:s0] =	ssyncset.done @!p0 $0x0  }
0x4a2: {  	[sflag:s0] =	ssyncadd.s32 @!p0 s1  }
0x4a3: {  	[bflag:$0x3] =	sbarrier.arrive $0xFFFF  }
0x4a4: {  	_ =	shalt  }

</sc_bundles>
